<compile_context>
chip_gen: v7x
topology: tpu7x:2x2x1
jax: 0.10.2.dev20260603
libtpu: 0.0.44.dev20260713+nightly
codegen_flags: <defaults>
</compile_context>

<pallas_src>
import jax
import jax.numpy as jnp
from jax import lax
from jax.experimental import pallas as pl
from jax.experimental.pallas import tpu as pltpu
from jax.experimental.pallas import tpu_sc as plsc

NUM_FEATURES = 32
BATCH = 16384

NC = 2
NS = 16
NW = NC * NS
LANES = 16

B_PER_W = BATCH // NW
N_GROUPS = B_PER_W // LANES
RING = 8


def _mf_body(u_hbm, v_hbm, ue_t, ie_t, out_hbm,
             uidx, vidx, ublk, vblk, out_v, semu, semv):
    wid = lax.axis_index("s") * NC + lax.axis_index("c")
    base = wid * B_PER_W

    for j in range(B_PER_W // 128):
        pltpu.sync_copy(u_hbm.at[pl.ds(base + j * 128, 128)], uidx.at[j])
        pltpu.sync_copy(v_hbm.at[pl.ds(base + j * 128, 128)], vidx.at[j])

    f_lo = lax.iota(jnp.int32, LANES)
    f_hi = f_lo + LANES

    def dot_one(lane_u, lane_v, slot):
        su = jnp.full((LANES,), slot, jnp.int32)
        lu = jnp.full((LANES,), lane_u, jnp.int32)
        lv = jnp.full((LANES,), lane_v, jnp.int32)
        gu_lo = plsc.load_gather(ublk, [su, f_lo, lu])
        gu_hi = plsc.load_gather(ublk, [su, f_hi, lu])
        gv_lo = plsc.load_gather(vblk, [su, f_lo, lv])
        gv_hi = plsc.load_gather(vblk, [su, f_hi, lv])
        return jnp.sum(gu_lo * gv_lo + gu_hi * gv_hi)

    def group(g, carry):
        ru = uidx[g // 8, pl.ds((g % 8) * LANES, LANES)]
        rv = vidx[g // 8, pl.ds((g % 8) * LANES, LANES)]
        acc = jnp.zeros((LANES,), jnp.float32)
        for h in range(2):
            lanes_uv = []
            copies = []
            for k in range(RING):
                l = h * RING + k
                r_u = jax.lax.index_in_dim(ru, l, axis=0, keepdims=False)
                r_v = jax.lax.index_in_dim(rv, l, axis=0, keepdims=False)
                start_u = pl.multiple_of((r_u >> 7) << 7, 128)
                start_v = pl.multiple_of((r_v >> 7) << 7, 128)
                lanes_uv.append((r_u & 127, r_v & 127))
                copies.append(pltpu.async_copy(
                    ue_t.at[:, pl.ds(start_u, 128)], ublk.at[k], semu))
                copies.append(pltpu.async_copy(
                    ie_t.at[:, pl.ds(start_v, 128)], vblk.at[k], semv))
            for c in copies:
                c.wait()
            for k, (lane_u, lane_v) in enumerate(lanes_uv):
                tot = dot_one(lane_u, lane_v, k)
                sel = f_lo == (h * RING + k)
                acc = jnp.where(sel, jnp.full((LANES,), tot), acc)
        out_v[pl.ds(g * LANES, LANES)] = acc
        return carry

    lax.fori_loop(0, N_GROUPS, group, 0)

    pltpu.sync_copy(out_v, out_hbm.at[pl.ds(base, B_PER_W)])


@jax.jit
def kernel(u, v, user_embed, item_embed):
    mesh = plsc.VectorSubcoreMesh(core_axis_name="c", subcore_axis_name="s")
    f = pl.kernel(
        _mf_body,
        out_type=jax.ShapeDtypeStruct((BATCH,), jnp.float32),
        mesh=mesh,
        scratch_types=[
            pltpu.VMEM((B_PER_W // 128, 128), jnp.int32),
            pltpu.VMEM((B_PER_W // 128, 128), jnp.int32),
            pltpu.VMEM((RING, NUM_FEATURES, 128), jnp.float32),
            pltpu.VMEM((RING, NUM_FEATURES, 128), jnp.float32),
            pltpu.VMEM((B_PER_W,), jnp.float32),
            pltpu.SemaphoreType.DMA,
            pltpu.SemaphoreType.DMA,
        ],
        compiler_params=pltpu.CompilerParams(needs_layout_passes=False),
    )
    return f(u, v, user_embed.T, item_embed.T)

# --- scband reference (transcript-rebuilt; emitter-appended) ---
"""Pipeline reference for scband-mf-56435870270030 (READ-ONLY COPY).

The authoritative reference and input builder live on the scoring server;
editing this copy changes nothing except your own understanding.
"""

import jax, jax.numpy as jnp
import numpy as np

NUM_USERS = 1000000
NUM_ITEMS = 1000000
NUM_FEATURES = 32
BATCH = 16384


def setup_inputs(seed: int = 0) -> dict:
    key = jax.random.key(seed)
    k_u, k_v, k_ue, k_ie = jax.random.split(key, 4)
    u = jax.random.randint(k_u, (BATCH,), 0, NUM_USERS, dtype=jnp.int64 if jax.config.jax_enable_x64 else jnp.int32)
    v = jax.random.randint(k_v, (BATCH,), 0, NUM_ITEMS, dtype=jnp.int64 if jax.config.jax_enable_x64 else jnp.int32)
    user_embed = jax.random.normal(k_ue, (NUM_USERS, NUM_FEATURES), dtype=jnp.float32)
    item_embed = jax.random.normal(k_ie, (NUM_ITEMS, NUM_FEATURES), dtype=jnp.float32)
    return {"u": u, "v": v, "user_embed": user_embed, "item_embed": item_embed}


def reference(u, v, user_embed, item_embed):
    # nn.Embedding lookup -> table[idx]
    ue = jnp.take(user_embed, u, axis=0)
    ve = jnp.take(item_embed, v, axis=0)
    return (ue * ve).sum(axis=1)

if __name__ == "__main__":
    import jax
    _d = setup_inputs()
    print(jax.jit(kernel)(*tuple(_d.values())))

</pallas_src>

<mosaic_0001>
#map = affine_map<(d0, d1) -> (0)>
#map1 = affine_map<(d0, d1) -> (0, 0)>
module attributes {stable_mosaic.version = 14 : i64} {
  func.func @_mf_body(%arg0: i32, %arg1: i32, %arg2: memref<16384xi32, #tpu.memory_space<hbm>>, %arg3: memref<16384xi32, #tpu.memory_space<hbm>>, %arg4: memref<32x1000000xf32, #tpu.memory_space<hbm>>, %arg5: memref<32x1000000xf32, #tpu.memory_space<hbm>>, %arg6: memref<16384xf32, #tpu.memory_space<hbm>>, %arg7: memref<4x128xi32, #tpu.memory_space<vmem>>, %arg8: memref<4x128xi32, #tpu.memory_space<vmem>>, %arg9: memref<8x32x128xf32, #tpu.memory_space<vmem>>, %arg10: memref<8x32x128xf32, #tpu.memory_space<vmem>>, %arg11: memref<512xf32, #tpu.memory_space<vmem>>, %arg12: memref<!tpu.dma_semaphore, #tpu.memory_space<semaphore_mem>>, %arg13: memref<!tpu.dma_semaphore, #tpu.memory_space<semaphore_mem>>) attributes {dimension_semantics = [#tpu.dimension_semantics<core_parallel>, #tpu.dimension_semantics<subcore_parallel>], iteration_bounds = array<i64: 2, 16>, scalar_prefetch = 0 : i64, scratch_operands = 7 : i64, tpu.core_type = #tpu.core_type<sc_vector_subcore>, window_params = [{transform_indices = #map}, {transform_indices = #map}, {transform_indices = #map1}, {transform_indices = #map1}, {transform_indices = #map}]} {
    %mul3A = arith.constant 2 : i32
    %mul3A_0 = arith.muli %arg1, %mul3A : i32
    %add3A = arith.addi %mul3A_0, %arg0 : i32
    %mul3A_1 = arith.constant 512 : i32
    %mul3A_2 = arith.muli %add3A, %mul3A_1 : i32
    %add3A_3 = arith.constant 0 : i32
    %add3A_4 = arith.addi %mul3A_2, %add3A_3 : i32
    %run_scoped3A = arith.constant 0 : i32
    "tpu.region"() ({
      %run_scoped3A_34 = tpu.sem_alloc : memref<!tpu.dma_semaphore, #tpu.memory_space<semaphore_mem>>
      %dma_start3A = arith.constant 0 : i32
      %dma_start3A_35 = tpu.memref_slice %arg7[%run_scoped3A, %dma_start3A] : memref<4x128xi32, #tpu.memory_space<vmem>> -> memref<1x128xi32, #tpu.memory_space<vmem>>
      %dma_start3A_36 = tpu.memref_squeeze %dma_start3A_35 : memref<1x128xi32, #tpu.memory_space<vmem>> -> memref<128xi32, #tpu.memory_space<vmem>>
      %dma_start3A_37 = tpu.memref_slice %arg2[%add3A_4] : memref<16384xi32, #tpu.memory_space<hbm>> -> memref<128xi32, #tpu.memory_space<hbm>>
      %dma_start3A_38 = arith.constant 0 : i32
      %dma_start3A_39 = tpu.memref_slice %arg7[%run_scoped3A, %dma_start3A_38] : memref<4x128xi32, #tpu.memory_space<vmem>> -> memref<1x128xi32, #tpu.memory_space<vmem>>
      %dma_start3A_40 = tpu.memref_squeeze %dma_start3A_39 : memref<1x128xi32, #tpu.memory_space<vmem>> -> memref<128xi32, #tpu.memory_space<vmem>>
      %dma_start3A_41 = tpu.memref_slice %arg2[%add3A_4] : memref<16384xi32, #tpu.memory_space<hbm>> -> memref<128xi32, #tpu.memory_space<hbm>>
      tpu.enqueue_dma source(%dma_start3A_41 : memref<128xi32, #tpu.memory_space<hbm>>) target(%dma_start3A_40 : memref<128xi32, #tpu.memory_space<vmem>>) target_semaphore(%run_scoped3A_34 : memref<!tpu.dma_semaphore, #tpu.memory_space<semaphore_mem>>)
      %dma_wait3A = arith.constant 0 : i32
      %dma_wait3A_42 = tpu.memref_slice %arg7[%run_scoped3A, %dma_wait3A] : memref<4x128xi32, #tpu.memory_space<vmem>> -> memref<1x128xi32, #tpu.memory_space<vmem>>
      %dma_wait3A_43 = tpu.memref_squeeze %dma_wait3A_42 : memref<1x128xi32, #tpu.memory_space<vmem>> -> memref<128xi32, #tpu.memory_space<vmem>>
      %dma_wait3A_44 = tpu.memref_slice %arg2[%add3A_4] : memref<16384xi32, #tpu.memory_space<hbm>> -> memref<128xi32, #tpu.memory_space<hbm>>
      %dma_wait3A_45 = arith.constant 0 : i32
      %dma_wait3A_46 = tpu.memref_slice %arg7[%run_scoped3A, %dma_wait3A_45] : memref<4x128xi32, #tpu.memory_space<vmem>> -> memref<1x128xi32, #tpu.memory_space<vmem>>
      %dma_wait3A_47 = tpu.memref_squeeze %dma_wait3A_46 : memref<1x128xi32, #tpu.memory_space<vmem>> -> memref<128xi32, #tpu.memory_space<vmem>>
      %dma_wait3A_48 = tpu.memref_slice %arg2[%add3A_4] : memref<16384xi32, #tpu.memory_space<hbm>> -> memref<128xi32, #tpu.memory_space<hbm>>
      tpu.wait_dma2 semaphore(%run_scoped3A_34 : memref<!tpu.dma_semaphore, #tpu.memory_space<semaphore_mem>>) src(%dma_wait3A_48 : memref<128xi32, #tpu.memory_space<hbm>>) dst(%dma_wait3A_47 : memref<128xi32, #tpu.memory_space<vmem>>)
      tpu.yield
    }) : () -> ()
    %add3A_5 = arith.constant 0 : i32
    %add3A_6 = arith.addi %mul3A_2, %add3A_5 : i32
    %run_scoped3A_7 = arith.constant 0 : i32
    "tpu.region"() ({
      %run_scoped3A_34 = tpu.sem_alloc : memref<!tpu.dma_semaphore, #tpu.memory_space<semaphore_mem>>
      %dma_start3A = arith.constant 0 : i32
      %dma_start3A_35 = tpu.memref_slice %arg8[%run_scoped3A_7, %dma_start3A] : memref<4x128xi32, #tpu.memory_space<vmem>> -> memref<1x128xi32, #tpu.memory_space<vmem>>
      %dma_start3A_36 = tpu.memref_squeeze %dma_start3A_35 : memref<1x128xi32, #tpu.memory_space<vmem>> -> memref<128xi32, #tpu.memory_space<vmem>>
      %dma_start3A_37 = tpu.memref_slice %arg3[%add3A_6] : memref<16384xi32, #tpu.memory_space<hbm>> -> memref<128xi32, #tpu.memory_space<hbm>>
      %dma_start3A_38 = arith.constant 0 : i32
      %dma_start3A_39 = tpu.memref_slice %arg8[%run_scoped3A_7, %dma_start3A_38] : memref<4x128xi32, #tpu.memory_space<vmem>> -> memref<1x128xi32, #tpu.memory_space<vmem>>
      %dma_start3A_40 = tpu.memref_squeeze %dma_start3A_39 : memref<1x128xi32, #tpu.memory_space<vmem>> -> memref<128xi32, #tpu.memory_space<vmem>>
      %dma_start3A_41 = tpu.memref_slice %arg3[%add3A_6] : memref<16384xi32, #tpu.memory_space<hbm>> -> memref<128xi32, #tpu.memory_space<hbm>>
      tpu.enqueue_dma source(%dma_start3A_41 : memref<128xi32, #tpu.memory_space<hbm>>) target(%dma_start3A_40 : memref<128xi32, #tpu.memory_space<vmem>>) target_semaphore(%run_scoped3A_34 : memref<!tpu.dma_semaphore, #tpu.memory_space<semaphore_mem>>)
      %dma_wait3A = arith.constant 0 : i32
      %dma_wait3A_42 = tpu.memref_slice %arg8[%run_scoped3A_7, %dma_wait3A] : memref<4x128xi32, #tpu.memory_space<vmem>> -> memref<1x128xi32, #tpu.memory_space<vmem>>
      %dma_wait3A_43 = tpu.memref_squeeze %dma_wait3A_42 : memref<1x128xi32, #tpu.memory_space<vmem>> -> memref<128xi32, #tpu.memory_space<vmem>>
      %dma_wait3A_44 = tpu.memref_slice %arg3[%add3A_6] : memref<16384xi32, #tpu.memory_space<hbm>> -> memref<128xi32, #tpu.memory_space<hbm>>
      %dma_wait3A_45 = arith.constant 0 : i32
      %dma_wait3A_46 = tpu.memref_slice %arg8[%run_scoped3A_7, %dma_wait3A_45] : memref<4x128xi32, #tpu.memory_space<vmem>> -> memref<1x128xi32, #tpu.memory_space<vmem>>
      %dma_wait3A_47 = tpu.memref_squeeze %dma_wait3A_46 : memref<1x128xi32, #tpu.memory_space<vmem>> -> memref<128xi32, #tpu.memory_space<vmem>>
      %dma_wait3A_48 = tpu.memref_slice %arg3[%add3A_6] : memref<16384xi32, #tpu.memory_space<hbm>> -> memref<128xi32, #tpu.memory_space<hbm>>
      tpu.wait_dma2 semaphore(%run_scoped3A_34 : memref<!tpu.dma_semaphore, #tpu.memory_space<semaphore_mem>>) src(%dma_wait3A_48 : memref<128xi32, #tpu.memory_space<hbm>>) dst(%dma_wait3A_47 : memref<128xi32, #tpu.memory_space<vmem>>)
      tpu.yield
    }) : () -> ()
    %add3A_8 = arith.constant 128 : i32
    %add3A_9 = arith.addi %mul3A_2, %add3A_8 : i32
    %run_scoped3A_10 = arith.constant 1 : i32
    "tpu.region"() ({
      %run_scoped3A_34 = tpu.sem_alloc : memref<!tpu.dma_semaphore, #tpu.memory_space<semaphore_mem>>
      %dma_start3A = arith.constant 0 : i32
      %dma_start3A_35 = tpu.memref_slice %arg7[%run_scoped3A_10, %dma_start3A] : memref<4x128xi32, #tpu.memory_space<vmem>> -> memref<1x128xi32, #tpu.memory_space<vmem>>
      %dma_start3A_36 = tpu.memref_squeeze %dma_start3A_35 : memref<1x128xi32, #tpu.memory_space<vmem>> -> memref<128xi32, #tpu.memory_space<vmem>>
      %dma_start3A_37 = tpu.memref_slice %arg2[%add3A_9] : memref<16384xi32, #tpu.memory_space<hbm>> -> memref<128xi32, #tpu.memory_space<hbm>>
      %dma_start3A_38 = arith.constant 0 : i32
      %dma_start3A_39 = tpu.memref_slice %arg7[%run_scoped3A_10, %dma_start3A_38] : memref<4x128xi32, #tpu.memory_space<vmem>> -> memref<1x128xi32, #tpu.memory_space<vmem>>
      %dma_start3A_40 = tpu.memref_squeeze %dma_start3A_39 : memref<1x128xi32, #tpu.memory_space<vmem>> -> memref<128xi32, #tpu.memory_space<vmem>>
      %dma_start3A_41 = tpu.memref_slice %arg2[%add3A_9] : memref<16384xi32, #tpu.memory_space<hbm>> -> memref<128xi32, #tpu.memory_space<hbm>>
      tpu.enqueue_dma source(%dma_start3A_41 : memref<128xi32, #tpu.memory_space<hbm>>) target(%dma_start3A_40 : memref<128xi32, #tpu.memory_space<vmem>>) target_semaphore(%run_scoped3A_34 : memref<!tpu.dma_semaphore, #tpu.memory_space<semaphore_mem>>)
      %dma_wait3A = arith.constant 0 : i32
      %dma_wait3A_42 = tpu.memref_slice %arg7[%run_scoped3A_10, %dma_wait3A] : memref<4x128xi32, #tpu.memory_space<vmem>> -> memref<1x128xi32, #tpu.memory_space<vmem>>
      %dma_wait3A_43 = tpu.memref_squeeze %dma_wait3A_42 : memref<1x128xi32, #tpu.memory_space<vmem>> -> memref<128xi32, #tpu.memory_space<vmem>>
      %dma_wait3A_44 = tpu.memref_slice %arg2[%add3A_9] : memref<16384xi32, #tpu.memory_space<hbm>> -> memref<128xi32, #tpu.memory_space<hbm>>
      %dma_wait3A_45 = arith.constant 0 : i32
      %dma_wait3A_46 = tpu.memref_slice %arg7[%run_scoped3A_10, %dma_wait3A_45] : memref<4x128xi32, #tpu.memory_space<vmem>> -> memref<1x128xi32, #tpu.memory_space<vmem>>
      %dma_wait3A_47 = tpu.memref_squeeze %dma_wait3A_46 : memref<1x128xi32, #tpu.memory_space<vmem>> -> memref<128xi32, #tpu.memory_space<vmem>>
      %dma_wait3A_48 = tpu.memref_slice %arg2[%add3A_9] : memref<16384xi32, #tpu.memory_space<hbm>> -> memref<128xi32, #tpu.memory_space<hbm>>
      tpu.wait_dma2 semaphore(%run_scoped3A_34 : memref<!tpu.dma_semaphore, #tpu.memory_space<semaphore_mem>>) src(%dma_wait3A_48 : memref<128xi32, #tpu.memory_space<hbm>>) dst(%dma_wait3A_47 : memref<128xi32, #tpu.memory_space<vmem>>)
      tpu.yield
    }) : () -> ()
    %add3A_11 = arith.constant 128 : i32
    %add3A_12 = arith.addi %mul3A_2, %add3A_11 : i32
    %run_scoped3A_13 = arith.constant 1 : i32
    "tpu.region"() ({
      %run_scoped3A_34 = tpu.sem_alloc : memref<!tpu.dma_semaphore, #tpu.memory_space<semaphore_mem>>
      %dma_start3A = arith.constant 0 : i32
      %dma_start3A_35 = tpu.memref_slice %arg8[%run_scoped3A_13, %dma_start3A] : memref<4x128xi32, #tpu.memory_space<vmem>> -> memref<1x128xi32, #tpu.memory_space<vmem>>
      %dma_start3A_36 = tpu.memref_squeeze %dma_start3A_35 : memref<1x128xi32, #tpu.memory_space<vmem>> -> memref<128xi32, #tpu.memory_space<vmem>>
      %dma_start3A_37 = tpu.memref_slice %arg3[%add3A_12] : memref<16384xi32, #tpu.memory_space<hbm>> -> memref<128xi32, #tpu.memory_space<hbm>>
      %dma_start3A_38 = arith.constant 0 : i32
      %dma_start3A_39 = tpu.memref_slice %arg8[%run_scoped3A_13, %dma_start3A_38] : memref<4x128xi32, #tpu.memory_space<vmem>> -> memref<1x128xi32, #tpu.memory_space<vmem>>
      %dma_start3A_40 = tpu.memref_squeeze %dma_start3A_39 : memref<1x128xi32, #tpu.memory_space<vmem>> -> memref<128xi32, #tpu.memory_space<vmem>>
      %dma_start3A_41 = tpu.memref_slice %arg3[%add3A_12] : memref<16384xi32, #tpu.memory_space<hbm>> -> memref<128xi32, #tpu.memory_space<hbm>>
      tpu.enqueue_dma source(%dma_start3A_41 : memref<128xi32, #tpu.memory_space<hbm>>) target(%dma_start3A_40 : memref<128xi32, #tpu.memory_space<vmem>>) target_semaphore(%run_scoped3A_34 : memref<!tpu.dma_semaphore, #tpu.memory_space<semaphore_mem>>)
      %dma_wait3A = arith.constant 0 : i32
      %dma_wait3A_42 = tpu.memref_slice %arg8[%run_scoped3A_13, %dma_wait3A] : memref<4x128xi32, #tpu.memory_space<vmem>> -> memref<1x128xi32, #tpu.memory_space<vmem>>
      %dma_wait3A_43 = tpu.memref_squeeze %dma_wait3A_42 : memref<1x128xi32, #tpu.memory_space<vmem>> -> memref<128xi32, #tpu.memory_space<vmem>>
      %dma_wait3A_44 = tpu.memref_slice %arg3[%add3A_12] : memref<16384xi32, #tpu.memory_space<hbm>> -> memref<128xi32, #tpu.memory_space<hbm>>
      %dma_wait3A_45 = arith.constant 0 : i32
      %dma_wait3A_46 = tpu.memref_slice %arg8[%run_scoped3A_13, %dma_wait3A_45] : memref<4x128xi32, #tpu.memory_space<vmem>> -> memref<1x128xi32, #tpu.memory_space<vmem>>
      %dma_wait3A_47 = tpu.memref_squeeze %dma_wait3A_46 : memref<1x128xi32, #tpu.memory_space<vmem>> -> memref<128xi32, #tpu.memory_space<vmem>>
      %dma_wait3A_48 = tpu.memref_slice %arg3[%add3A_12] : memref<16384xi32, #tpu.memory_space<hbm>> -> memref<128xi32, #tpu.memory_space<hbm>>
      tpu.wait_dma2 semaphore(%run_scoped3A_34 : memref<!tpu.dma_semaphore, #tpu.memory_space<semaphore_mem>>) src(%dma_wait3A_48 : memref<128xi32, #tpu.memory_space<hbm>>) dst(%dma_wait3A_47 : memref<128xi32, #tpu.memory_space<vmem>>)
      tpu.yield
    }) : () -> ()
    %add3A_14 = arith.constant 256 : i32
    %add3A_15 = arith.addi %mul3A_2, %add3A_14 : i32
    %run_scoped3A_16 = arith.constant 2 : i32
    "tpu.region"() ({
      %run_scoped3A_34 = tpu.sem_alloc : memref<!tpu.dma_semaphore, #tpu.memory_space<semaphore_mem>>
      %dma_start3A = arith.constant 0 : i32
      %dma_start3A_35 = tpu.memref_slice %arg7[%run_scoped3A_16, %dma_start3A] : memref<4x128xi32, #tpu.memory_space<vmem>> -> memref<1x128xi32, #tpu.memory_space<vmem>>
      %dma_start3A_36 = tpu.memref_squeeze %dma_start3A_35 : memref<1x128xi32, #tpu.memory_space<vmem>> -> memref<128xi32, #tpu.memory_space<vmem>>
      %dma_start3A_37 = tpu.memref_slice %arg2[%add3A_15] : memref<16384xi32, #tpu.memory_space<hbm>> -> memref<128xi32, #tpu.memory_space<hbm>>
      %dma_start3A_38 = arith.constant 0 : i32
      %dma_start3A_39 = tpu.memref_slice %arg7[%run_scoped3A_16, %dma_start3A_38] : memref<4x128xi32, #tpu.memory_space<vmem>> -> memref<1x128xi32, #tpu.memory_space<vmem>>
      %dma_start3A_40 = tpu.memref_squeeze %dma_start3A_39 : memref<1x128xi32, #tpu.memory_space<vmem>> -> memref<128xi32, #tpu.memory_space<vmem>>
      %dma_start3A_41 = tpu.memref_slice %arg2[%add3A_15] : memref<16384xi32, #tpu.memory_space<hbm>> -> memref<128xi32, #tpu.memory_space<hbm>>
      tpu.enqueue_dma source(%dma_start3A_41 : memref<128xi32, #tpu.memory_space<hbm>>) target(%dma_start3A_40 : memref<128xi32, #tpu.memory_space<vmem>>) target_semaphore(%run_scoped3A_34 : memref<!tpu.dma_semaphore, #tpu.memory_space<semaphore_mem>>)
      %dma_wait3A = arith.constant 0 : i32
      %dma_wait3A_42 = tpu.memref_slice %arg7[%run_scoped3A_16, %dma_wait3A] : memref<4x128xi32, #tpu.memory_space<vmem>> -> memref<1x128xi32, #tpu.memory_space<vmem>>
      %dma_wait3A_43 = tpu.memref_squeeze %dma_wait3A_42 : memref<1x128xi32, #tpu.memory_space<vmem>> -> memref<128xi32, #tpu.memory_space<vmem>>
      %dma_wait3A_44 = tpu.memref_slice %arg2[%add3A_15] : memref<16384xi32, #tpu.memory_space<hbm>> -> memref<128xi32, #tpu.memory_space<hbm>>
      %dma_wait3A_45 = arith.constant 0 : i32
      %dma_wait3A_46 = tpu.memref_slice %arg7[%run_scoped3A_16, %dma_wait3A_45] : memref<4x128xi32, #tpu.memory_space<vmem>> -> memref<1x128xi32, #tpu.memory_space<vmem>>
      %dma_wait3A_47 = tpu.memref_squeeze %dma_wait3A_46 : memref<1x128xi32, #tpu.memory_space<vmem>> -> memref<128xi32, #tpu.memory_space<vmem>>
      %dma_wait3A_48 = tpu.memref_slice %arg2[%add3A_15] : memref<16384xi32, #tpu.memory_space<hbm>> -> memref<128xi32, #tpu.memory_space<hbm>>
      tpu.wait_dma2 semaphore(%run_scoped3A_34 : memref<!tpu.dma_semaphore, #tpu.memory_space<semaphore_mem>>) src(%dma_wait3A_48 : memref<128xi32, #tpu.memory_space<hbm>>) dst(%dma_wait3A_47 : memref<128xi32, #tpu.memory_space<vmem>>)
      tpu.yield
    }) : () -> ()
    %add3A_17 = arith.constant 256 : i32
    %add3A_18 = arith.addi %mul3A_2, %add3A_17 : i32
    %run_scoped3A_19 = arith.constant 2 : i32
    "tpu.region"() ({
      %run_scoped3A_34 = tpu.sem_alloc : memref<!tpu.dma_semaphore, #tpu.memory_space<semaphore_mem>>
      %dma_start3A = arith.constant 0 : i32
      %dma_start3A_35 = tpu.memref_slice %arg8[%run_scoped3A_19, %dma_start3A] : memref<4x128xi32, #tpu.memory_space<vmem>> -> memref<1x128xi32, #tpu.memory_space<vmem>>
      %dma_start3A_36 = tpu.memref_squeeze %dma_start3A_35 : memref<1x128xi32, #tpu.memory_space<vmem>> -> memref<128xi32, #tpu.memory_space<vmem>>
      %dma_start3A_37 = tpu.memref_slice %arg3[%add3A_18] : memref<16384xi32, #tpu.memory_space<hbm>> -> memref<128xi32, #tpu.memory_space<hbm>>
      %dma_start3A_38 = arith.constant 0 : i32
      %dma_start3A_39 = tpu.memref_slice %arg8[%run_scoped3A_19, %dma_start3A_38] : memref<4x128xi32, #tpu.memory_space<vmem>> -> memref<1x128xi32, #tpu.memory_space<vmem>>
      %dma_start3A_40 = tpu.memref_squeeze %dma_start3A_39 : memref<1x128xi32, #tpu.memory_space<vmem>> -> memref<128xi32, #tpu.memory_space<vmem>>
      %dma_start3A_41 = tpu.memref_slice %arg3[%add3A_18] : memref<16384xi32, #tpu.memory_space<hbm>> -> memref<128xi32, #tpu.memory_space<hbm>>
      tpu.enqueue_dma source(%dma_start3A_41 : memref<128xi32, #tpu.memory_space<hbm>>) target(%dma_start3A_40 : memref<128xi32, #tpu.memory_space<vmem>>) target_semaphore(%run_scoped3A_34 : memref<!tpu.dma_semaphore, #tpu.memory_space<semaphore_mem>>)
      %dma_wait3A = arith.constant 0 : i32
      %dma_wait3A_42 = tpu.memref_slice %arg8[%run_scoped3A_19, %dma_wait3A] : memref<4x128xi32, #tpu.memory_space<vmem>> -> memref<1x128xi32, #tpu.memory_space<vmem>>
      %dma_wait3A_43 = tpu.memref_squeeze %dma_wait3A_42 : memref<1x128xi32, #tpu.memory_space<vmem>> -> memref<128xi32, #tpu.memory_space<vmem>>
      %dma_wait3A_44 = tpu.memref_slice %arg3[%add3A_18] : memref<16384xi32, #tpu.memory_space<hbm>> -> memref<128xi32, #tpu.memory_space<hbm>>
      %dma_wait3A_45 = arith.constant 0 : i32
      %dma_wait3A_46 = tpu.memref_slice %arg8[%run_scoped3A_19, %dma_wait3A_45] : memref<4x128xi32, #tpu.memory_space<vmem>> -> memref<1x128xi32, #tpu.memory_space<vmem>>
      %dma_wait3A_47 = tpu.memref_squeeze %dma_wait3A_46 : memref<1x128xi32, #tpu.memory_space<vmem>> -> memref<128xi32, #tpu.memory_space<vmem>>
      %dma_wait3A_48 = tpu.memref_slice %arg3[%add3A_18] : memref<16384xi32, #tpu.memory_space<hbm>> -> memref<128xi32, #tpu.memory_space<hbm>>
      tpu.wait_dma2 semaphore(%run_scoped3A_34 : memref<!tpu.dma_semaphore, #tpu.memory_space<semaphore_mem>>) src(%dma_wait3A_48 : memref<128xi32, #tpu.memory_space<hbm>>) dst(%dma_wait3A_47 : memref<128xi32, #tpu.memory_space<vmem>>)
      tpu.yield
    }) : () -> ()
    %add3A_20 = arith.constant 384 : i32
    %add3A_21 = arith.addi %mul3A_2, %add3A_20 : i32
    %run_scoped3A_22 = arith.constant 3 : i32
    "tpu.region"() ({
      %run_scoped3A_34 = tpu.sem_alloc : memref<!tpu.dma_semaphore, #tpu.memory_space<semaphore_mem>>
      %dma_start3A = arith.constant 0 : i32
      %dma_start3A_35 = tpu.memref_slice %arg7[%run_scoped3A_22, %dma_start3A] : memref<4x128xi32, #tpu.memory_space<vmem>> -> memref<1x128xi32, #tpu.memory_space<vmem>>
      %dma_start3A_36 = tpu.memref_squeeze %dma_start3A_35 : memref<1x128xi32, #tpu.memory_space<vmem>> -> memref<128xi32, #tpu.memory_space<vmem>>
      %dma_start3A_37 = tpu.memref_slice %arg2[%add3A_21] : memref<16384xi32, #tpu.memory_space<hbm>> -> memref<128xi32, #tpu.memory_space<hbm>>
      %dma_start3A_38 = arith.constant 0 : i32
      %dma_start3A_39 = tpu.memref_slice %arg7[%run_scoped3A_22, %dma_start3A_38] : memref<4x128xi32, #tpu.memory_space<vmem>> -> memref<1x128xi32, #tpu.memory_space<vmem>>
      %dma_start3A_40 = tpu.memref_squeeze %dma_start3A_39 : memref<1x128xi32, #tpu.memory_space<vmem>> -> memref<128xi32, #tpu.memory_space<vmem>>
      %dma_start3A_41 = tpu.memref_slice %arg2[%add3A_21] : memref<16384xi32, #tpu.memory_space<hbm>> -> memref<128xi32, #tpu.memory_space<hbm>>
      tpu.enqueue_dma source(%dma_start3A_41 : memref<128xi32, #tpu.memory_space<hbm>>) target(%dma_start3A_40 : memref<128xi32, #tpu.memory_space<vmem>>) target_semaphore(%run_scoped3A_34 : memref<!tpu.dma_semaphore, #tpu.memory_space<semaphore_mem>>)
      %dma_wait3A = arith.constant 0 : i32
      %dma_wait3A_42 = tpu.memref_slice %arg7[%run_scoped3A_22, %dma_wait3A] : memref<4x128xi32, #tpu.memory_space<vmem>> -> memref<1x128xi32, #tpu.memory_space<vmem>>
      %dma_wait3A_43 = tpu.memref_squeeze %dma_wait3A_42 : memref<1x128xi32, #tpu.memory_space<vmem>> -> memref<128xi32, #tpu.memory_space<vmem>>
      %dma_wait3A_44 = tpu.memref_slice %arg2[%add3A_21] : memref<16384xi32, #tpu.memory_space<hbm>> -> memref<128xi32, #tpu.memory_space<hbm>>
      %dma_wait3A_45 = arith.constant 0 : i32
      %dma_wait3A_46 = tpu.memref_slice %arg7[%run_scoped3A_22, %dma_wait3A_45] : memref<4x128xi32, #tpu.memory_space<vmem>> -> memref<1x128xi32, #tpu.memory_space<vmem>>
      %dma_wait3A_47 = tpu.memref_squeeze %dma_wait3A_46 : memref<1x128xi32, #tpu.memory_space<vmem>> -> memref<128xi32, #tpu.memory_space<vmem>>
      %dma_wait3A_48 = tpu.memref_slice %arg2[%add3A_21] : memref<16384xi32, #tpu.memory_space<hbm>> -> memref<128xi32, #tpu.memory_space<hbm>>
      tpu.wait_dma2 semaphore(%run_scoped3A_34 : memref<!tpu.dma_semaphore, #tpu.memory_space<semaphore_mem>>) src(%dma_wait3A_48 : memref<128xi32, #tpu.memory_space<hbm>>) dst(%dma_wait3A_47 : memref<128xi32, #tpu.memory_space<vmem>>)
      tpu.yield
    }) : () -> ()
    %add3A_23 = arith.constant 384 : i32
    %add3A_24 = arith.addi %mul3A_2, %add3A_23 : i32
    %run_scoped3A_25 = arith.constant 3 : i32
    "tpu.region"() ({
      %run_scoped3A_34 = tpu.sem_alloc : memref<!tpu.dma_semaphore, #tpu.memory_space<semaphore_mem>>
      %dma_start3A = arith.constant 0 : i32
      %dma_start3A_35 = tpu.memref_slice %arg8[%run_scoped3A_25, %dma_start3A] : memref<4x128xi32, #tpu.memory_space<vmem>> -> memref<1x128xi32, #tpu.memory_space<vmem>>
      %dma_start3A_36 = tpu.memref_squeeze %dma_start3A_35 : memref<1x128xi32, #tpu.memory_space<vmem>> -> memref<128xi32, #tpu.memory_space<vmem>>
      %dma_start3A_37 = tpu.memref_slice %arg3[%add3A_24] : memref<16384xi32, #tpu.memory_space<hbm>> -> memref<128xi32, #tpu.memory_space<hbm>>
      %dma_start3A_38 = arith.constant 0 : i32
      %dma_start3A_39 = tpu.memref_slice %arg8[%run_scoped3A_25, %dma_start3A_38] : memref<4x128xi32, #tpu.memory_space<vmem>> -> memref<1x128xi32, #tpu.memory_space<vmem>>
      %dma_start3A_40 = tpu.memref_squeeze %dma_start3A_39 : memref<1x128xi32, #tpu.memory_space<vmem>> -> memref<128xi32, #tpu.memory_space<vmem>>
      %dma_start3A_41 = tpu.memref_slice %arg3[%add3A_24] : memref<16384xi32, #tpu.memory_space<hbm>> -> memref<128xi32, #tpu.memory_space<hbm>>
      tpu.enqueue_dma source(%dma_start3A_41 : memref<128xi32, #tpu.memory_space<hbm>>) target(%dma_start3A_40 : memref<128xi32, #tpu.memory_space<vmem>>) target_semaphore(%run_scoped3A_34 : memref<!tpu.dma_semaphore, #tpu.memory_space<semaphore_mem>>)
      %dma_wait3A = arith.constant 0 : i32
      %dma_wait3A_42 = tpu.memref_slice %arg8[%run_scoped3A_25, %dma_wait3A] : memref<4x128xi32, #tpu.memory_space<vmem>> -> memref<1x128xi32, #tpu.memory_space<vmem>>
      %dma_wait3A_43 = tpu.memref_squeeze %dma_wait3A_42 : memref<1x128xi32, #tpu.memory_space<vmem>> -> memref<128xi32, #tpu.memory_space<vmem>>
      %dma_wait3A_44 = tpu.memref_slice %arg3[%add3A_24] : memref<16384xi32, #tpu.memory_space<hbm>> -> memref<128xi32, #tpu.memory_space<hbm>>
      %dma_wait3A_45 = arith.constant 0 : i32
      %dma_wait3A_46 = tpu.memref_slice %arg8[%run_scoped3A_25, %dma_wait3A_45] : memref<4x128xi32, #tpu.memory_space<vmem>> -> memref<1x128xi32, #tpu.memory_space<vmem>>
      %dma_wait3A_47 = tpu.memref_squeeze %dma_wait3A_46 : memref<1x128xi32, #tpu.memory_space<vmem>> -> memref<128xi32, #tpu.memory_space<vmem>>
      %dma_wait3A_48 = tpu.memref_slice %arg3[%add3A_24] : memref<16384xi32, #tpu.memory_space<hbm>> -> memref<128xi32, #tpu.memory_space<hbm>>
      tpu.wait_dma2 semaphore(%run_scoped3A_34 : memref<!tpu.dma_semaphore, #tpu.memory_space<semaphore_mem>>) src(%dma_wait3A_48 : memref<128xi32, #tpu.memory_space<hbm>>) dst(%dma_wait3A_47 : memref<128xi32, #tpu.memory_space<vmem>>)
      tpu.yield
    }) : () -> ()
    %iota3A = tpu.iota {dimensions = array<i32: 0>} : vector<16xi32>
    %add3A_26 = arith.constant 16 : i32
    %add3A_27 = vector.broadcast %add3A_26 : i32 to vector<16xi32>
    %add3A_28 = arith.addi %iota3A, %add3A_27 : vector<16xi32>
    %scan3A = arith.constant 0 : i32
    %scan3A_29 = arith.constant 0 : i32
    %scan3A_30 = arith.constant 32 : i32
    %scan3A_31 = arith.addi %scan3A_29, %scan3A_30 : i32
    %scan3A_32 = arith.constant 1 : i32
    scf.for %scan3A_34 = %scan3A_29 to %scan3A_31 step %scan3A_32  : i32 {
      %jit3A = arith.constant 8 : i32
      %div3A = arith.divsi %scan3A_34, %jit3A : i32
      %sign3A = arith.constant 0 : i32
      %sign3A_35 = arith.cmpi sgt, %scan3A_34, %sign3A : i32
      %sign3A_36 = arith.extui %sign3A_35 : i1 to i32
      %sign3A_37 = arith.constant 0 : i32
      %sign3A_38 = arith.cmpi slt, %scan3A_34, %sign3A_37 : i32
      %sign3A_39 = arith.extui %sign3A_38 : i1 to i32
      %sign3A_40 = arith.subi %sign3A_36, %sign3A_39 : i32
      %sign3A_41 = arith.constant 0 : i32
      %sign3A_42 = arith.cmpi sgt, %jit3A, %sign3A_41 : i32
      %sign3A_43 = arith.extui %sign3A_42 : i1 to i32
      %sign3A_44 = arith.constant 0 : i32
      %sign3A_45 = arith.cmpi slt, %jit3A, %sign3A_44 : i32
      %sign3A_46 = arith.extui %sign3A_45 : i1 to i32
      %sign3A_47 = arith.subi %sign3A_43, %sign3A_46 : i32
      %ne3A = arith.cmpi ne, %sign3A_40, %sign3A_47 : i32
      %rem3A = arith.remsi %scan3A_34, %jit3A : i32
      %ne3A_48 = arith.constant 0 : i32
      %ne3A_49 = arith.cmpi ne, %rem3A, %ne3A_48 : i32
      %and3A = arith.andi %ne3A, %ne3A_49 : i1
      %sub3A = arith.constant 1 : i32
      %sub3A_50 = arith.subi %div3A, %sub3A : i32
      %select_n3A = arith.select %and3A, %sub3A_50, %div3A : i32
      %jit3A_51 = arith.constant 8 : i32
      %eq3A = arith.constant 0 : i32
      %eq3A_52 = arith.cmpi eq, %jit3A_51, %eq3A : i32
      %jit3A_53 = arith.constant 1 : i32
      %select_n3A_54 = arith.select %eq3A_52, %jit3A_53, %jit3A_51 : i32
      %rem3A_55 = arith.remsi %scan3A_34, %select_n3A_54 : i32
      %ne3A_56 = arith.constant 0 : i32
      %ne3A_57 = arith.cmpi ne, %rem3A_55, %ne3A_56 : i32
      %lt3A = arith.constant 0 : i32
      %lt3A_58 = arith.cmpi slt, %rem3A_55, %lt3A : i32
      %lt3A_59 = arith.constant 0 : i32
      %lt3A_60 = arith.cmpi slt, %select_n3A_54, %lt3A_59 : i32
      %ne3A_61 = arith.xori %lt3A_58, %lt3A_60 : i1
      %and3A_62 = arith.andi %ne3A_61, %ne3A_57 : i1
      %add3A_63 = arith.addi %rem3A_55, %select_n3A_54 : i32
      %select_n3A_64 = arith.select %and3A_62, %add3A_63, %rem3A_55 : i32
      %mul3A_65 = arith.constant 16 : i32
      %mul3A_66 = arith.muli %select_n3A_64, %mul3A_65 : i32
      %get3A = arith.index_cast %select_n3A : i32 to index
      %get3A_67 = arith.index_cast %mul3A_66 : i32 to index
      %get3A_68 = tpu.vector_load %arg7[%get3A, %get3A_67] {strides = array<i32>} : memref<4x128xi32, #tpu.memory_space<vmem>>, vector<16xi32>,
      %jit3A_69 = arith.constant 8 : i32
      %div3A_70 = arith.divsi %scan3A_34, %jit3A_69 : i32
      %sign3A_71 = arith.constant 0 : i32
      %sign3A_72 = arith.cmpi sgt, %scan3A_34, %sign3A_71 : i32
      %sign3A_73 = arith.extui %sign3A_72 : i1 to i32
      %sign3A_74 = arith.constant 0 : i32
      %sign3A_75 = arith.cmpi slt, %scan3A_34, %sign3A_74 : i32
      %sign3A_76 = arith.extui %sign3A_75 : i1 to i32
      %sign3A_77 = arith.subi %sign3A_73, %sign3A_76 : i32
      %sign3A_78 = arith.constant 0 : i32
      %sign3A_79 = arith.cmpi sgt, %jit3A_69, %sign3A_78 : i32
      %sign3A_80 = arith.extui %sign3A_79 : i1 to i32
      %sign3A_81 = arith.constant 0 : i32
      %sign3A_82 = arith.cmpi slt, %jit3A_69, %sign3A_81 : i32
      %sign3A_83 = arith.extui %sign3A_82 : i1 to i32
      %sign3A_84 = arith.subi %sign3A_80, %sign3A_83 : i32
      %ne3A_85 = arith.cmpi ne, %sign3A_77, %sign3A_84 : i32
      %rem3A_86 = arith.remsi %scan3A_34, %jit3A_69 : i32
      %ne3A_87 = arith.constant 0 : i32
      %ne3A_88 = arith.cmpi ne, %rem3A_86, %ne3A_87 : i32
      %and3A_89 = arith.andi %ne3A_85, %ne3A_88 : i1
      %sub3A_90 = arith.constant 1 : i32
      %sub3A_91 = arith.subi %div3A_70, %sub3A_90 : i32
      %select_n3A_92 = arith.select %and3A_89, %sub3A_91, %div3A_70 : i32
      %jit3A_93 = arith.constant 8 : i32
      %eq3A_94 = arith.constant 0 : i32
      %eq3A_95 = arith.cmpi eq, %jit3A_93, %eq3A_94 : i32
      %jit3A_96 = arith.constant 1 : i32
      %select_n3A_97 = arith.select %eq3A_95, %jit3A_96, %jit3A_93 : i32
      %rem3A_98 = arith.remsi %scan3A_34, %select_n3A_97 : i32
      %ne3A_99 = arith.constant 0 : i32
      %ne3A_100 = arith.cmpi ne, %rem3A_98, %ne3A_99 : i32
      %lt3A_101 = arith.constant 0 : i32
      %lt3A_102 = arith.cmpi slt, %rem3A_98, %lt3A_101 : i32
      %lt3A_103 = arith.constant 0 : i32
      %lt3A_104 = arith.cmpi slt, %select_n3A_97, %lt3A_103 : i32
      %ne3A_105 = arith.xori %lt3A_102, %lt3A_104 : i1
      %and3A_106 = arith.andi %ne3A_105, %ne3A_100 : i1
      %add3A_107 = arith.addi %rem3A_98, %select_n3A_97 : i32
      %select_n3A_108 = arith.select %and3A_106, %add3A_107, %rem3A_98 : i32
      %mul3A_109 = arith.constant 16 : i32
      %mul3A_110 = arith.muli %select_n3A_108, %mul3A_109 : i32
      %get3A_111 = arith.index_cast %select_n3A_92 : i32 to index
      %get3A_112 = arith.index_cast %mul3A_110 : i32 to index
      %get3A_113 = tpu.vector_load %arg8[%get3A_111, %get3A_112] {strides = array<i32>} : memref<4x128xi32, #tpu.memory_space<vmem>>, vector<16xi32>,
      %broadcast_in_dim3A = arith.constant 0.000000e+00 : f32
      %broadcast_in_dim3A_114 = vector.broadcast %broadcast_in_dim3A : f32 to vector<16xf32>
      %slice3A = vector.extract_strided_slice %get3A_68 {offsets = [0], sizes = [1], strides = [1]} : vector<16xi32> to vector<1xi32>
      %squeeze3A = vector.extract %slice3A[0] : i32 from vector<1xi32>
      %slice3A_115 = vector.extract_strided_slice %get3A_113 {offsets = [0], sizes = [1], strides = [1]} : vector<16xi32> to vector<1xi32>
      %squeeze3A_116 = vector.extract %slice3A_115[0] : i32 from vector<1xi32>
      %shift_right_arithmetic3A = arith.constant 7 : i32
      %shift_right_arithmetic3A_117 = arith.shrsi %squeeze3A, %shift_right_arithmetic3A : i32
      %shift_left3A = arith.constant 7 : i32
      %shift_left3A_118 = arith.shli %shift_right_arithmetic3A_117, %shift_left3A : i32
      %multiple_of3A = tpu.assume_multiple %shift_left3A_118, 128 : i32
      %shift_right_arithmetic3A_119 = arith.constant 7 : i32
      %shift_right_arithmetic3A_120 = arith.shrsi %squeeze3A_116, %shift_right_arithmetic3A_119 : i32
      %shift_left3A_121 = arith.constant 7 : i32
      %shift_left3A_122 = arith.shli %shift_right_arithmetic3A_120, %shift_left3A_121 : i32
      %multiple_of3A_123 = tpu.assume_multiple %shift_left3A_122, 128 : i32
      %and3A_124 = arith.constant 127 : i32
      %and3A_125 = arith.andi %squeeze3A, %and3A_124 : i32
      %and3A_126 = arith.constant 127 : i32
      %and3A_127 = arith.andi %squeeze3A_116, %and3A_126 : i32
      %dma_start3A = arith.constant 0 : i32
      %dma_start3A_128 = arith.constant 0 : i32
      %dma_start3A_129 = arith.constant 0 : i32
      %dma_start3A_130 = tpu.memref_slice %arg9[%dma_start3A, %dma_start3A_128, %dma_start3A_129] : memref<8x32x128xf32, #tpu.memory_space<vmem>> -> memref<1x32x128xf32, #tpu.memory_space<vmem>>
      %dma_start3A_131 = tpu.memref_squeeze %dma_start3A_130 : memref<1x32x128xf32, #tpu.memory_space<vmem>> -> memref<32x128xf32, #tpu.memory_space<vmem>>
      %dma_start3A_132 = arith.constant 0 : i32
      %dma_start3A_133 = tpu.memref_slice %arg4[%dma_start3A_132, %multiple_of3A] : memref<32x1000000xf32, #tpu.memory_space<hbm>> -> memref<32x128xf32, #tpu.memory_space<hbm>>
      %dma_start3A_134 = arith.constant 0 : i32
      %dma_start3A_135 = arith.constant 0 : i32
      %dma_start3A_136 = tpu.memref_slice %arg9[%dma_start3A, %dma_start3A_134, %dma_start3A_135] : memref<8x32x128xf32, #tpu.memory_space<vmem>> -> memref<1x32x128xf32, #tpu.memory_space<vmem>>
      %dma_start3A_137 = tpu.memref_squeeze %dma_start3A_136 : memref<1x32x128xf32, #tpu.memory_space<vmem>> -> memref<32x128xf32, #tpu.memory_space<vmem>>
      %dma_start3A_138 = arith.constant 0 : i32
      %dma_start3A_139 = tpu.memref_slice %arg4[%dma_start3A_138, %multiple_of3A] : memref<32x1000000xf32, #tpu.memory_space<hbm>> -> memref<32x128xf32, #tpu.memory_space<hbm>>
      tpu.enqueue_dma source(%dma_start3A_139 : memref<32x128xf32, #tpu.memory_space<hbm>>) target(%dma_start3A_137 : memref<32x128xf32, #tpu.memory_space<vmem>>) target_semaphore(%arg12 : memref<!tpu.dma_semaphore, #tpu.memory_space<semaphore_mem>>)
      %dma_start3A_140 = arith.constant 0 : i32
      %dma_start3A_141 = arith.constant 0 : i32
      %dma_start3A_142 = arith.constant 0 : i32
      %dma_start3A_143 = tpu.memref_slice %arg10[%dma_start3A_140, %dma_start3A_141, %dma_start3A_142] : memref<8x32x128xf32, #tpu.memory_space<vmem>> -> memref<1x32x128xf32, #tpu.memory_space<vmem>>
      %dma_start3A_144 = tpu.memref_squeeze %dma_start3A_143 : memref<1x32x128xf32, #tpu.memory_space<vmem>> -> memref<32x128xf32, #tpu.memory_space<vmem>>
      %dma_start3A_145 = arith.constant 0 : i32
      %dma_start3A_146 = tpu.memref_slice %arg5[%dma_start3A_145, %multiple_of3A_123] : memref<32x1000000xf32, #tpu.memory_space<hbm>> -> memref<32x128xf32, #tpu.memory_space<hbm>>
      %dma_start3A_147 = arith.constant 0 : i32
      %dma_start3A_148 = arith.constant 0 : i32
      %dma_start3A_149 = tpu.memref_slice %arg10[%dma_start3A_140, %dma_start3A_147, %dma_start3A_148] : memref<8x32x128xf32, #tpu.memory_space<vmem>> -> memref<1x32x128xf32, #tpu.memory_space<vmem>>
      %dma_start3A_150 = tpu.memref_squeeze %dma_start3A_149 : memref<1x32x128xf32, #tpu.memory_space<vmem>> -> memref<32x128xf32, #tpu.memory_space<vmem>>
      %dma_start3A_151 = arith.constant 0 : i32
      %dma_start3A_152 = tpu.memref_slice %arg5[%dma_start3A_151, %multiple_of3A_123] : memref<32x1000000xf32, #tpu.memory_space<hbm>> -> memref<32x128xf32, #tpu.memory_space<hbm>>
      tpu.enqueue_dma source(%dma_start3A_152 : memref<32x128xf32, #tpu.memory_space<hbm>>) target(%dma_start3A_150 : memref<32x128xf32, #tpu.memory_space<vmem>>) target_semaphore(%arg13 : memref<!tpu.dma_semaphore, #tpu.memory_space<semaphore_mem>>)
      %slice3A_153 = vector.extract_strided_slice %get3A_68 {offsets = [1], sizes = [1], strides = [1]} : vector<16xi32> to vector<1xi32>
      %squeeze3A_154 = vector.extract %slice3A_153[0] : i32 from vector<1xi32>
      %slice3A_155 = vector.extract_strided_slice %get3A_113 {offsets = [1], sizes = [1], strides = [1]} : vector<16xi32> to vector<1xi32>
      %squeeze3A_156 = vector.extract %slice3A_155[0] : i32 from vector<1xi32>
      %shift_right_arithmetic3A_157 = arith.constant 7 : i32
      %shift_right_arithmetic3A_158 = arith.shrsi %squeeze3A_154, %shift_right_arithmetic3A_157 : i32
      %shift_left3A_159 = arith.constant 7 : i32
      %shift_left3A_160 = arith.shli %shift_right_arithmetic3A_158, %shift_left3A_159 : i32
      %multiple_of3A_161 = tpu.assume_multiple %shift_left3A_160, 128 : i32
      %shift_right_arithmetic3A_162 = arith.constant 7 : i32
      %shift_right_arithmetic3A_163 = arith.shrsi %squeeze3A_156, %shift_right_arithmetic3A_162 : i32
      %shift_left3A_164 = arith.constant 7 : i32
      %shift_left3A_165 = arith.shli %shift_right_arithmetic3A_163, %shift_left3A_164 : i32
      %multiple_of3A_166 = tpu.assume_multiple %shift_left3A_165, 128 : i32
      %and3A_167 = arith.constant 127 : i32
      %and3A_168 = arith.andi %squeeze3A_154, %and3A_167 : i32
      %and3A_169 = arith.constant 127 : i32
      %and3A_170 = arith.andi %squeeze3A_156, %and3A_169 : i32
      %dma_start3A_171 = arith.constant 1 : i32
      %dma_start3A_172 = arith.constant 0 : i32
      %dma_start3A_173 = arith.constant 0 : i32
      %dma_start3A_174 = tpu.memref_slice %arg9[%dma_start3A_171, %dma_start3A_172, %dma_start3A_173] : memref<8x32x128xf32, #tpu.memory_space<vmem>> -> memref<1x32x128xf32, #tpu.memory_space<vmem>>
      %dma_start3A_175 = tpu.memref_squeeze %dma_start3A_174 : memref<1x32x128xf32, #tpu.memory_space<vmem>> -> memref<32x128xf32, #tpu.memory_space<vmem>>
      %dma_start3A_176 = arith.constant 0 : i32
      %dma_start3A_177 = tpu.memref_slice %arg4[%dma_start3A_176, %multiple_of3A_161] : memref<32x1000000xf32, #tpu.memory_space<hbm>> -> memref<32x128xf32, #tpu.memory_space<hbm>>
      %dma_start3A_178 = arith.constant 0 : i32
      %dma_start3A_179 = arith.constant 0 : i32
      %dma_start3A_180 = tpu.memref_slice %arg9[%dma_start3A_171, %dma_start3A_178, %dma_start3A_179] : memref<8x32x128xf32, #tpu.memory_space<vmem>> -> memref<1x32x128xf32, #tpu.memory_space<vmem>>
      %dma_start3A_181 = tpu.memref_squeeze %dma_start3A_180 : memref<1x32x128xf32, #tpu.memory_space<vmem>> -> memref<32x128xf32, #tpu.memory_space<vmem>>
      %dma_start3A_182 = arith.constant 0 : i32
      %dma_start3A_183 = tpu.memref_slice %arg4[%dma_start3A_182, %multiple_of3A_161] : memref<32x1000000xf32, #tpu.memory_space<hbm>> -> memref<32x128xf32, #tpu.memory_space<hbm>>
      tpu.enqueue_dma source(%dma_start3A_183 : memref<32x128xf32, #tpu.memory_space<hbm>>) target(%dma_start3A_181 : memref<32x128xf32, #tpu.memory_space<vmem>>) target_semaphore(%arg12 : memref<!tpu.dma_semaphore, #tpu.memory_space<semaphore_mem>>)
      %dma_start3A_184 = arith.constant 1 : i32
      %dma_start3A_185 = arith.constant 0 : i32
      %dma_start3A_186 = arith.constant 0 : i32
      %dma_start3A_187 = tpu.memref_slice %arg10[%dma_start3A_184, %dma_start3A_185, %dma_start3A_186] : memref<8x32x128xf32, #tpu.memory_space<vmem>> -> memref<1x32x128xf32, #tpu.memory_space<vmem>>
      %dma_start3A_188 = tpu.memref_squeeze %dma_start3A_187 : memref<1x32x128xf32, #tpu.memory_space<vmem>> -> memref<32x128xf32, #tpu.memory_space<vmem>>
      %dma_start3A_189 = arith.constant 0 : i32
      %dma_start3A_190 = tpu.memref_slice %arg5[%dma_start3A_189, %multiple_of3A_166] : memref<32x1000000xf32, #tpu.memory_space<hbm>> -> memref<32x128xf32, #tpu.memory_space<hbm>>
      %dma_start3A_191 = arith.constant 0 : i32
      %dma_start3A_192 = arith.constant 0 : i32
      %dma_start3A_193 = tpu.memref_slice %arg10[%dma_start3A_184, %dma_start3A_191, %dma_start3A_192] : memref<8x32x128xf32, #tpu.memory_space<vmem>> -> memref<1x32x128xf32, #tpu.memory_space<vmem>>
      %dma_start3A_194 = tpu.memref_squeeze %dma_start3A_193 : memref<1x32x128xf32, #tpu.memory_space<vmem>> -> memref<32x128xf32, #tpu.memory_space<vmem>>
      %dma_start3A_195 = arith.constant 0 : i32
      %dma_start3A_196 = tpu.memref_slice %arg5[%dma_start3A_195, %multiple_of3A_166] : memref<32x1000000xf32, #tpu.memory_space<hbm>> -> memref<32x128xf32, #tpu.memory_space<hbm>>
      tpu.enqueue_dma source(%dma_start3A_196 : memref<32x128xf32, #tpu.memory_space<hbm>>) target(%dma_start3A_194 : memref<32x128xf32, #tpu.memory_space<vmem>>) target_semaphore(%arg13 : memref<!tpu.dma_semaphore, #tpu.memory_space<semaphore_mem>>)
      %slice3A_197 = vector.extract_strided_slice %get3A_68 {offsets = [2], sizes = [1], strides = [1]} : vector<16xi32> to vector<1xi32>
      %squeeze3A_198 = vector.extract %slice3A_197[0] : i32 from vector<1xi32>
      %slice3A_199 = vector.extract_strided_slice %get3A_113 {offsets = [2], sizes = [1], strides = [1]} : vector<16xi32> to vector<1xi32>
      %squeeze3A_200 = vector.extract %slice3A_199[0] : i32 from vector<1xi32>
      %shift_right_arithmetic3A_201 = arith.constant 7 : i32
      %shift_right_arithmetic3A_202 = arith.shrsi %squeeze3A_198, %shift_right_arithmetic3A_201 : i32
      %shift_left3A_203 = arith.constant 7 : i32
      %shift_left3A_204 = arith.shli %shift_right_arithmetic3A_202, %shift_left3A_203 : i32
      %multiple_of3A_205 = tpu.assume_multiple %shift_left3A_204, 128 : i32
      %shift_right_arithmetic3A_206 = arith.constant 7 : i32
      %shift_right_arithmetic3A_207 = arith.shrsi %squeeze3A_200, %shift_right_arithmetic3A_206 : i32
      %shift_left3A_208 = arith.constant 7 : i32
      %shift_left3A_209 = arith.shli %shift_right_arithmetic3A_207, %shift_left3A_208 : i32
      %multiple_of3A_210 = tpu.assume_multiple %shift_left3A_209, 128 : i32
      %and3A_211 = arith.constant 127 : i32
      %and3A_212 = arith.andi %squeeze3A_198, %and3A_211 : i32
      %and3A_213 = arith.constant 127 : i32
      %and3A_214 = arith.andi %squeeze3A_200, %and3A_213 : i32
      %dma_start3A_215 = arith.constant 2 : i32
      %dma_start3A_216 = arith.constant 0 : i32
      %dma_start3A_217 = arith.constant 0 : i32
      %dma_start3A_218 = tpu.memref_slice %arg9[%dma_start3A_215, %dma_start3A_216, %dma_start3A_217] : memref<8x32x128xf32, #tpu.memory_space<vmem>> -> memref<1x32x128xf32, #tpu.memory_space<vmem>>
      %dma_start3A_219 = tpu.memref_squeeze %dma_start3A_218 : memref<1x32x128xf32, #tpu.memory_space<vmem>> -> memref<32x128xf32, #tpu.memory_space<vmem>>
      %dma_start3A_220 = arith.constant 0 : i32
      %dma_start3A_221 = tpu.memref_slice %arg4[%dma_start3A_220, %multiple_of3A_205] : memref<32x1000000xf32, #tpu.memory_space<hbm>> -> memref<32x128xf32, #tpu.memory_space<hbm>>
      %dma_start3A_222 = arith.constant 0 : i32
      %dma_start3A_223 = arith.constant 0 : i32
      %dma_start3A_224 = tpu.memref_slice %arg9[%dma_start3A_215, %dma_start3A_222, %dma_start3A_223] : memref<8x32x128xf32, #tpu.memory_space<vmem>> -> memref<1x32x128xf32, #tpu.memory_space<vmem>>
      %dma_start3A_225 = tpu.memref_squeeze %dma_start3A_224 : memref<1x32x128xf32, #tpu.memory_space<vmem>> -> memref<32x128xf32, #tpu.memory_space<vmem>>
      %dma_start3A_226 = arith.constant 0 : i32
      %dma_start3A_227 = tpu.memref_slice %arg4[%dma_start3A_226, %multiple_of3A_205] : memref<32x1000000xf32, #tpu.memory_space<hbm>> -> memref<32x128xf32, #tpu.memory_space<hbm>>
      tpu.enqueue_dma source(%dma_start3A_227 : memref<32x128xf32, #tpu.memory_space<hbm>>) target(%dma_start3A_225 : memref<32x128xf32, #tpu.memory_space<vmem>>) target_semaphore(%arg12 : memref<!tpu.dma_semaphore, #tpu.memory_space<semaphore_mem>>)
      %dma_start3A_228 = arith.constant 2 : i32
      %dma_start3A_229 = arith.constant 0 : i32
      %dma_start3A_230 = arith.constant 0 : i32
      %dma_start3A_231 = tpu.memref_slice %arg10[%dma_start3A_228, %dma_start3A_229, %dma_start3A_230] : memref<8x32x128xf32, #tpu.memory_space<vmem>> -> memref<1x32x128xf32, #tpu.memory_space<vmem>>
      %dma_start3A_232 = tpu.memref_squeeze %dma_start3A_231 : memref<1x32x128xf32, #tpu.memory_space<vmem>> -> memref<32x128xf32, #tpu.memory_space<vmem>>
      %dma_start3A_233 = arith.constant 0 : i32
      %dma_start3A_234 = tpu.memref_slice %arg5[%dma_start3A_233, %multiple_of3A_210] : memref<32x1000000xf32, #tpu.memory_space<hbm>> -> memref<32x128xf32, #tpu.memory_space<hbm>>
      %dma_start3A_235 = arith.constant 0 : i32
      %dma_start3A_236 = arith.constant 0 : i32
      %dma_start3A_237 = tpu.memref_slice %arg10[%dma_start3A_228, %dma_start3A_235, %dma_start3A_236] : memref<8x32x128xf32, #tpu.memory_space<vmem>> -> memref<1x32x128xf32, #tpu.memory_space<vmem>>
      %dma_start3A_238 = tpu.memref_squeeze %dma_start3A_237 : memref<1x32x128xf32, #tpu.memory_space<vmem>> -> memref<32x128xf32, #tpu.memory_space<vmem>>
      %dma_start3A_239 = arith.constant 0 : i32
      %dma_start3A_240 = tpu.memref_slice %arg5[%dma_start3A_239, %multiple_of3A_210] : memref<32x1000000xf32, #tpu.memory_space<hbm>> -> memref<32x128xf32, #tpu.memory_space<hbm>>
      tpu.enqueue_dma source(%dma_start3A_240 : memref<32x128xf32, #tpu.memory_space<hbm>>) target(%dma_start3A_238 : memref<32x128xf32, #tpu.memory_space<vmem>>) target_semaphore(%arg13 : memref<!tpu.dma_semaphore, #tpu.memory_space<semaphore_mem>>)
      %slice3A_241 = vector.extract_strided_slice %get3A_68 {offsets = [3], sizes = [1], strides = [1]} : vector<16xi32> to vector<1xi32>
      %squeeze3A_242 = vector.extract %slice3A_241[0] : i32 from vector<1xi32>
      %slice3A_243 = vector.extract_strided_slice %get3A_113 {offsets = [3], sizes = [1], strides = [1]} : vector<16xi32> to vector<1xi32>
      %squeeze3A_244 = vector.extract %slice3A_243[0] : i32 from vector<1xi32>
      %shift_right_arithmetic3A_245 = arith.constant 7 : i32
      %shift_right_arithmetic3A_246 = arith.shrsi %squeeze3A_242, %shift_right_arithmetic3A_245 : i32
      %shift_left3A_247 = arith.constant 7 : i32
      %shift_left3A_248 = arith.shli %shift_right_arithmetic3A_246, %shift_left3A_247 : i32
      %multiple_of3A_249 = tpu.assume_multiple %shift_left3A_248, 128 : i32
      %shift_right_arithmetic3A_250 = arith.constant 7 : i32
      %shift_right_arithmetic3A_251 = arith.shrsi %squeeze3A_244, %shift_right_arithmetic3A_250 : i32
      %shift_left3A_252 = arith.constant 7 : i32
      %shift_left3A_253 = arith.shli %shift_right_arithmetic3A_251, %shift_left3A_252 : i32
      %multiple_of3A_254 = tpu.assume_multiple %shift_left3A_253, 128 : i32
      %and3A_255 = arith.constant 127 : i32
      %and3A_256 = arith.andi %squeeze3A_242, %and3A_255 : i32
      %and3A_257 = arith.constant 127 : i32
      %and3A_258 = arith.andi %squeeze3A_244, %and3A_257 : i32
      %dma_start3A_259 = arith.constant 3 : i32
      %dma_start3A_260 = arith.constant 0 : i32
      %dma_start3A_261 = arith.constant 0 : i32
      %dma_start3A_262 = tpu.memref_slice %arg9[%dma_start3A_259, %dma_start3A_260, %dma_start3A_261] : memref<8x32x128xf32, #tpu.memory_space<vmem>> -> memref<1x32x128xf32, #tpu.memory_space<vmem>>
      %dma_start3A_263 = tpu.memref_squeeze %dma_start3A_262 : memref<1x32x128xf32, #tpu.memory_space<vmem>> -> memref<32x128xf32, #tpu.memory_space<vmem>>
      %dma_start3A_264 = arith.constant 0 : i32
      %dma_start3A_265 = tpu.memref_slice %arg4[%dma_start3A_264, %multiple_of3A_249] : memref<32x1000000xf32, #tpu.memory_space<hbm>> -> memref<32x128xf32, #tpu.memory_space<hbm>>
      %dma_start3A_266 = arith.constant 0 : i32
      %dma_start3A_267 = arith.constant 0 : i32
      %dma_start3A_268 = tpu.memref_slice %arg9[%dma_start3A_259, %dma_start3A_266, %dma_start3A_267] : memref<8x32x128xf32, #tpu.memory_space<vmem>> -> memref<1x32x128xf32, #tpu.memory_space<vmem>>
      %dma_start3A_269 = tpu.memref_squeeze %dma_start3A_268 : memref<1x32x128xf32, #tpu.memory_space<vmem>> -> memref<32x128xf32, #tpu.memory_space<vmem>>
      %dma_start3A_270 = arith.constant 0 : i32
      %dma_start3A_271 = tpu.memref_slice %arg4[%dma_start3A_270, %multiple_of3A_249] : memref<32x1000000xf32, #tpu.memory_space<hbm>> -> memref<32x128xf32, #tpu.memory_space<hbm>>
      tpu.enqueue_dma source(%dma_start3A_271 : memref<32x128xf32, #tpu.memory_space<hbm>>) target(%dma_start3A_269 : memref<32x128xf32, #tpu.memory_space<vmem>>) target_semaphore(%arg12 : memref<!tpu.dma_semaphore, #tpu.memory_space<semaphore_mem>>)
      %dma_start3A_272 = arith.constant 3 : i32
      %dma_start3A_273 = arith.constant 0 : i32
      %dma_start3A_274 = arith.constant 0 : i32
      %dma_start3A_275 = tpu.memref_slice %arg10[%dma_start3A_272, %dma_start3A_273, %dma_start3A_274] : memref<8x32x128xf32, #tpu.memory_space<vmem>> -> memref<1x32x128xf32, #tpu.memory_space<vmem>>
      %dma_start3A_276 = tpu.memref_squeeze %dma_start3A_275 : memref<1x32x128xf32, #tpu.memory_space<vmem>> -> memref<32x128xf32, #tpu.memory_space<vmem>>
      %dma_start3A_277 = arith.constant 0 : i32
      %dma_start3A_278 = tpu.memref_slice %arg5[%dma_start3A_277, %multiple_of3A_254] : memref<32x1000000xf32, #tpu.memory_space<hbm>> -> memref<32x128xf32, #tpu.memory_space<hbm>>
      %dma_start3A_279 = arith.constant 0 : i32
      %dma_start3A_280 = arith.constant 0 : i32
      %dma_start3A_281 = tpu.memref_slice %arg10[%dma_start3A_272, %dma_start3A_279, %dma_start3A_280] : memref<8x32x128xf32, #tpu.memory_space<vmem>> -> memref<1x32x128xf32, #tpu.memory_space<vmem>>
      %dma_start3A_282 = tpu.memref_squeeze %dma_start3A_281 : memref<1x32x128xf32, #tpu.memory_space<vmem>> -> memref<32x128xf32, #tpu.memory_space<vmem>>
      %dma_start3A_283 = arith.constant 0 : i32
      %dma_start3A_284 = tpu.memref_slice %arg5[%dma_start3A_283, %multiple_of3A_254] : memref<32x1000000xf32, #tpu.memory_space<hbm>> -> memref<32x128xf32, #tpu.memory_space<hbm>>
      tpu.enqueue_dma source(%dma_start3A_284 : memref<32x128xf32, #tpu.memory_space<hbm>>) target(%dma_start3A_282 : memref<32x128xf32, #tpu.memory_space<vmem>>) target_semaphore(%arg13 : memref<!tpu.dma_semaphore, #tpu.memory_space<semaphore_mem>>)
      %slice3A_285 = vector.extract_strided_slice %get3A_68 {offsets = [4], sizes = [1], strides = [1]} : vector<16xi32> to vector<1xi32>
      %squeeze3A_286 = vector.extract %slice3A_285[0] : i32 from vector<1xi32>
      %slice3A_287 = vector.extract_strided_slice %get3A_113 {offsets = [4], sizes = [1], strides = [1]} : vector<16xi32> to vector<1xi32>
      %squeeze3A_288 = vector.extract %slice3A_287[0] : i32 from vector<1xi32>
      %shift_right_arithmetic3A_289 = arith.constant 7 : i32
      %shift_right_arithmetic3A_290 = arith.shrsi %squeeze3A_286, %shift_right_arithmetic3A_289 : i32
      %shift_left3A_291 = arith.constant 7 : i32
      %shift_left3A_292 = arith.shli %shift_right_arithmetic3A_290, %shift_left3A_291 : i32
      %multiple_of3A_293 = tpu.assume_multiple %shift_left3A_292, 128 : i32
      %shift_right_arithmetic3A_294 = arith.constant 7 : i32
      %shift_right_arithmetic3A_295 = arith.shrsi %squeeze3A_288, %shift_right_arithmetic3A_294 : i32
      %shift_left3A_296 = arith.constant 7 : i32
      %shift_left3A_297 = arith.shli %shift_right_arithmetic3A_295, %shift_left3A_296 : i32
      %multiple_of3A_298 = tpu.assume_multiple %shift_left3A_297, 128 : i32
      %and3A_299 = arith.constant 127 : i32
      %and3A_300 = arith.andi %squeeze3A_286, %and3A_299 : i32
      %and3A_301 = arith.constant 127 : i32
      %and3A_302 = arith.andi %squeeze3A_288, %and3A_301 : i32
      %dma_start3A_303 = arith.constant 4 : i32
      %dma_start3A_304 = arith.constant 0 : i32
      %dma_start3A_305 = arith.constant 0 : i32
      %dma_start3A_306 = tpu.memref_slice %arg9[%dma_start3A_303, %dma_start3A_304, %dma_start3A_305] : memref<8x32x128xf32, #tpu.memory_space<vmem>> -> memref<1x32x128xf32, #tpu.memory_space<vmem>>
      %dma_start3A_307 = tpu.memref_squeeze %dma_start3A_306 : memref<1x32x128xf32, #tpu.memory_space<vmem>> -> memref<32x128xf32, #tpu.memory_space<vmem>>
      %dma_start3A_308 = arith.constant 0 : i32
      %dma_start3A_309 = tpu.memref_slice %arg4[%dma_start3A_308, %multiple_of3A_293] : memref<32x1000000xf32, #tpu.memory_space<hbm>> -> memref<32x128xf32, #tpu.memory_space<hbm>>
      %dma_start3A_310 = arith.constant 0 : i32
      %dma_start3A_311 = arith.constant 0 : i32
      %dma_start3A_312 = tpu.memref_slice %arg9[%dma_start3A_303, %dma_start3A_310, %dma_start3A_311] : memref<8x32x128xf32, #tpu.memory_space<vmem>> -> memref<1x32x128xf32, #tpu.memory_space<vmem>>
      %dma_start3A_313 = tpu.memref_squeeze %dma_start3A_312 : memref<1x32x128xf32, #tpu.memory_space<vmem>> -> memref<32x128xf32, #tpu.memory_space<vmem>>
      %dma_start3A_314 = arith.constant 0 : i32
      %dma_start3A_315 = tpu.memref_slice %arg4[%dma_start3A_314, %multiple_of3A_293] : memref<32x1000000xf32, #tpu.memory_space<hbm>> -> memref<32x128xf32, #tpu.memory_space<hbm>>
      tpu.enqueue_dma source(%dma_start3A_315 : memref<32x128xf32, #tpu.memory_space<hbm>>) target(%dma_start3A_313 : memref<32x128xf32, #tpu.memory_space<vmem>>) target_semaphore(%arg12 : memref<!tpu.dma_semaphore, #tpu.memory_space<semaphore_mem>>)
      %dma_start3A_316 = arith.constant 4 : i32
      %dma_start3A_317 = arith.constant 0 : i32
      %dma_start3A_318 = arith.constant 0 : i32
      %dma_start3A_319 = tpu.memref_slice %arg10[%dma_start3A_316, %dma_start3A_317, %dma_start3A_318] : memref<8x32x128xf32, #tpu.memory_space<vmem>> -> memref<1x32x128xf32, #tpu.memory_space<vmem>>
      %dma_start3A_320 = tpu.memref_squeeze %dma_start3A_319 : memref<1x32x128xf32, #tpu.memory_space<vmem>> -> memref<32x128xf32, #tpu.memory_space<vmem>>
      %dma_start3A_321 = arith.constant 0 : i32
      %dma_start3A_322 = tpu.memref_slice %arg5[%dma_start3A_321, %multiple_of3A_298] : memref<32x1000000xf32, #tpu.memory_space<hbm>> -> memref<32x128xf32, #tpu.memory_space<hbm>>
      %dma_start3A_323 = arith.constant 0 : i32
      %dma_start3A_324 = arith.constant 0 : i32
      %dma_start3A_325 = tpu.memref_slice %arg10[%dma_start3A_316, %dma_start3A_323, %dma_start3A_324] : memref<8x32x128xf32, #tpu.memory_space<vmem>> -> memref<1x32x128xf32, #tpu.memory_space<vmem>>
      %dma_start3A_326 = tpu.memref_squeeze %dma_start3A_325 : memref<1x32x128xf32, #tpu.memory_space<vmem>> -> memref<32x128xf32, #tpu.memory_space<vmem>>
      %dma_start3A_327 = arith.constant 0 : i32
      %dma_start3A_328 = tpu.memref_slice %arg5[%dma_start3A_327, %multiple_of3A_298] : memref<32x1000000xf32, #tpu.memory_space<hbm>> -> memref<32x128xf32, #tpu.memory_space<hbm>>
      tpu.enqueue_dma source(%dma_start3A_328 : memref<32x128xf32, #tpu.memory_space<hbm>>) target(%dma_start3A_326 : memref<32x128xf32, #tpu.memory_space<vmem>>) target_semaphore(%arg13 : memref<!tpu.dma_semaphore, #tpu.memory_space<semaphore_mem>>)
      %slice3A_329 = vector.extract_strided_slice %get3A_68 {offsets = [5], sizes = [1], strides = [1]} : vector<16xi32> to vector<1xi32>
      %squeeze3A_330 = vector.extract %slice3A_329[0] : i32 from vector<1xi32>
      %slice3A_331 = vector.extract_strided_slice %get3A_113 {offsets = [5], sizes = [1], strides = [1]} : vector<16xi32> to vector<1xi32>
      %squeeze3A_332 = vector.extract %slice3A_331[0] : i32 from vector<1xi32>
      %shift_right_arithmetic3A_333 = arith.constant 7 : i32
      %shift_right_arithmetic3A_334 = arith.shrsi %squeeze3A_330, %shift_right_arithmetic3A_333 : i32
      %shift_left3A_335 = arith.constant 7 : i32
      %shift_left3A_336 = arith.shli %shift_right_arithmetic3A_334, %shift_left3A_335 : i32
      %multiple_of3A_337 = tpu.assume_multiple %shift_left3A_336, 128 : i32
      %shift_right_arithmetic3A_338 = arith.constant 7 : i32
      %shift_right_arithmetic3A_339 = arith.shrsi %squeeze3A_332, %shift_right_arithmetic3A_338 : i32
      %shift_left3A_340 = arith.constant 7 : i32
      %shift_left3A_341 = arith.shli %shift_right_arithmetic3A_339, %shift_left3A_340 : i32
      %multiple_of3A_342 = tpu.assume_multiple %shift_left3A_341, 128 : i32
      %and3A_343 = arith.constant 127 : i32
      %and3A_344 = arith.andi %squeeze3A_330, %and3A_343 : i32
      %and3A_345 = arith.constant 127 : i32
      %and3A_346 = arith.andi %squeeze3A_332, %and3A_345 : i32
      %dma_start3A_347 = arith.constant 5 : i32
      %dma_start3A_348 = arith.constant 0 : i32
      %dma_start3A_349 = arith.constant 0 : i32
      %dma_start3A_350 = tpu.memref_slice %arg9[%dma_start3A_347, %dma_start3A_348, %dma_start3A_349] : memref<8x32x128xf32, #tpu.memory_space<vmem>> -> memref<1x32x128xf32, #tpu.memory_space<vmem>>
      %dma_start3A_351 = tpu.memref_squeeze %dma_start3A_350 : memref<1x32x128xf32, #tpu.memory_space<vmem>> -> memref<32x128xf32, #tpu.memory_space<vmem>>
      %dma_start3A_352 = arith.constant 0 : i32
      %dma_start3A_353 = tpu.memref_slice %arg4[%dma_start3A_352, %multiple_of3A_337] : memref<32x1000000xf32, #tpu.memory_space<hbm>> -> memref<32x128xf32, #tpu.memory_space<hbm>>
      %dma_start3A_354 = arith.constant 0 : i32
      %dma_start3A_355 = arith.constant 0 : i32
      %dma_start3A_356 = tpu.memref_slice %arg9[%dma_start3A_347, %dma_start3A_354, %dma_start3A_355] : memref<8x32x128xf32, #tpu.memory_space<vmem>> -> memref<1x32x128xf32, #tpu.memory_space<vmem>>
      %dma_start3A_357 = tpu.memref_squeeze %dma_start3A_356 : memref<1x32x128xf32, #tpu.memory_space<vmem>> -> memref<32x128xf32, #tpu.memory_space<vmem>>
      %dma_start3A_358 = arith.constant 0 : i32
      %dma_start3A_359 = tpu.memref_slice %arg4[%dma_start3A_358, %multiple_of3A_337] : memref<32x1000000xf32, #tpu.memory_space<hbm>> -> memref<32x128xf32, #tpu.memory_space<hbm>>
      tpu.enqueue_dma source(%dma_start3A_359 : memref<32x128xf32, #tpu.memory_space<hbm>>) target(%dma_start3A_357 : memref<32x128xf32, #tpu.memory_space<vmem>>) target_semaphore(%arg12 : memref<!tpu.dma_semaphore, #tpu.memory_space<semaphore_mem>>)
      %dma_start3A_360 = arith.constant 5 : i32
      %dma_start3A_361 = arith.constant 0 : i32
      %dma_start3A_362 = arith.constant 0 : i32
      %dma_start3A_363 = tpu.memref_slice %arg10[%dma_start3A_360, %dma_start3A_361, %dma_start3A_362] : memref<8x32x128xf32, #tpu.memory_space<vmem>> -> memref<1x32x128xf32, #tpu.memory_space<vmem>>
      %dma_start3A_364 = tpu.memref_squeeze %dma_start3A_363 : memref<1x32x128xf32, #tpu.memory_space<vmem>> -> memref<32x128xf32, #tpu.memory_space<vmem>>
      %dma_start3A_365 = arith.constant 0 : i32
      %dma_start3A_366 = tpu.memref_slice %arg5[%dma_start3A_365, %multiple_of3A_342] : memref<32x1000000xf32, #tpu.memory_space<hbm>> -> memref<32x128xf32, #tpu.memory_space<hbm>>
      %dma_start3A_367 = arith.constant 0 : i32
      %dma_start3A_368 = arith.constant 0 : i32
      %dma_start3A_369 = tpu.memref_slice %arg10[%dma_start3A_360, %dma_start3A_367, %dma_start3A_368] : memref<8x32x128xf32, #tpu.memory_space<vmem>> -> memref<1x32x128xf32, #tpu.memory_space<vmem>>
      %dma_start3A_370 = tpu.memref_squeeze %dma_start3A_369 : memref<1x32x128xf32, #tpu.memory_space<vmem>> -> memref<32x128xf32, #tpu.memory_space<vmem>>
      %dma_start3A_371 = arith.constant 0 : i32
      %dma_start3A_372 = tpu.memref_slice %arg5[%dma_start3A_371, %multiple_of3A_342] : memref<32x1000000xf32, #tpu.memory_space<hbm>> -> memref<32x128xf32, #tpu.memory_space<hbm>>
      tpu.enqueue_dma source(%dma_start3A_372 : memref<32x128xf32, #tpu.memory_space<hbm>>) target(%dma_start3A_370 : memref<32x128xf32, #tpu.memory_space<vmem>>) target_semaphore(%arg13 : memref<!tpu.dma_semaphore, #tpu.memory_space<semaphore_mem>>)
      %slice3A_373 = vector.extract_strided_slice %get3A_68 {offsets = [6], sizes = [1], strides = [1]} : vector<16xi32> to vector<1xi32>
      %squeeze3A_374 = vector.extract %slice3A_373[0] : i32 from vector<1xi32>
      %slice3A_375 = vector.extract_strided_slice %get3A_113 {offsets = [6], sizes = [1], strides = [1]} : vector<16xi32> to vector<1xi32>
      %squeeze3A_376 = vector.extract %slice3A_375[0] : i32 from vector<1xi32>
      %shift_right_arithmetic3A_377 = arith.constant 7 : i32
      %shift_right_arithmetic3A_378 = arith.shrsi %squeeze3A_374, %shift_right_arithmetic3A_377 : i32
      %shift_left3A_379 = arith.constant 7 : i32
      %shift_left3A_380 = arith.shli %shift_right_arithmetic3A_378, %shift_left3A_379 : i32
      %multiple_of3A_381 = tpu.assume_multiple %shift_left3A_380, 128 : i32
      %shift_right_arithmetic3A_382 = arith.constant 7 : i32
      %shift_right_arithmetic3A_383 = arith.shrsi %squeeze3A_376, %shift_right_arithmetic3A_382 : i32
      %shift_left3A_384 = arith.constant 7 : i32
      %shift_left3A_385 = arith.shli %shift_right_arithmetic3A_383, %shift_left3A_384 : i32
      %multiple_of3A_386 = tpu.assume_multiple %shift_left3A_385, 128 : i32
      %and3A_387 = arith.constant 127 : i32
      %and3A_388 = arith.andi %squeeze3A_374, %and3A_387 : i32
      %and3A_389 = arith.constant 127 : i32
      %and3A_390 = arith.andi %squeeze3A_376, %and3A_389 : i32
      %dma_start3A_391 = arith.constant 6 : i32
      %dma_start3A_392 = arith.constant 0 : i32
      %dma_start3A_393 = arith.constant 0 : i32
      %dma_start3A_394 = tpu.memref_slice %arg9[%dma_start3A_391, %dma_start3A_392, %dma_start3A_393] : memref<8x32x128xf32, #tpu.memory_space<vmem>> -> memref<1x32x128xf32, #tpu.memory_space<vmem>>
      %dma_start3A_395 = tpu.memref_squeeze %dma_start3A_394 : memref<1x32x128xf32, #tpu.memory_space<vmem>> -> memref<32x128xf32, #tpu.memory_space<vmem>>
      %dma_start3A_396 = arith.constant 0 : i32
      %dma_start3A_397 = tpu.memref_slice %arg4[%dma_start3A_396, %multiple_of3A_381] : memref<32x1000000xf32, #tpu.memory_space<hbm>> -> memref<32x128xf32, #tpu.memory_space<hbm>>
      %dma_start3A_398 = arith.constant 0 : i32
      %dma_start3A_399 = arith.constant 0 : i32
      %dma_start3A_400 = tpu.memref_slice %arg9[%dma_start3A_391, %dma_start3A_398, %dma_start3A_399] : memref<8x32x128xf32, #tpu.memory_space<vmem>> -> memref<1x32x128xf32, #tpu.memory_space<vmem>>
      %dma_start3A_401 = tpu.memref_squeeze %dma_start3A_400 : memref<1x32x128xf32, #tpu.memory_space<vmem>> -> memref<32x128xf32, #tpu.memory_space<vmem>>
      %dma_start3A_402 = arith.constant 0 : i32
      %dma_start3A_403 = tpu.memref_slice %arg4[%dma_start3A_402, %multiple_of3A_381] : memref<32x1000000xf32, #tpu.memory_space<hbm>> -> memref<32x128xf32, #tpu.memory_space<hbm>>
      tpu.enqueue_dma source(%dma_start3A_403 : memref<32x128xf32, #tpu.memory_space<hbm>>) target(%dma_start3A_401 : memref<32x128xf32, #tpu.memory_space<vmem>>) target_semaphore(%arg12 : memref<!tpu.dma_semaphore, #tpu.memory_space<semaphore_mem>>)
      %dma_start3A_404 = arith.constant 6 : i32
      %dma_start3A_405 = arith.constant 0 : i32
      %dma_start3A_406 = arith.constant 0 : i32
      %dma_start3A_407 = tpu.memref_slice %arg10[%dma_start3A_404, %dma_start3A_405, %dma_start3A_406] : memref<8x32x128xf32, #tpu.memory_space<vmem>> -> memref<1x32x128xf32, #tpu.memory_space<vmem>>
      %dma_start3A_408 = tpu.memref_squeeze %dma_start3A_407 : memref<1x32x128xf32, #tpu.memory_space<vmem>> -> memref<32x128xf32, #tpu.memory_space<vmem>>
      %dma_start3A_409 = arith.constant 0 : i32
      %dma_start3A_410 = tpu.memref_slice %arg5[%dma_start3A_409, %multiple_of3A_386] : memref<32x1000000xf32, #tpu.memory_space<hbm>> -> memref<32x128xf32, #tpu.memory_space<hbm>>
      %dma_start3A_411 = arith.constant 0 : i32
      %dma_start3A_412 = arith.constant 0 : i32
      %dma_start3A_413 = tpu.memref_slice %arg10[%dma_start3A_404, %dma_start3A_411, %dma_start3A_412] : memref<8x32x128xf32, #tpu.memory_space<vmem>> -> memref<1x32x128xf32, #tpu.memory_space<vmem>>
      %dma_start3A_414 = tpu.memref_squeeze %dma_start3A_413 : memref<1x32x128xf32, #tpu.memory_space<vmem>> -> memref<32x128xf32, #tpu.memory_space<vmem>>
      %dma_start3A_415 = arith.constant 0 : i32
      %dma_start3A_416 = tpu.memref_slice %arg5[%dma_start3A_415, %multiple_of3A_386] : memref<32x1000000xf32, #tpu.memory_space<hbm>> -> memref<32x128xf32, #tpu.memory_space<hbm>>
      tpu.enqueue_dma source(%dma_start3A_416 : memref<32x128xf32, #tpu.memory_space<hbm>>) target(%dma_start3A_414 : memref<32x128xf32, #tpu.memory_space<vmem>>) target_semaphore(%arg13 : memref<!tpu.dma_semaphore, #tpu.memory_space<semaphore_mem>>)
      %slice3A_417 = vector.extract_strided_slice %get3A_68 {offsets = [7], sizes = [1], strides = [1]} : vector<16xi32> to vector<1xi32>
      %squeeze3A_418 = vector.extract %slice3A_417[0] : i32 from vector<1xi32>
      %slice3A_419 = vector.extract_strided_slice %get3A_113 {offsets = [7], sizes = [1], strides = [1]} : vector<16xi32> to vector<1xi32>
      %squeeze3A_420 = vector.extract %slice3A_419[0] : i32 from vector<1xi32>
      %shift_right_arithmetic3A_421 = arith.constant 7 : i32
      %shift_right_arithmetic3A_422 = arith.shrsi %squeeze3A_418, %shift_right_arithmetic3A_421 : i32
      %shift_left3A_423 = arith.constant 7 : i32
      %shift_left3A_424 = arith.shli %shift_right_arithmetic3A_422, %shift_left3A_423 : i32
      %multiple_of3A_425 = tpu.assume_multiple %shift_left3A_424, 128 : i32
      %shift_right_arithmetic3A_426 = arith.constant 7 : i32
      %shift_right_arithmetic3A_427 = arith.shrsi %squeeze3A_420, %shift_right_arithmetic3A_426 : i32
      %shift_left3A_428 = arith.constant 7 : i32
      %shift_left3A_429 = arith.shli %shift_right_arithmetic3A_427, %shift_left3A_428 : i32
      %multiple_of3A_430 = tpu.assume_multiple %shift_left3A_429, 128 : i32
      %and3A_431 = arith.constant 127 : i32
      %and3A_432 = arith.andi %squeeze3A_418, %and3A_431 : i32
      %and3A_433 = arith.constant 127 : i32
      %and3A_434 = arith.andi %squeeze3A_420, %and3A_433 : i32
      %dma_start3A_435 = arith.constant 7 : i32
      %dma_start3A_436 = arith.constant 0 : i32
      %dma_start3A_437 = arith.constant 0 : i32
      %dma_start3A_438 = tpu.memref_slice %arg9[%dma_start3A_435, %dma_start3A_436, %dma_start3A_437] : memref<8x32x128xf32, #tpu.memory_space<vmem>> -> memref<1x32x128xf32, #tpu.memory_space<vmem>>
      %dma_start3A_439 = tpu.memref_squeeze %dma_start3A_438 : memref<1x32x128xf32, #tpu.memory_space<vmem>> -> memref<32x128xf32, #tpu.memory_space<vmem>>
      %dma_start3A_440 = arith.constant 0 : i32
      %dma_start3A_441 = tpu.memref_slice %arg4[%dma_start3A_440, %multiple_of3A_425] : memref<32x1000000xf32, #tpu.memory_space<hbm>> -> memref<32x128xf32, #tpu.memory_space<hbm>>
      %dma_start3A_442 = arith.constant 0 : i32
      %dma_start3A_443 = arith.constant 0 : i32
      %dma_start3A_444 = tpu.memref_slice %arg9[%dma_start3A_435, %dma_start3A_442, %dma_start3A_443] : memref<8x32x128xf32, #tpu.memory_space<vmem>> -> memref<1x32x128xf32, #tpu.memory_space<vmem>>
      %dma_start3A_445 = tpu.memref_squeeze %dma_start3A_444 : memref<1x32x128xf32, #tpu.memory_space<vmem>> -> memref<32x128xf32, #tpu.memory_space<vmem>>
      %dma_start3A_446 = arith.constant 0 : i32
      %dma_start3A_447 = tpu.memref_slice %arg4[%dma_start3A_446, %multiple_of3A_425] : memref<32x1000000xf32, #tpu.memory_space<hbm>> -> memref<32x128xf32, #tpu.memory_space<hbm>>
      tpu.enqueue_dma source(%dma_start3A_447 : memref<32x128xf32, #tpu.memory_space<hbm>>) target(%dma_start3A_445 : memref<32x128xf32, #tpu.memory_space<vmem>>) target_semaphore(%arg12 : memref<!tpu.dma_semaphore, #tpu.memory_space<semaphore_mem>>)
      %dma_start3A_448 = arith.constant 7 : i32
      %dma_start3A_449 = arith.constant 0 : i32
      %dma_start3A_450 = arith.constant 0 : i32
      %dma_start3A_451 = tpu.memref_slice %arg10[%dma_start3A_448, %dma_start3A_449, %dma_start3A_450] : memref<8x32x128xf32, #tpu.memory_space<vmem>> -> memref<1x32x128xf32, #tpu.memory_space<vmem>>
      %dma_start3A_452 = tpu.memref_squeeze %dma_start3A_451 : memref<1x32x128xf32, #tpu.memory_space<vmem>> -> memref<32x128xf32, #tpu.memory_space<vmem>>
      %dma_start3A_453 = arith.constant 0 : i32
      %dma_start3A_454 = tpu.memref_slice %arg5[%dma_start3A_453, %multiple_of3A_430] : memref<32x1000000xf32, #tpu.memory_space<hbm>> -> memref<32x128xf32, #tpu.memory_space<hbm>>
      %dma_start3A_455 = arith.constant 0 : i32
      %dma_start3A_456 = arith.constant 0 : i32
      %dma_start3A_457 = tpu.memref_slice %arg10[%dma_start3A_448, %dma_start3A_455, %dma_start3A_456] : memref<8x32x128xf32, #tpu.memory_space<vmem>> -> memref<1x32x128xf32, #tpu.memory_space<vmem>>
      %dma_start3A_458 = tpu.memref_squeeze %dma_start3A_457 : memref<1x32x128xf32, #tpu.memory_space<vmem>> -> memref<32x128xf32, #tpu.memory_space<vmem>>
      %dma_start3A_459 = arith.constant 0 : i32
      %dma_start3A_460 = tpu.memref_slice %arg5[%dma_start3A_459, %multiple_of3A_430] : memref<32x1000000xf32, #tpu.memory_space<hbm>> -> memref<32x128xf32, #tpu.memory_space<hbm>>
      tpu.enqueue_dma source(%dma_start3A_460 : memref<32x128xf32, #tpu.memory_space<hbm>>) target(%dma_start3A_458 : memref<32x128xf32, #tpu.memory_space<vmem>>) target_semaphore(%arg13 : memref<!tpu.dma_semaphore, #tpu.memory_space<semaphore_mem>>)
      %dma_wait3A = arith.constant 0 : i32
      %dma_wait3A_461 = arith.constant 0 : i32
      %dma_wait3A_462 = arith.constant 0 : i32
      %dma_wait3A_463 = tpu.memref_slice %arg9[%dma_wait3A, %dma_wait3A_461, %dma_wait3A_462] : memref<8x32x128xf32, #tpu.memory_space<vmem>> -> memref<1x32x128xf32, #tpu.memory_space<vmem>>
      %dma_wait3A_464 = tpu.memref_squeeze %dma_wait3A_463 : memref<1x32x128xf32, #tpu.memory_space<vmem>> -> memref<32x128xf32, #tpu.memory_space<vmem>>
      %dma_wait3A_465 = arith.constant 0 : i32
      %dma_wait3A_466 = tpu.memref_slice %arg4[%dma_wait3A_465, %multiple_of3A] : memref<32x1000000xf32, #tpu.memory_space<hbm>> -> memref<32x128xf32, #tpu.memory_space<hbm>>
      %dma_wait3A_467 = arith.constant 0 : i32
      %dma_wait3A_468 = arith.constant 0 : i32
      %dma_wait3A_469 = tpu.memref_slice %arg9[%dma_wait3A, %dma_wait3A_467, %dma_wait3A_468] : memref<8x32x128xf32, #tpu.memory_space<vmem>> -> memref<1x32x128xf32, #tpu.memory_space<vmem>>
      %dma_wait3A_470 = tpu.memref_squeeze %dma_wait3A_469 : memref<1x32x128xf32, #tpu.memory_space<vmem>> -> memref<32x128xf32, #tpu.memory_space<vmem>>
      %dma_wait3A_471 = arith.constant 0 : i32
      %dma_wait3A_472 = tpu.memref_slice %arg4[%dma_wait3A_471, %multiple_of3A] : memref<32x1000000xf32, #tpu.memory_space<hbm>> -> memref<32x128xf32, #tpu.memory_space<hbm>>
      tpu.wait_dma2 semaphore(%arg12 : memref<!tpu.dma_semaphore, #tpu.memory_space<semaphore_mem>>) src(%dma_wait3A_472 : memref<32x128xf32, #tpu.memory_space<hbm>>) dst(%dma_wait3A_470 : memref<32x128xf32, #tpu.memory_space<vmem>>)
      %dma_wait3A_473 = arith.constant 0 : i32
      %dma_wait3A_474 = arith.constant 0 : i32
      %dma_wait3A_475 = arith.constant 0 : i32
      %dma_wait3A_476 = tpu.memref_slice %arg10[%dma_wait3A_473, %dma_wait3A_474, %dma_wait3A_475] : memref<8x32x128xf32, #tpu.memory_space<vmem>> -> memref<1x32x128xf32, #tpu.memory_space<vmem>>
      %dma_wait3A_477 = tpu.memref_squeeze %dma_wait3A_476 : memref<1x32x128xf32, #tpu.memory_space<vmem>> -> memref<32x128xf32, #tpu.memory_space<vmem>>
      %dma_wait3A_478 = arith.constant 0 : i32
      %dma_wait3A_479 = tpu.memref_slice %arg5[%dma_wait3A_478, %multiple_of3A_123] : memref<32x1000000xf32, #tpu.memory_space<hbm>> -> memref<32x128xf32, #tpu.memory_space<hbm>>
      %dma_wait3A_480 = arith.constant 0 : i32
      %dma_wait3A_481 = arith.constant 0 : i32
      %dma_wait3A_482 = tpu.memref_slice %arg10[%dma_wait3A_473, %dma_wait3A_480, %dma_wait3A_481] : memref<8x32x128xf32, #tpu.memory_space<vmem>> -> memref<1x32x128xf32, #tpu.memory_space<vmem>>
      %dma_wait3A_483 = tpu.memref_squeeze %dma_wait3A_482 : memref<1x32x128xf32, #tpu.memory_space<vmem>> -> memref<32x128xf32, #tpu.memory_space<vmem>>
      %dma_wait3A_484 = arith.constant 0 : i32
      %dma_wait3A_485 = tpu.memref_slice %arg5[%dma_wait3A_484, %multiple_of3A_123] : memref<32x1000000xf32, #tpu.memory_space<hbm>> -> memref<32x128xf32, #tpu.memory_space<hbm>>
      tpu.wait_dma2 semaphore(%arg13 : memref<!tpu.dma_semaphore, #tpu.memory_space<semaphore_mem>>) src(%dma_wait3A_485 : memref<32x128xf32, #tpu.memory_space<hbm>>) dst(%dma_wait3A_483 : memref<32x128xf32, #tpu.memory_space<vmem>>)
      %dma_wait3A_486 = arith.constant 1 : i32
      %dma_wait3A_487 = arith.constant 0 : i32
      %dma_wait3A_488 = arith.constant 0 : i32
      %dma_wait3A_489 = tpu.memref_slice %arg9[%dma_wait3A_486, %dma_wait3A_487, %dma_wait3A_488] : memref<8x32x128xf32, #tpu.memory_space<vmem>> -> memref<1x32x128xf32, #tpu.memory_space<vmem>>
      %dma_wait3A_490 = tpu.memref_squeeze %dma_wait3A_489 : memref<1x32x128xf32, #tpu.memory_space<vmem>> -> memref<32x128xf32, #tpu.memory_space<vmem>>
      %dma_wait3A_491 = arith.constant 0 : i32
      %dma_wait3A_492 = tpu.memref_slice %arg4[%dma_wait3A_491, %multiple_of3A_161] : memref<32x1000000xf32, #tpu.memory_space<hbm>> -> memref<32x128xf32, #tpu.memory_space<hbm>>
      %dma_wait3A_493 = arith.constant 0 : i32
      %dma_wait3A_494 = arith.constant 0 : i32
      %dma_wait3A_495 = tpu.memref_slice %arg9[%dma_wait3A_486, %dma_wait3A_493, %dma_wait3A_494] : memref<8x32x128xf32, #tpu.memory_space<vmem>> -> memref<1x32x128xf32, #tpu.memory_space<vmem>>
      %dma_wait3A_496 = tpu.memref_squeeze %dma_wait3A_495 : memref<1x32x128xf32, #tpu.memory_space<vmem>> -> memref<32x128xf32, #tpu.memory_space<vmem>>
      %dma_wait3A_497 = arith.constant 0 : i32
      %dma_wait3A_498 = tpu.memref_slice %arg4[%dma_wait3A_497, %multiple_of3A_161] : memref<32x1000000xf32, #tpu.memory_space<hbm>> -> memref<32x128xf32, #tpu.memory_space<hbm>>
      tpu.wait_dma2 semaphore(%arg12 : memref<!tpu.dma_semaphore, #tpu.memory_space<semaphore_mem>>) src(%dma_wait3A_498 : memref<32x128xf32, #tpu.memory_space<hbm>>) dst(%dma_wait3A_496 : memref<32x128xf32, #tpu.memory_space<vmem>>)
      %dma_wait3A_499 = arith.constant 1 : i32
      %dma_wait3A_500 = arith.constant 0 : i32
      %dma_wait3A_501 = arith.constant 0 : i32
      %dma_wait3A_502 = tpu.memref_slice %arg10[%dma_wait3A_499, %dma_wait3A_500, %dma_wait3A_501] : memref<8x32x128xf32, #tpu.memory_space<vmem>> -> memref<1x32x128xf32, #tpu.memory_space<vmem>>
      %dma_wait3A_503 = tpu.memref_squeeze %dma_wait3A_502 : memref<1x32x128xf32, #tpu.memory_space<vmem>> -> memref<32x128xf32, #tpu.memory_space<vmem>>
      %dma_wait3A_504 = arith.constant 0 : i32
      %dma_wait3A_505 = tpu.memref_slice %arg5[%dma_wait3A_504, %multiple_of3A_166] : memref<32x1000000xf32, #tpu.memory_space<hbm>> -> memref<32x128xf32, #tpu.memory_space<hbm>>
      %dma_wait3A_506 = arith.constant 0 : i32
      %dma_wait3A_507 = arith.constant 0 : i32
      %dma_wait3A_508 = tpu.memref_slice %arg10[%dma_wait3A_499, %dma_wait3A_506, %dma_wait3A_507] : memref<8x32x128xf32, #tpu.memory_space<vmem>> -> memref<1x32x128xf32, #tpu.memory_space<vmem>>
      %dma_wait3A_509 = tpu.memref_squeeze %dma_wait3A_508 : memref<1x32x128xf32, #tpu.memory_space<vmem>> -> memref<32x128xf32, #tpu.memory_space<vmem>>
      %dma_wait3A_510 = arith.constant 0 : i32
      %dma_wait3A_511 = tpu.memref_slice %arg5[%dma_wait3A_510, %multiple_of3A_166] : memref<32x1000000xf32, #tpu.memory_space<hbm>> -> memref<32x128xf32, #tpu.memory_space<hbm>>
      tpu.wait_dma2 semaphore(%arg13 : memref<!tpu.dma_semaphore, #tpu.memory_space<semaphore_mem>>) src(%dma_wait3A_511 : memref<32x128xf32, #tpu.memory_space<hbm>>) dst(%dma_wait3A_509 : memref<32x128xf32, #tpu.memory_space<vmem>>)
      %dma_wait3A_512 = arith.constant 2 : i32
      %dma_wait3A_513 = arith.constant 0 : i32
      %dma_wait3A_514 = arith.constant 0 : i32
      %dma_wait3A_515 = tpu.memref_slice %arg9[%dma_wait3A_512, %dma_wait3A_513, %dma_wait3A_514] : memref<8x32x128xf32, #tpu.memory_space<vmem>> -> memref<1x32x128xf32, #tpu.memory_space<vmem>>
      %dma_wait3A_516 = tpu.memref_squeeze %dma_wait3A_515 : memref<1x32x128xf32, #tpu.memory_space<vmem>> -> memref<32x128xf32, #tpu.memory_space<vmem>>
      %dma_wait3A_517 = arith.constant 0 : i32
      %dma_wait3A_518 = tpu.memref_slice %arg4[%dma_wait3A_517, %multiple_of3A_205] : memref<32x1000000xf32, #tpu.memory_space<hbm>> -> memref<32x128xf32, #tpu.memory_space<hbm>>
      %dma_wait3A_519 = arith.constant 0 : i32
      %dma_wait3A_520 = arith.constant 0 : i32
      %dma_wait3A_521 = tpu.memref_slice %arg9[%dma_wait3A_512, %dma_wait3A_519, %dma_wait3A_520] : memref<8x32x128xf32, #tpu.memory_space<vmem>> -> memref<1x32x128xf32, #tpu.memory_space<vmem>>
      %dma_wait3A_522 = tpu.memref_squeeze %dma_wait3A_521 : memref<1x32x128xf32, #tpu.memory_space<vmem>> -> memref<32x128xf32, #tpu.memory_space<vmem>>
      %dma_wait3A_523 = arith.constant 0 : i32
      %dma_wait3A_524 = tpu.memref_slice %arg4[%dma_wait3A_523, %multiple_of3A_205] : memref<32x1000000xf32, #tpu.memory_space<hbm>> -> memref<32x128xf32, #tpu.memory_space<hbm>>
      tpu.wait_dma2 semaphore(%arg12 : memref<!tpu.dma_semaphore, #tpu.memory_space<semaphore_mem>>) src(%dma_wait3A_524 : memref<32x128xf32, #tpu.memory_space<hbm>>) dst(%dma_wait3A_522 : memref<32x128xf32, #tpu.memory_space<vmem>>)
      %dma_wait3A_525 = arith.constant 2 : i32
      %dma_wait3A_526 = arith.constant 0 : i32
      %dma_wait3A_527 = arith.constant 0 : i32
      %dma_wait3A_528 = tpu.memref_slice %arg10[%dma_wait3A_525, %dma_wait3A_526, %dma_wait3A_527] : memref<8x32x128xf32, #tpu.memory_space<vmem>> -> memref<1x32x128xf32, #tpu.memory_space<vmem>>
      %dma_wait3A_529 = tpu.memref_squeeze %dma_wait3A_528 : memref<1x32x128xf32, #tpu.memory_space<vmem>> -> memref<32x128xf32, #tpu.memory_space<vmem>>
      %dma_wait3A_530 = arith.constant 0 : i32
      %dma_wait3A_531 = tpu.memref_slice %arg5[%dma_wait3A_530, %multiple_of3A_210] : memref<32x1000000xf32, #tpu.memory_space<hbm>> -> memref<32x128xf32, #tpu.memory_space<hbm>>
      %dma_wait3A_532 = arith.constant 0 : i32
      %dma_wait3A_533 = arith.constant 0 : i32
      %dma_wait3A_534 = tpu.memref_slice %arg10[%dma_wait3A_525, %dma_wait3A_532, %dma_wait3A_533] : memref<8x32x128xf32, #tpu.memory_space<vmem>> -> memref<1x32x128xf32, #tpu.memory_space<vmem>>
      %dma_wait3A_535 = tpu.memref_squeeze %dma_wait3A_534 : memref<1x32x128xf32, #tpu.memory_space<vmem>> -> memref<32x128xf32, #tpu.memory_space<vmem>>
      %dma_wait3A_536 = arith.constant 0 : i32
      %dma_wait3A_537 = tpu.memref_slice %arg5[%dma_wait3A_536, %multiple_of3A_210] : memref<32x1000000xf32, #tpu.memory_space<hbm>> -> memref<32x128xf32, #tpu.memory_space<hbm>>
      tpu.wait_dma2 semaphore(%arg13 : memref<!tpu.dma_semaphore, #tpu.memory_space<semaphore_mem>>) src(%dma_wait3A_537 : memref<32x128xf32, #tpu.memory_space<hbm>>) dst(%dma_wait3A_535 : memref<32x128xf32, #tpu.memory_space<vmem>>)
      %dma_wait3A_538 = arith.constant 3 : i32
      %dma_wait3A_539 = arith.constant 0 : i32
      %dma_wait3A_540 = arith.constant 0 : i32
      %dma_wait3A_541 = tpu.memref_slice %arg9[%dma_wait3A_538, %dma_wait3A_539, %dma_wait3A_540] : memref<8x32x128xf32, #tpu.memory_space<vmem>> -> memref<1x32x128xf32, #tpu.memory_space<vmem>>
      %dma_wait3A_542 = tpu.memref_squeeze %dma_wait3A_541 : memref<1x32x128xf32, #tpu.memory_space<vmem>> -> memref<32x128xf32, #tpu.memory_space<vmem>>
      %dma_wait3A_543 = arith.constant 0 : i32
      %dma_wait3A_544 = tpu.memref_slice %arg4[%dma_wait3A_543, %multiple_of3A_249] : memref<32x1000000xf32, #tpu.memory_space<hbm>> -> memref<32x128xf32, #tpu.memory_space<hbm>>
      %dma_wait3A_545 = arith.constant 0 : i32
      %dma_wait3A_546 = arith.constant 0 : i32
      %dma_wait3A_547 = tpu.memref_slice %arg9[%dma_wait3A_538, %dma_wait3A_545, %dma_wait3A_546] : memref<8x32x128xf32, #tpu.memory_space<vmem>> -> memref<1x32x128xf32, #tpu.memory_space<vmem>>
      %dma_wait3A_548 = tpu.memref_squeeze %dma_wait3A_547 : memref<1x32x128xf32, #tpu.memory_space<vmem>> -> memref<32x128xf32, #tpu.memory_space<vmem>>
      %dma_wait3A_549 = arith.constant 0 : i32
      %dma_wait3A_550 = tpu.memref_slice %arg4[%dma_wait3A_549, %multiple_of3A_249] : memref<32x1000000xf32, #tpu.memory_space<hbm>> -> memref<32x128xf32, #tpu.memory_space<hbm>>
      tpu.wait_dma2 semaphore(%arg12 : memref<!tpu.dma_semaphore, #tpu.memory_space<semaphore_mem>>) src(%dma_wait3A_550 : memref<32x128xf32, #tpu.memory_space<hbm>>) dst(%dma_wait3A_548 : memref<32x128xf32, #tpu.memory_space<vmem>>)
      %dma_wait3A_551 = arith.constant 3 : i32
      %dma_wait3A_552 = arith.constant 0 : i32
      %dma_wait3A_553 = arith.constant 0 : i32
      %dma_wait3A_554 = tpu.memref_slice %arg10[%dma_wait3A_551, %dma_wait3A_552, %dma_wait3A_553] : memref<8x32x128xf32, #tpu.memory_space<vmem>> -> memref<1x32x128xf32, #tpu.memory_space<vmem>>
      %dma_wait3A_555 = tpu.memref_squeeze %dma_wait3A_554 : memref<1x32x128xf32, #tpu.memory_space<vmem>> -> memref<32x128xf32, #tpu.memory_space<vmem>>
      %dma_wait3A_556 = arith.constant 0 : i32
      %dma_wait3A_557 = tpu.memref_slice %arg5[%dma_wait3A_556, %multiple_of3A_254] : memref<32x1000000xf32, #tpu.memory_space<hbm>> -> memref<32x128xf32, #tpu.memory_space<hbm>>
      %dma_wait3A_558 = arith.constant 0 : i32
      %dma_wait3A_559 = arith.constant 0 : i32
      %dma_wait3A_560 = tpu.memref_slice %arg10[%dma_wait3A_551, %dma_wait3A_558, %dma_wait3A_559] : memref<8x32x128xf32, #tpu.memory_space<vmem>> -> memref<1x32x128xf32, #tpu.memory_space<vmem>>
      %dma_wait3A_561 = tpu.memref_squeeze %dma_wait3A_560 : memref<1x32x128xf32, #tpu.memory_space<vmem>> -> memref<32x128xf32, #tpu.memory_space<vmem>>
      %dma_wait3A_562 = arith.constant 0 : i32
      %dma_wait3A_563 = tpu.memref_slice %arg5[%dma_wait3A_562, %multiple_of3A_254] : memref<32x1000000xf32, #tpu.memory_space<hbm>> -> memref<32x128xf32, #tpu.memory_space<hbm>>
      tpu.wait_dma2 semaphore(%arg13 : memref<!tpu.dma_semaphore, #tpu.memory_space<semaphore_mem>>) src(%dma_wait3A_563 : memref<32x128xf32, #tpu.memory_space<hbm>>) dst(%dma_wait3A_561 : memref<32x128xf32, #tpu.memory_space<vmem>>)
      %dma_wait3A_564 = arith.constant 4 : i32
      %dma_wait3A_565 = arith.constant 0 : i32
      %dma_wait3A_566 = arith.constant 0 : i32
      %dma_wait3A_567 = tpu.memref_slice %arg9[%dma_wait3A_564, %dma_wait3A_565, %dma_wait3A_566] : memref<8x32x128xf32, #tpu.memory_space<vmem>> -> memref<1x32x128xf32, #tpu.memory_space<vmem>>
      %dma_wait3A_568 = tpu.memref_squeeze %dma_wait3A_567 : memref<1x32x128xf32, #tpu.memory_space<vmem>> -> memref<32x128xf32, #tpu.memory_space<vmem>>
      %dma_wait3A_569 = arith.constant 0 : i32
      %dma_wait3A_570 = tpu.memref_slice %arg4[%dma_wait3A_569, %multiple_of3A_293] : memref<32x1000000xf32, #tpu.memory_space<hbm>> -> memref<32x128xf32, #tpu.memory_space<hbm>>
      %dma_wait3A_571 = arith.constant 0 : i32
      %dma_wait3A_572 = arith.constant 0 : i32
      %dma_wait3A_573 = tpu.memref_slice %arg9[%dma_wait3A_564, %dma_wait3A_571, %dma_wait3A_572] : memref<8x32x128xf32, #tpu.memory_space<vmem>> -> memref<1x32x128xf32, #tpu.memory_space<vmem>>
      %dma_wait3A_574 = tpu.memref_squeeze %dma_wait3A_573 : memref<1x32x128xf32, #tpu.memory_space<vmem>> -> memref<32x128xf32, #tpu.memory_space<vmem>>
      %dma_wait3A_575 = arith.constant 0 : i32
      %dma_wait3A_576 = tpu.memref_slice %arg4[%dma_wait3A_575, %multiple_of3A_293] : memref<32x1000000xf32, #tpu.memory_space<hbm>> -> memref<32x128xf32, #tpu.memory_space<hbm>>
      tpu.wait_dma2 semaphore(%arg12 : memref<!tpu.dma_semaphore, #tpu.memory_space<semaphore_mem>>) src(%dma_wait3A_576 : memref<32x128xf32, #tpu.memory_space<hbm>>) dst(%dma_wait3A_574 : memref<32x128xf32, #tpu.memory_space<vmem>>)
      %dma_wait3A_577 = arith.constant 4 : i32
      %dma_wait3A_578 = arith.constant 0 : i32
      %dma_wait3A_579 = arith.constant 0 : i32
      %dma_wait3A_580 = tpu.memref_slice %arg10[%dma_wait3A_577, %dma_wait3A_578, %dma_wait3A_579] : memref<8x32x128xf32, #tpu.memory_space<vmem>> -> memref<1x32x128xf32, #tpu.memory_space<vmem>>
      %dma_wait3A_581 = tpu.memref_squeeze %dma_wait3A_580 : memref<1x32x128xf32, #tpu.memory_space<vmem>> -> memref<32x128xf32, #tpu.memory_space<vmem>>
      %dma_wait3A_582 = arith.constant 0 : i32
      %dma_wait3A_583 = tpu.memref_slice %arg5[%dma_wait3A_582, %multiple_of3A_298] : memref<32x1000000xf32, #tpu.memory_space<hbm>> -> memref<32x128xf32, #tpu.memory_space<hbm>>
      %dma_wait3A_584 = arith.constant 0 : i32
      %dma_wait3A_585 = arith.constant 0 : i32
      %dma_wait3A_586 = tpu.memref_slice %arg10[%dma_wait3A_577, %dma_wait3A_584, %dma_wait3A_585] : memref<8x32x128xf32, #tpu.memory_space<vmem>> -> memref<1x32x128xf32, #tpu.memory_space<vmem>>
      %dma_wait3A_587 = tpu.memref_squeeze %dma_wait3A_586 : memref<1x32x128xf32, #tpu.memory_space<vmem>> -> memref<32x128xf32, #tpu.memory_space<vmem>>
      %dma_wait3A_588 = arith.constant 0 : i32
      %dma_wait3A_589 = tpu.memref_slice %arg5[%dma_wait3A_588, %multiple_of3A_298] : memref<32x1000000xf32, #tpu.memory_space<hbm>> -> memref<32x128xf32, #tpu.memory_space<hbm>>
      tpu.wait_dma2 semaphore(%arg13 : memref<!tpu.dma_semaphore, #tpu.memory_space<semaphore_mem>>) src(%dma_wait3A_589 : memref<32x128xf32, #tpu.memory_space<hbm>>) dst(%dma_wait3A_587 : memref<32x128xf32, #tpu.memory_space<vmem>>)
      %dma_wait3A_590 = arith.constant 5 : i32
      %dma_wait3A_591 = arith.constant 0 : i32
      %dma_wait3A_592 = arith.constant 0 : i32
      %dma_wait3A_593 = tpu.memref_slice %arg9[%dma_wait3A_590, %dma_wait3A_591, %dma_wait3A_592] : memref<8x32x128xf32, #tpu.memory_space<vmem>> -> memref<1x32x128xf32, #tpu.memory_space<vmem>>
      %dma_wait3A_594 = tpu.memref_squeeze %dma_wait3A_593 : memref<1x32x128xf32, #tpu.memory_space<vmem>> -> memref<32x128xf32, #tpu.memory_space<vmem>>
      %dma_wait3A_595 = arith.constant 0 : i32
      %dma_wait3A_596 = tpu.memref_slice %arg4[%dma_wait3A_595, %multiple_of3A_337] : memref<32x1000000xf32, #tpu.memory_space<hbm>> -> memref<32x128xf32, #tpu.memory_space<hbm>>
      %dma_wait3A_597 = arith.constant 0 : i32
      %dma_wait3A_598 = arith.constant 0 : i32
      %dma_wait3A_599 = tpu.memref_slice %arg9[%dma_wait3A_590, %dma_wait3A_597, %dma_wait3A_598] : memref<8x32x128xf32, #tpu.memory_space<vmem>> -> memref<1x32x128xf32, #tpu.memory_space<vmem>>
      %dma_wait3A_600 = tpu.memref_squeeze %dma_wait3A_599 : memref<1x32x128xf32, #tpu.memory_space<vmem>> -> memref<32x128xf32, #tpu.memory_space<vmem>>
      %dma_wait3A_601 = arith.constant 0 : i32
      %dma_wait3A_602 = tpu.memref_slice %arg4[%dma_wait3A_601, %multiple_of3A_337] : memref<32x1000000xf32, #tpu.memory_space<hbm>> -> memref<32x128xf32, #tpu.memory_space<hbm>>
      tpu.wait_dma2 semaphore(%arg12 : memref<!tpu.dma_semaphore, #tpu.memory_space<semaphore_mem>>) src(%dma_wait3A_602 : memref<32x128xf32, #tpu.memory_space<hbm>>) dst(%dma_wait3A_600 : memref<32x128xf32, #tpu.memory_space<vmem>>)
      %dma_wait3A_603 = arith.constant 5 : i32
      %dma_wait3A_604 = arith.constant 0 : i32
      %dma_wait3A_605 = arith.constant 0 : i32
      %dma_wait3A_606 = tpu.memref_slice %arg10[%dma_wait3A_603, %dma_wait3A_604, %dma_wait3A_605] : memref<8x32x128xf32, #tpu.memory_space<vmem>> -> memref<1x32x128xf32, #tpu.memory_space<vmem>>
      %dma_wait3A_607 = tpu.memref_squeeze %dma_wait3A_606 : memref<1x32x128xf32, #tpu.memory_space<vmem>> -> memref<32x128xf32, #tpu.memory_space<vmem>>
      %dma_wait3A_608 = arith.constant 0 : i32
      %dma_wait3A_609 = tpu.memref_slice %arg5[%dma_wait3A_608, %multiple_of3A_342] : memref<32x1000000xf32, #tpu.memory_space<hbm>> -> memref<32x128xf32, #tpu.memory_space<hbm>>
      %dma_wait3A_610 = arith.constant 0 : i32
      %dma_wait3A_611 = arith.constant 0 : i32
      %dma_wait3A_612 = tpu.memref_slice %arg10[%dma_wait3A_603, %dma_wait3A_610, %dma_wait3A_611] : memref<8x32x128xf32, #tpu.memory_space<vmem>> -> memref<1x32x128xf32, #tpu.memory_space<vmem>>
      %dma_wait3A_613 = tpu.memref_squeeze %dma_wait3A_612 : memref<1x32x128xf32, #tpu.memory_space<vmem>> -> memref<32x128xf32, #tpu.memory_space<vmem>>
      %dma_wait3A_614 = arith.constant 0 : i32
      %dma_wait3A_615 = tpu.memref_slice %arg5[%dma_wait3A_614, %multiple_of3A_342] : memref<32x1000000xf32, #tpu.memory_space<hbm>> -> memref<32x128xf32, #tpu.memory_space<hbm>>
      tpu.wait_dma2 semaphore(%arg13 : memref<!tpu.dma_semaphore, #tpu.memory_space<semaphore_mem>>) src(%dma_wait3A_615 : memref<32x128xf32, #tpu.memory_space<hbm>>) dst(%dma_wait3A_613 : memref<32x128xf32, #tpu.memory_space<vmem>>)
      %dma_wait3A_616 = arith.constant 6 : i32
      %dma_wait3A_617 = arith.constant 0 : i32
      %dma_wait3A_618 = arith.constant 0 : i32
      %dma_wait3A_619 = tpu.memref_slice %arg9[%dma_wait3A_616, %dma_wait3A_617, %dma_wait3A_618] : memref<8x32x128xf32, #tpu.memory_space<vmem>> -> memref<1x32x128xf32, #tpu.memory_space<vmem>>
      %dma_wait3A_620 = tpu.memref_squeeze %dma_wait3A_619 : memref<1x32x128xf32, #tpu.memory_space<vmem>> -> memref<32x128xf32, #tpu.memory_space<vmem>>
      %dma_wait3A_621 = arith.constant 0 : i32
      %dma_wait3A_622 = tpu.memref_slice %arg4[%dma_wait3A_621, %multiple_of3A_381] : memref<32x1000000xf32, #tpu.memory_space<hbm>> -> memref<32x128xf32, #tpu.memory_space<hbm>>
      %dma_wait3A_623 = arith.constant 0 : i32
      %dma_wait3A_624 = arith.constant 0 : i32
      %dma_wait3A_625 = tpu.memref_slice %arg9[%dma_wait3A_616, %dma_wait3A_623, %dma_wait3A_624] : memref<8x32x128xf32, #tpu.memory_space<vmem>> -> memref<1x32x128xf32, #tpu.memory_space<vmem>>
      %dma_wait3A_626 = tpu.memref_squeeze %dma_wait3A_625 : memref<1x32x128xf32, #tpu.memory_space<vmem>> -> memref<32x128xf32, #tpu.memory_space<vmem>>
      %dma_wait3A_627 = arith.constant 0 : i32
      %dma_wait3A_628 = tpu.memref_slice %arg4[%dma_wait3A_627, %multiple_of3A_381] : memref<32x1000000xf32, #tpu.memory_space<hbm>> -> memref<32x128xf32, #tpu.memory_space<hbm>>
      tpu.wait_dma2 semaphore(%arg12 : memref<!tpu.dma_semaphore, #tpu.memory_space<semaphore_mem>>) src(%dma_wait3A_628 : memref<32x128xf32, #tpu.memory_space<hbm>>) dst(%dma_wait3A_626 : memref<32x128xf32, #tpu.memory_space<vmem>>)
      %dma_wait3A_629 = arith.constant 6 : i32
      %dma_wait3A_630 = arith.constant 0 : i32
      %dma_wait3A_631 = arith.constant 0 : i32
      %dma_wait3A_632 = tpu.memref_slice %arg10[%dma_wait3A_629, %dma_wait3A_630, %dma_wait3A_631] : memref<8x32x128xf32, #tpu.memory_space<vmem>> -> memref<1x32x128xf32, #tpu.memory_space<vmem>>
      %dma_wait3A_633 = tpu.memref_squeeze %dma_wait3A_632 : memref<1x32x128xf32, #tpu.memory_space<vmem>> -> memref<32x128xf32, #tpu.memory_space<vmem>>
      %dma_wait3A_634 = arith.constant 0 : i32
      %dma_wait3A_635 = tpu.memref_slice %arg5[%dma_wait3A_634, %multiple_of3A_386] : memref<32x1000000xf32, #tpu.memory_space<hbm>> -> memref<32x128xf32, #tpu.memory_space<hbm>>
      %dma_wait3A_636 = arith.constant 0 : i32
      %dma_wait3A_637 = arith.constant 0 : i32
      %dma_wait3A_638 = tpu.memref_slice %arg10[%dma_wait3A_629, %dma_wait3A_636, %dma_wait3A_637] : memref<8x32x128xf32, #tpu.memory_space<vmem>> -> memref<1x32x128xf32, #tpu.memory_space<vmem>>
      %dma_wait3A_639 = tpu.memref_squeeze %dma_wait3A_638 : memref<1x32x128xf32, #tpu.memory_space<vmem>> -> memref<32x128xf32, #tpu.memory_space<vmem>>
      %dma_wait3A_640 = arith.constant 0 : i32
      %dma_wait3A_641 = tpu.memref_slice %arg5[%dma_wait3A_640, %multiple_of3A_386] : memref<32x1000000xf32, #tpu.memory_space<hbm>> -> memref<32x128xf32, #tpu.memory_space<hbm>>
      tpu.wait_dma2 semaphore(%arg13 : memref<!tpu.dma_semaphore, #tpu.memory_space<semaphore_mem>>) src(%dma_wait3A_641 : memref<32x128xf32, #tpu.memory_space<hbm>>) dst(%dma_wait3A_639 : memref<32x128xf32, #tpu.memory_space<vmem>>)
      %dma_wait3A_642 = arith.constant 7 : i32
      %dma_wait3A_643 = arith.constant 0 : i32
      %dma_wait3A_644 = arith.constant 0 : i32
      %dma_wait3A_645 = tpu.memref_slice %arg9[%dma_wait3A_642, %dma_wait3A_643, %dma_wait3A_644] : memref<8x32x128xf32, #tpu.memory_space<vmem>> -> memref<1x32x128xf32, #tpu.memory_space<vmem>>
      %dma_wait3A_646 = tpu.memref_squeeze %dma_wait3A_645 : memref<1x32x128xf32, #tpu.memory_space<vmem>> -> memref<32x128xf32, #tpu.memory_space<vmem>>
      %dma_wait3A_647 = arith.constant 0 : i32
      %dma_wait3A_648 = tpu.memref_slice %arg4[%dma_wait3A_647, %multiple_of3A_425] : memref<32x1000000xf32, #tpu.memory_space<hbm>> -> memref<32x128xf32, #tpu.memory_space<hbm>>
      %dma_wait3A_649 = arith.constant 0 : i32
      %dma_wait3A_650 = arith.constant 0 : i32
      %dma_wait3A_651 = tpu.memref_slice %arg9[%dma_wait3A_642, %dma_wait3A_649, %dma_wait3A_650] : memref<8x32x128xf32, #tpu.memory_space<vmem>> -> memref<1x32x128xf32, #tpu.memory_space<vmem>>
      %dma_wait3A_652 = tpu.memref_squeeze %dma_wait3A_651 : memref<1x32x128xf32, #tpu.memory_space<vmem>> -> memref<32x128xf32, #tpu.memory_space<vmem>>
      %dma_wait3A_653 = arith.constant 0 : i32
      %dma_wait3A_654 = tpu.memref_slice %arg4[%dma_wait3A_653, %multiple_of3A_425] : memref<32x1000000xf32, #tpu.memory_space<hbm>> -> memref<32x128xf32, #tpu.memory_space<hbm>>
      tpu.wait_dma2 semaphore(%arg12 : memref<!tpu.dma_semaphore, #tpu.memory_space<semaphore_mem>>) src(%dma_wait3A_654 : memref<32x128xf32, #tpu.memory_space<hbm>>) dst(%dma_wait3A_652 : memref<32x128xf32, #tpu.memory_space<vmem>>)
      %dma_wait3A_655 = arith.constant 7 : i32
      %dma_wait3A_656 = arith.constant 0 : i32
      %dma_wait3A_657 = arith.constant 0 : i32
      %dma_wait3A_658 = tpu.memref_slice %arg10[%dma_wait3A_655, %dma_wait3A_656, %dma_wait3A_657] : memref<8x32x128xf32, #tpu.memory_space<vmem>> -> memref<1x32x128xf32, #tpu.memory_space<vmem>>
      %dma_wait3A_659 = tpu.memref_squeeze %dma_wait3A_658 : memref<1x32x128xf32, #tpu.memory_space<vmem>> -> memref<32x128xf32, #tpu.memory_space<vmem>>
      %dma_wait3A_660 = arith.constant 0 : i32
      %dma_wait3A_661 = tpu.memref_slice %arg5[%dma_wait3A_660, %multiple_of3A_430] : memref<32x1000000xf32, #tpu.memory_space<hbm>> -> memref<32x128xf32, #tpu.memory_space<hbm>>
      %dma_wait3A_662 = arith.constant 0 : i32
      %dma_wait3A_663 = arith.constant 0 : i32
      %dma_wait3A_664 = tpu.memref_slice %arg10[%dma_wait3A_655, %dma_wait3A_662, %dma_wait3A_663] : memref<8x32x128xf32, #tpu.memory_space<vmem>> -> memref<1x32x128xf32, #tpu.memory_space<vmem>>
      %dma_wait3A_665 = tpu.memref_squeeze %dma_wait3A_664 : memref<1x32x128xf32, #tpu.memory_space<vmem>> -> memref<32x128xf32, #tpu.memory_space<vmem>>
      %dma_wait3A_666 = arith.constant 0 : i32
      %dma_wait3A_667 = tpu.memref_slice %arg5[%dma_wait3A_666, %multiple_of3A_430] : memref<32x1000000xf32, #tpu.memory_space<hbm>> -> memref<32x128xf32, #tpu.memory_space<hbm>>
      tpu.wait_dma2 semaphore(%arg13 : memref<!tpu.dma_semaphore, #tpu.memory_space<semaphore_mem>>) src(%dma_wait3A_667 : memref<32x128xf32, #tpu.memory_space<hbm>>) dst(%dma_wait3A_665 : memref<32x128xf32, #tpu.memory_space<vmem>>)
      %broadcast_in_dim3A_668 = arith.constant 0 : i32
      %broadcast_in_dim3A_669 = vector.broadcast %broadcast_in_dim3A_668 : i32 to vector<16xi32>
      %broadcast_in_dim3A_670 = vector.broadcast %and3A_125 : i32 to vector<16xi32>
      %broadcast_in_dim3A_671 = vector.broadcast %and3A_127 : i32 to vector<16xi32>
      %gather3A = tpu.vector_load_idx %arg9[%broadcast_in_dim3A_669, %iota3A, %broadcast_in_dim3A_670] : memref<8x32x128xf32, #tpu.memory_space<vmem>>[vector<16xi32>, vector<16xi32>, vector<16xi32>], vector<16xf32>,
      %gather3A_672 = tpu.vector_load_idx %arg9[%broadcast_in_dim3A_669, %add3A_28, %broadcast_in_dim3A_670] : memref<8x32x128xf32, #tpu.memory_space<vmem>>[vector<16xi32>, vector<16xi32>, vector<16xi32>], vector<16xf32>,
      %gather3A_673 = tpu.vector_load_idx %arg10[%broadcast_in_dim3A_669, %iota3A, %broadcast_in_dim3A_671] : memref<8x32x128xf32, #tpu.memory_space<vmem>>[vector<16xi32>, vector<16xi32>, vector<16xi32>], vector<16xf32>,
      %gather3A_674 = tpu.vector_load_idx %arg10[%broadcast_in_dim3A_669, %add3A_28, %broadcast_in_dim3A_671] : memref<8x32x128xf32, #tpu.memory_space<vmem>>[vector<16xi32>, vector<16xi32>, vector<16xi32>], vector<16xf32>,
      %mul3A_675 = arith.mulf %gather3A, %gather3A_673 : vector<16xf32>
      %mul3A_676 = arith.mulf %gather3A_672, %gather3A_674 : vector<16xf32>
      %add3A_677 = arith.addf %mul3A_675, %mul3A_676 : vector<16xf32>
      %reduce_sum3A = arith.constant true
      %reduce_sum3A_678 = vector.broadcast %reduce_sum3A : i1 to vector<16xi1>
      %reduce_sum3A_679 = tpu.scan <sum>, %add3A_677 masked %reduce_sum3A_678 : vector<16xf32>, vector<16xi1> -> vector<16xf32>
      %reduce_sum3A_680 = vector.extract %reduce_sum3A_679[15] : f32 from vector<16xf32>
      %eq3A_681 = arith.constant 0 : i32
      %eq3A_682 = vector.broadcast %eq3A_681 : i32 to vector<16xi32>
      %eq3A_683 = arith.cmpi eq, %iota3A, %eq3A_682 : vector<16xi32>
      %broadcast_in_dim3A_684 = vector.broadcast %reduce_sum3A_680 : f32 to vector<16xf32>
      %select_n3A_685 = arith.select %eq3A_683, %broadcast_in_dim3A_684, %broadcast_in_dim3A_114 : vector<16xi1>, vector<16xf32>
      %broadcast_in_dim3A_686 = arith.constant 1 : i32
      %broadcast_in_dim3A_687 = vector.broadcast %broadcast_in_dim3A_686 : i32 to vector<16xi32>
      %broadcast_in_dim3A_688 = vector.broadcast %and3A_168 : i32 to vector<16xi32>
      %broadcast_in_dim3A_689 = vector.broadcast %and3A_170 : i32 to vector<16xi32>
      %gather3A_690 = tpu.vector_load_idx %arg9[%broadcast_in_dim3A_687, %iota3A, %broadcast_in_dim3A_688] : memref<8x32x128xf32, #tpu.memory_space<vmem>>[vector<16xi32>, vector<16xi32>, vector<16xi32>], vector<16xf32>,
      %gather3A_691 = tpu.vector_load_idx %arg9[%broadcast_in_dim3A_687, %add3A_28, %broadcast_in_dim3A_688] : memref<8x32x128xf32, #tpu.memory_space<vmem>>[vector<16xi32>, vector<16xi32>, vector<16xi32>], vector<16xf32>,
      %gather3A_692 = tpu.vector_load_idx %arg10[%broadcast_in_dim3A_687, %iota3A, %broadcast_in_dim3A_689] : memref<8x32x128xf32, #tpu.memory_space<vmem>>[vector<16xi32>, vector<16xi32>, vector<16xi32>], vector<16xf32>,
      %gather3A_693 = tpu.vector_load_idx %arg10[%broadcast_in_dim3A_687, %add3A_28, %broadcast_in_dim3A_689] : memref<8x32x128xf32, #tpu.memory_space<vmem>>[vector<16xi32>, vector<16xi32>, vector<16xi32>], vector<16xf32>,
      %mul3A_694 = arith.mulf %gather3A_690, %gather3A_692 : vector<16xf32>
      %mul3A_695 = arith.mulf %gather3A_691, %gather3A_693 : vector<16xf32>
      %add3A_696 = arith.addf %mul3A_694, %mul3A_695 : vector<16xf32>
      %reduce_sum3A_697 = arith.constant true
      %reduce_sum3A_698 = vector.broadcast %reduce_sum3A_697 : i1 to vector<16xi1>
      %reduce_sum3A_699 = tpu.scan <sum>, %add3A_696 masked %reduce_sum3A_698 : vector<16xf32>, vector<16xi1> -> vector<16xf32>
      %reduce_sum3A_700 = vector.extract %reduce_sum3A_699[15] : f32 from vector<16xf32>
      %eq3A_701 = arith.constant 1 : i32
      %eq3A_702 = vector.broadcast %eq3A_701 : i32 to vector<16xi32>
      %eq3A_703 = arith.cmpi eq, %iota3A, %eq3A_702 : vector<16xi32>
      %broadcast_in_dim3A_704 = vector.broadcast %reduce_sum3A_700 : f32 to vector<16xf32>
      %select_n3A_705 = arith.select %eq3A_703, %broadcast_in_dim3A_704, %select_n3A_685 : vector<16xi1>, vector<16xf32>
      %broadcast_in_dim3A_706 = arith.constant 2 : i32
      %broadcast_in_dim3A_707 = vector.broadcast %broadcast_in_dim3A_706 : i32 to vector<16xi32>
      %broadcast_in_dim3A_708 = vector.broadcast %and3A_212 : i32 to vector<16xi32>
      %broadcast_in_dim3A_709 = vector.broadcast %and3A_214 : i32 to vector<16xi32>
      %gather3A_710 = tpu.vector_load_idx %arg9[%broadcast_in_dim3A_707, %iota3A, %broadcast_in_dim3A_708] : memref<8x32x128xf32, #tpu.memory_space<vmem>>[vector<16xi32>, vector<16xi32>, vector<16xi32>], vector<16xf32>,
      %gather3A_711 = tpu.vector_load_idx %arg9[%broadcast_in_dim3A_707, %add3A_28, %broadcast_in_dim3A_708] : memref<8x32x128xf32, #tpu.memory_space<vmem>>[vector<16xi32>, vector<16xi32>, vector<16xi32>], vector<16xf32>,
      %gather3A_712 = tpu.vector_load_idx %arg10[%broadcast_in_dim3A_707, %iota3A, %broadcast_in_dim3A_709] : memref<8x32x128xf32, #tpu.memory_space<vmem>>[vector<16xi32>, vector<16xi32>, vector<16xi32>], vector<16xf32>,
      %gather3A_713 = tpu.vector_load_idx %arg10[%broadcast_in_dim3A_707, %add3A_28, %broadcast_in_dim3A_709] : memref<8x32x128xf32, #tpu.memory_space<vmem>>[vector<16xi32>, vector<16xi32>, vector<16xi32>], vector<16xf32>,
      %mul3A_714 = arith.mulf %gather3A_710, %gather3A_712 : vector<16xf32>
      %mul3A_715 = arith.mulf %gather3A_711, %gather3A_713 : vector<16xf32>
      %add3A_716 = arith.addf %mul3A_714, %mul3A_715 : vector<16xf32>
      %reduce_sum3A_717 = arith.constant true
      %reduce_sum3A_718 = vector.broadcast %reduce_sum3A_717 : i1 to vector<16xi1>
      %reduce_sum3A_719 = tpu.scan <sum>, %add3A_716 masked %reduce_sum3A_718 : vector<16xf32>, vector<16xi1> -> vector<16xf32>
      %reduce_sum3A_720 = vector.extract %reduce_sum3A_719[15] : f32 from vector<16xf32>
      %eq3A_721 = arith.constant 2 : i32
      %eq3A_722 = vector.broadcast %eq3A_721 : i32 to vector<16xi32>
      %eq3A_723 = arith.cmpi eq, %iota3A, %eq3A_722 : vector<16xi32>
      %broadcast_in_dim3A_724 = vector.broadcast %reduce_sum3A_720 : f32 to vector<16xf32>
      %select_n3A_725 = arith.select %eq3A_723, %broadcast_in_dim3A_724, %select_n3A_705 : vector<16xi1>, vector<16xf32>
      %broadcast_in_dim3A_726 = arith.constant 3 : i32
      %broadcast_in_dim3A_727 = vector.broadcast %broadcast_in_dim3A_726 : i32 to vector<16xi32>
      %broadcast_in_dim3A_728 = vector.broadcast %and3A_256 : i32 to vector<16xi32>
      %broadcast_in_dim3A_729 = vector.broadcast %and3A_258 : i32 to vector<16xi32>
      %gather3A_730 = tpu.vector_load_idx %arg9[%broadcast_in_dim3A_727, %iota3A, %broadcast_in_dim3A_728] : memref<8x32x128xf32, #tpu.memory_space<vmem>>[vector<16xi32>, vector<16xi32>, vector<16xi32>], vector<16xf32>,
      %gather3A_731 = tpu.vector_load_idx %arg9[%broadcast_in_dim3A_727, %add3A_28, %broadcast_in_dim3A_728] : memref<8x32x128xf32, #tpu.memory_space<vmem>>[vector<16xi32>, vector<16xi32>, vector<16xi32>], vector<16xf32>,
      %gather3A_732 = tpu.vector_load_idx %arg10[%broadcast_in_dim3A_727, %iota3A, %broadcast_in_dim3A_729] : memref<8x32x128xf32, #tpu.memory_space<vmem>>[vector<16xi32>, vector<16xi32>, vector<16xi32>], vector<16xf32>,
      %gather3A_733 = tpu.vector_load_idx %arg10[%broadcast_in_dim3A_727, %add3A_28, %broadcast_in_dim3A_729] : memref<8x32x128xf32, #tpu.memory_space<vmem>>[vector<16xi32>, vector<16xi32>, vector<16xi32>], vector<16xf32>,
      %mul3A_734 = arith.mulf %gather3A_730, %gather3A_732 : vector<16xf32>
      %mul3A_735 = arith.mulf %gather3A_731, %gather3A_733 : vector<16xf32>
      %add3A_736 = arith.addf %mul3A_734, %mul3A_735 : vector<16xf32>
      %reduce_sum3A_737 = arith.constant true
      %reduce_sum3A_738 = vector.broadcast %reduce_sum3A_737 : i1 to vector<16xi1>
      %reduce_sum3A_739 = tpu.scan <sum>, %add3A_736 masked %reduce_sum3A_738 : vector<16xf32>, vector<16xi1> -> vector<16xf32>
      %reduce_sum3A_740 = vector.extract %reduce_sum3A_739[15] : f32 from vector<16xf32>
      %eq3A_741 = arith.constant 3 : i32
      %eq3A_742 = vector.broadcast %eq3A_741 : i32 to vector<16xi32>
      %eq3A_743 = arith.cmpi eq, %iota3A, %eq3A_742 : vector<16xi32>
      %broadcast_in_dim3A_744 = vector.broadcast %reduce_sum3A_740 : f32 to vector<16xf32>
      %select_n3A_745 = arith.select %eq3A_743, %broadcast_in_dim3A_744, %select_n3A_725 : vector<16xi1>, vector<16xf32>
      %broadcast_in_dim3A_746 = arith.constant 4 : i32
      %broadcast_in_dim3A_747 = vector.broadcast %broadcast_in_dim3A_746 : i32 to vector<16xi32>
      %broadcast_in_dim3A_748 = vector.broadcast %and3A_300 : i32 to vector<16xi32>
      %broadcast_in_dim3A_749 = vector.broadcast %and3A_302 : i32 to vector<16xi32>
      %gather3A_750 = tpu.vector_load_idx %arg9[%broadcast_in_dim3A_747, %iota3A, %broadcast_in_dim3A_748] : memref<8x32x128xf32, #tpu.memory_space<vmem>>[vector<16xi32>, vector<16xi32>, vector<16xi32>], vector<16xf32>,
      %gather3A_751 = tpu.vector_load_idx %arg9[%broadcast_in_dim3A_747, %add3A_28, %broadcast_in_dim3A_748] : memref<8x32x128xf32, #tpu.memory_space<vmem>>[vector<16xi32>, vector<16xi32>, vector<16xi32>], vector<16xf32>,
      %gather3A_752 = tpu.vector_load_idx %arg10[%broadcast_in_dim3A_747, %iota3A, %broadcast_in_dim3A_749] : memref<8x32x128xf32, #tpu.memory_space<vmem>>[vector<16xi32>, vector<16xi32>, vector<16xi32>], vector<16xf32>,
      %gather3A_753 = tpu.vector_load_idx %arg10[%broadcast_in_dim3A_747, %add3A_28, %broadcast_in_dim3A_749] : memref<8x32x128xf32, #tpu.memory_space<vmem>>[vector<16xi32>, vector<16xi32>, vector<16xi32>], vector<16xf32>,
      %mul3A_754 = arith.mulf %gather3A_750, %gather3A_752 : vector<16xf32>
      %mul3A_755 = arith.mulf %gather3A_751, %gather3A_753 : vector<16xf32>
      %add3A_756 = arith.addf %mul3A_754, %mul3A_755 : vector<16xf32>
      %reduce_sum3A_757 = arith.constant true
      %reduce_sum3A_758 = vector.broadcast %reduce_sum3A_757 : i1 to vector<16xi1>
      %reduce_sum3A_759 = tpu.scan <sum>, %add3A_756 masked %reduce_sum3A_758 : vector<16xf32>, vector<16xi1> -> vector<16xf32>
      %reduce_sum3A_760 = vector.extract %reduce_sum3A_759[15] : f32 from vector<16xf32>
      %eq3A_761 = arith.constant 4 : i32
      %eq3A_762 = vector.broadcast %eq3A_761 : i32 to vector<16xi32>
      %eq3A_763 = arith.cmpi eq, %iota3A, %eq3A_762 : vector<16xi32>
      %broadcast_in_dim3A_764 = vector.broadcast %reduce_sum3A_760 : f32 to vector<16xf32>
      %select_n3A_765 = arith.select %eq3A_763, %broadcast_in_dim3A_764, %select_n3A_745 : vector<16xi1>, vector<16xf32>
      %broadcast_in_dim3A_766 = arith.constant 5 : i32
      %broadcast_in_dim3A_767 = vector.broadcast %broadcast_in_dim3A_766 : i32 to vector<16xi32>
      %broadcast_in_dim3A_768 = vector.broadcast %and3A_344 : i32 to vector<16xi32>
      %broadcast_in_dim3A_769 = vector.broadcast %and3A_346 : i32 to vector<16xi32>
      %gather3A_770 = tpu.vector_load_idx %arg9[%broadcast_in_dim3A_767, %iota3A, %broadcast_in_dim3A_768] : memref<8x32x128xf32, #tpu.memory_space<vmem>>[vector<16xi32>, vector<16xi32>, vector<16xi32>], vector<16xf32>,
      %gather3A_771 = tpu.vector_load_idx %arg9[%broadcast_in_dim3A_767, %add3A_28, %broadcast_in_dim3A_768] : memref<8x32x128xf32, #tpu.memory_space<vmem>>[vector<16xi32>, vector<16xi32>, vector<16xi32>], vector<16xf32>,
      %gather3A_772 = tpu.vector_load_idx %arg10[%broadcast_in_dim3A_767, %iota3A, %broadcast_in_dim3A_769] : memref<8x32x128xf32, #tpu.memory_space<vmem>>[vector<16xi32>, vector<16xi32>, vector<16xi32>], vector<16xf32>,
      %gather3A_773 = tpu.vector_load_idx %arg10[%broadcast_in_dim3A_767, %add3A_28, %broadcast_in_dim3A_769] : memref<8x32x128xf32, #tpu.memory_space<vmem>>[vector<16xi32>, vector<16xi32>, vector<16xi32>], vector<16xf32>,
      %mul3A_774 = arith.mulf %gather3A_770, %gather3A_772 : vector<16xf32>
      %mul3A_775 = arith.mulf %gather3A_771, %gather3A_773 : vector<16xf32>
      %add3A_776 = arith.addf %mul3A_774, %mul3A_775 : vector<16xf32>
      %reduce_sum3A_777 = arith.constant true
      %reduce_sum3A_778 = vector.broadcast %reduce_sum3A_777 : i1 to vector<16xi1>
      %reduce_sum3A_779 = tpu.scan <sum>, %add3A_776 masked %reduce_sum3A_778 : vector<16xf32>, vector<16xi1> -> vector<16xf32>
      %reduce_sum3A_780 = vector.extract %reduce_sum3A_779[15] : f32 from vector<16xf32>
      %eq3A_781 = arith.constant 5 : i32
      %eq3A_782 = vector.broadcast %eq3A_781 : i32 to vector<16xi32>
      %eq3A_783 = arith.cmpi eq, %iota3A, %eq3A_782 : vector<16xi32>
      %broadcast_in_dim3A_784 = vector.broadcast %reduce_sum3A_780 : f32 to vector<16xf32>
      %select_n3A_785 = arith.select %eq3A_783, %broadcast_in_dim3A_784, %select_n3A_765 : vector<16xi1>, vector<16xf32>
      %broadcast_in_dim3A_786 = arith.constant 6 : i32
      %broadcast_in_dim3A_787 = vector.broadcast %broadcast_in_dim3A_786 : i32 to vector<16xi32>
      %broadcast_in_dim3A_788 = vector.broadcast %and3A_388 : i32 to vector<16xi32>
      %broadcast_in_dim3A_789 = vector.broadcast %and3A_390 : i32 to vector<16xi32>
      %gather3A_790 = tpu.vector_load_idx %arg9[%broadcast_in_dim3A_787, %iota3A, %broadcast_in_dim3A_788] : memref<8x32x128xf32, #tpu.memory_space<vmem>>[vector<16xi32>, vector<16xi32>, vector<16xi32>], vector<16xf32>,
      %gather3A_791 = tpu.vector_load_idx %arg9[%broadcast_in_dim3A_787, %add3A_28, %broadcast_in_dim3A_788] : memref<8x32x128xf32, #tpu.memory_space<vmem>>[vector<16xi32>, vector<16xi32>, vector<16xi32>], vector<16xf32>,
      %gather3A_792 = tpu.vector_load_idx %arg10[%broadcast_in_dim3A_787, %iota3A, %broadcast_in_dim3A_789] : memref<8x32x128xf32, #tpu.memory_space<vmem>>[vector<16xi32>, vector<16xi32>, vector<16xi32>], vector<16xf32>,
      %gather3A_793 = tpu.vector_load_idx %arg10[%broadcast_in_dim3A_787, %add3A_28, %broadcast_in_dim3A_789] : memref<8x32x128xf32, #tpu.memory_space<vmem>>[vector<16xi32>, vector<16xi32>, vector<16xi32>], vector<16xf32>,
      %mul3A_794 = arith.mulf %gather3A_790, %gather3A_792 : vector<16xf32>
      %mul3A_795 = arith.mulf %gather3A_791, %gather3A_793 : vector<16xf32>
      %add3A_796 = arith.addf %mul3A_794, %mul3A_795 : vector<16xf32>
      %reduce_sum3A_797 = arith.constant true
      %reduce_sum3A_798 = vector.broadcast %reduce_sum3A_797 : i1 to vector<16xi1>
      %reduce_sum3A_799 = tpu.scan <sum>, %add3A_796 masked %reduce_sum3A_798 : vector<16xf32>, vector<16xi1> -> vector<16xf32>
      %reduce_sum3A_800 = vector.extract %reduce_sum3A_799[15] : f32 from vector<16xf32>
      %eq3A_801 = arith.constant 6 : i32
      %eq3A_802 = vector.broadcast %eq3A_801 : i32 to vector<16xi32>
      %eq3A_803 = arith.cmpi eq, %iota3A, %eq3A_802 : vector<16xi32>
      %broadcast_in_dim3A_804 = vector.broadcast %reduce_sum3A_800 : f32 to vector<16xf32>
      %select_n3A_805 = arith.select %eq3A_803, %broadcast_in_dim3A_804, %select_n3A_785 : vector<16xi1>, vector<16xf32>
      %broadcast_in_dim3A_806 = arith.constant 7 : i32
      %broadcast_in_dim3A_807 = vector.broadcast %broadcast_in_dim3A_806 : i32 to vector<16xi32>
      %broadcast_in_dim3A_808 = vector.broadcast %and3A_432 : i32 to vector<16xi32>
      %broadcast_in_dim3A_809 = vector.broadcast %and3A_434 : i32 to vector<16xi32>
      %gather3A_810 = tpu.vector_load_idx %arg9[%broadcast_in_dim3A_807, %iota3A, %broadcast_in_dim3A_808] : memref<8x32x128xf32, #tpu.memory_space<vmem>>[vector<16xi32>, vector<16xi32>, vector<16xi32>], vector<16xf32>,
      %gather3A_811 = tpu.vector_load_idx %arg9[%broadcast_in_dim3A_807, %add3A_28, %broadcast_in_dim3A_808] : memref<8x32x128xf32, #tpu.memory_space<vmem>>[vector<16xi32>, vector<16xi32>, vector<16xi32>], vector<16xf32>,
      %gather3A_812 = tpu.vector_load_idx %arg10[%broadcast_in_dim3A_807, %iota3A, %broadcast_in_dim3A_809] : memref<8x32x128xf32, #tpu.memory_space<vmem>>[vector<16xi32>, vector<16xi32>, vector<16xi32>], vector<16xf32>,
      %gather3A_813 = tpu.vector_load_idx %arg10[%broadcast_in_dim3A_807, %add3A_28, %broadcast_in_dim3A_809] : memref<8x32x128xf32, #tpu.memory_space<vmem>>[vector<16xi32>, vector<16xi32>, vector<16xi32>], vector<16xf32>,
      %mul3A_814 = arith.mulf %gather3A_810, %gather3A_812 : vector<16xf32>
      %mul3A_815 = arith.mulf %gather3A_811, %gather3A_813 : vector<16xf32>
      %add3A_816 = arith.addf %mul3A_814, %mul3A_815 : vector<16xf32>
      %reduce_sum3A_817 = arith.constant true
      %reduce_sum3A_818 = vector.broadcast %reduce_sum3A_817 : i1 to vector<16xi1>
      %reduce_sum3A_819 = tpu.scan <sum>, %add3A_816 masked %reduce_sum3A_818 : vector<16xf32>, vector<16xi1> -> vector<16xf32>
      %reduce_sum3A_820 = vector.extract %reduce_sum3A_819[15] : f32 from vector<16xf32>
      %eq3A_821 = arith.constant 7 : i32
      %eq3A_822 = vector.broadcast %eq3A_821 : i32 to vector<16xi32>
      %eq3A_823 = arith.cmpi eq, %iota3A, %eq3A_822 : vector<16xi32>
      %broadcast_in_dim3A_824 = vector.broadcast %reduce_sum3A_820 : f32 to vector<16xf32>
      %select_n3A_825 = arith.select %eq3A_823, %broadcast_in_dim3A_824, %select_n3A_805 : vector<16xi1>, vector<16xf32>
      %slice3A_826 = vector.extract_strided_slice %get3A_68 {offsets = [8], sizes = [1], strides = [1]} : vector<16xi32> to vector<1xi32>
      %squeeze3A_827 = vector.extract %slice3A_826[0] : i32 from vector<1xi32>
      %slice3A_828 = vector.extract_strided_slice %get3A_113 {offsets = [8], sizes = [1], strides = [1]} : vector<16xi32> to vector<1xi32>
      %squeeze3A_829 = vector.extract %slice3A_828[0] : i32 from vector<1xi32>
      %shift_right_arithmetic3A_830 = arith.constant 7 : i32
      %shift_right_arithmetic3A_831 = arith.shrsi %squeeze3A_827, %shift_right_arithmetic3A_830 : i32
      %shift_left3A_832 = arith.constant 7 : i32
      %shift_left3A_833 = arith.shli %shift_right_arithmetic3A_831, %shift_left3A_832 : i32
      %multiple_of3A_834 = tpu.assume_multiple %shift_left3A_833, 128 : i32
      %shift_right_arithmetic3A_835 = arith.constant 7 : i32
      %shift_right_arithmetic3A_836 = arith.shrsi %squeeze3A_829, %shift_right_arithmetic3A_835 : i32
      %shift_left3A_837 = arith.constant 7 : i32
      %shift_left3A_838 = arith.shli %shift_right_arithmetic3A_836, %shift_left3A_837 : i32
      %multiple_of3A_839 = tpu.assume_multiple %shift_left3A_838, 128 : i32
      %and3A_840 = arith.constant 127 : i32
      %and3A_841 = arith.andi %squeeze3A_827, %and3A_840 : i32
      %and3A_842 = arith.constant 127 : i32
      %and3A_843 = arith.andi %squeeze3A_829, %and3A_842 : i32
      %dma_start3A_844 = arith.constant 0 : i32
      %dma_start3A_845 = arith.constant 0 : i32
      %dma_start3A_846 = arith.constant 0 : i32
      %dma_start3A_847 = tpu.memref_slice %arg9[%dma_start3A_844, %dma_start3A_845, %dma_start3A_846] : memref<8x32x128xf32, #tpu.memory_space<vmem>> -> memref<1x32x128xf32, #tpu.memory_space<vmem>>
      %dma_start3A_848 = tpu.memref_squeeze %dma_start3A_847 : memref<1x32x128xf32, #tpu.memory_space<vmem>> -> memref<32x128xf32, #tpu.memory_space<vmem>>
      %dma_start3A_849 = arith.constant 0 : i32
      %dma_start3A_850 = tpu.memref_slice %arg4[%dma_start3A_849, %multiple_of3A_834] : memref<32x1000000xf32, #tpu.memory_space<hbm>> -> memref<32x128xf32, #tpu.memory_space<hbm>>
      %dma_start3A_851 = arith.constant 0 : i32
      %dma_start3A_852 = arith.constant 0 : i32
      %dma_start3A_853 = tpu.memref_slice %arg9[%dma_start3A_844, %dma_start3A_851, %dma_start3A_852] : memref<8x32x128xf32, #tpu.memory_space<vmem>> -> memref<1x32x128xf32, #tpu.memory_space<vmem>>
      %dma_start3A_854 = tpu.memref_squeeze %dma_start3A_853 : memref<1x32x128xf32, #tpu.memory_space<vmem>> -> memref<32x128xf32, #tpu.memory_space<vmem>>
      %dma_start3A_855 = arith.constant 0 : i32
      %dma_start3A_856 = tpu.memref_slice %arg4[%dma_start3A_855, %multiple_of3A_834] : memref<32x1000000xf32, #tpu.memory_space<hbm>> -> memref<32x128xf32, #tpu.memory_space<hbm>>
      tpu.enqueue_dma source(%dma_start3A_856 : memref<32x128xf32, #tpu.memory_space<hbm>>) target(%dma_start3A_854 : memref<32x128xf32, #tpu.memory_space<vmem>>) target_semaphore(%arg12 : memref<!tpu.dma_semaphore, #tpu.memory_space<semaphore_mem>>)
      %dma_start3A_857 = arith.constant 0 : i32
      %dma_start3A_858 = arith.constant 0 : i32
      %dma_start3A_859 = arith.constant 0 : i32
      %dma_start3A_860 = tpu.memref_slice %arg10[%dma_start3A_857, %dma_start3A_858, %dma_start3A_859] : memref<8x32x128xf32, #tpu.memory_space<vmem>> -> memref<1x32x128xf32, #tpu.memory_space<vmem>>
      %dma_start3A_861 = tpu.memref_squeeze %dma_start3A_860 : memref<1x32x128xf32, #tpu.memory_space<vmem>> -> memref<32x128xf32, #tpu.memory_space<vmem>>
      %dma_start3A_862 = arith.constant 0 : i32
      %dma_start3A_863 = tpu.memref_slice %arg5[%dma_start3A_862, %multiple_of3A_839] : memref<32x1000000xf32, #tpu.memory_space<hbm>> -> memref<32x128xf32, #tpu.memory_space<hbm>>
      %dma_start3A_864 = arith.constant 0 : i32
      %dma_start3A_865 = arith.constant 0 : i32
      %dma_start3A_866 = tpu.memref_slice %arg10[%dma_start3A_857, %dma_start3A_864, %dma_start3A_865] : memref<8x32x128xf32, #tpu.memory_space<vmem>> -> memref<1x32x128xf32, #tpu.memory_space<vmem>>
      %dma_start3A_867 = tpu.memref_squeeze %dma_start3A_866 : memref<1x32x128xf32, #tpu.memory_space<vmem>> -> memref<32x128xf32, #tpu.memory_space<vmem>>
      %dma_start3A_868 = arith.constant 0 : i32
      %dma_start3A_869 = tpu.memref_slice %arg5[%dma_start3A_868, %multiple_of3A_839] : memref<32x1000000xf32, #tpu.memory_space<hbm>> -> memref<32x128xf32, #tpu.memory_space<hbm>>
      tpu.enqueue_dma source(%dma_start3A_869 : memref<32x128xf32, #tpu.memory_space<hbm>>) target(%dma_start3A_867 : memref<32x128xf32, #tpu.memory_space<vmem>>) target_semaphore(%arg13 : memref<!tpu.dma_semaphore, #tpu.memory_space<semaphore_mem>>)
      %slice3A_870 = vector.extract_strided_slice %get3A_68 {offsets = [9], sizes = [1], strides = [1]} : vector<16xi32> to vector<1xi32>
      %squeeze3A_871 = vector.extract %slice3A_870[0] : i32 from vector<1xi32>
      %slice3A_872 = vector.extract_strided_slice %get3A_113 {offsets = [9], sizes = [1], strides = [1]} : vector<16xi32> to vector<1xi32>
      %squeeze3A_873 = vector.extract %slice3A_872[0] : i32 from vector<1xi32>
      %shift_right_arithmetic3A_874 = arith.constant 7 : i32
      %shift_right_arithmetic3A_875 = arith.shrsi %squeeze3A_871, %shift_right_arithmetic3A_874 : i32
      %shift_left3A_876 = arith.constant 7 : i32
      %shift_left3A_877 = arith.shli %shift_right_arithmetic3A_875, %shift_left3A_876 : i32
      %multiple_of3A_878 = tpu.assume_multiple %shift_left3A_877, 128 : i32
      %shift_right_arithmetic3A_879 = arith.constant 7 : i32
      %shift_right_arithmetic3A_880 = arith.shrsi %squeeze3A_873, %shift_right_arithmetic3A_879 : i32
      %shift_left3A_881 = arith.constant 7 : i32
      %shift_left3A_882 = arith.shli %shift_right_arithmetic3A_880, %shift_left3A_881 : i32
      %multiple_of3A_883 = tpu.assume_multiple %shift_left3A_882, 128 : i32
      %and3A_884 = arith.constant 127 : i32
      %and3A_885 = arith.andi %squeeze3A_871, %and3A_884 : i32
      %and3A_886 = arith.constant 127 : i32
      %and3A_887 = arith.andi %squeeze3A_873, %and3A_886 : i32
      %dma_start3A_888 = arith.constant 1 : i32
      %dma_start3A_889 = arith.constant 0 : i32
      %dma_start3A_890 = arith.constant 0 : i32
      %dma_start3A_891 = tpu.memref_slice %arg9[%dma_start3A_888, %dma_start3A_889, %dma_start3A_890] : memref<8x32x128xf32, #tpu.memory_space<vmem>> -> memref<1x32x128xf32, #tpu.memory_space<vmem>>
      %dma_start3A_892 = tpu.memref_squeeze %dma_start3A_891 : memref<1x32x128xf32, #tpu.memory_space<vmem>> -> memref<32x128xf32, #tpu.memory_space<vmem>>
      %dma_start3A_893 = arith.constant 0 : i32
      %dma_start3A_894 = tpu.memref_slice %arg4[%dma_start3A_893, %multiple_of3A_878] : memref<32x1000000xf32, #tpu.memory_space<hbm>> -> memref<32x128xf32, #tpu.memory_space<hbm>>
      %dma_start3A_895 = arith.constant 0 : i32
      %dma_start3A_896 = arith.constant 0 : i32
      %dma_start3A_897 = tpu.memref_slice %arg9[%dma_start3A_888, %dma_start3A_895, %dma_start3A_896] : memref<8x32x128xf32, #tpu.memory_space<vmem>> -> memref<1x32x128xf32, #tpu.memory_space<vmem>>
      %dma_start3A_898 = tpu.memref_squeeze %dma_start3A_897 : memref<1x32x128xf32, #tpu.memory_space<vmem>> -> memref<32x128xf32, #tpu.memory_space<vmem>>
      %dma_start3A_899 = arith.constant 0 : i32
      %dma_start3A_900 = tpu.memref_slice %arg4[%dma_start3A_899, %multiple_of3A_878] : memref<32x1000000xf32, #tpu.memory_space<hbm>> -> memref<32x128xf32, #tpu.memory_space<hbm>>
      tpu.enqueue_dma source(%dma_start3A_900 : memref<32x128xf32, #tpu.memory_space<hbm>>) target(%dma_start3A_898 : memref<32x128xf32, #tpu.memory_space<vmem>>) target_semaphore(%arg12 : memref<!tpu.dma_semaphore, #tpu.memory_space<semaphore_mem>>)
      %dma_start3A_901 = arith.constant 1 : i32
      %dma_start3A_902 = arith.constant 0 : i32
      %dma_start3A_903 = arith.constant 0 : i32
      %dma_start3A_904 = tpu.memref_slice %arg10[%dma_start3A_901, %dma_start3A_902, %dma_start3A_903] : memref<8x32x128xf32, #tpu.memory_space<vmem>> -> memref<1x32x128xf32, #tpu.memory_space<vmem>>
      %dma_start3A_905 = tpu.memref_squeeze %dma_start3A_904 : memref<1x32x128xf32, #tpu.memory_space<vmem>> -> memref<32x128xf32, #tpu.memory_space<vmem>>
      %dma_start3A_906 = arith.constant 0 : i32
      %dma_start3A_907 = tpu.memref_slice %arg5[%dma_start3A_906, %multiple_of3A_883] : memref<32x1000000xf32, #tpu.memory_space<hbm>> -> memref<32x128xf32, #tpu.memory_space<hbm>>
      %dma_start3A_908 = arith.constant 0 : i32
      %dma_start3A_909 = arith.constant 0 : i32
      %dma_start3A_910 = tpu.memref_slice %arg10[%dma_start3A_901, %dma_start3A_908, %dma_start3A_909] : memref<8x32x128xf32, #tpu.memory_space<vmem>> -> memref<1x32x128xf32, #tpu.memory_space<vmem>>
      %dma_start3A_911 = tpu.memref_squeeze %dma_start3A_910 : memref<1x32x128xf32, #tpu.memory_space<vmem>> -> memref<32x128xf32, #tpu.memory_space<vmem>>
      %dma_start3A_912 = arith.constant 0 : i32
      %dma_start3A_913 = tpu.memref_slice %arg5[%dma_start3A_912, %multiple_of3A_883] : memref<32x1000000xf32, #tpu.memory_space<hbm>> -> memref<32x128xf32, #tpu.memory_space<hbm>>
      tpu.enqueue_dma source(%dma_start3A_913 : memref<32x128xf32, #tpu.memory_space<hbm>>) target(%dma_start3A_911 : memref<32x128xf32, #tpu.memory_space<vmem>>) target_semaphore(%arg13 : memref<!tpu.dma_semaphore, #tpu.memory_space<semaphore_mem>>)
      %slice3A_914 = vector.extract_strided_slice %get3A_68 {offsets = [10], sizes = [1], strides = [1]} : vector<16xi32> to vector<1xi32>
      %squeeze3A_915 = vector.extract %slice3A_914[0] : i32 from vector<1xi32>
      %slice3A_916 = vector.extract_strided_slice %get3A_113 {offsets = [10], sizes = [1], strides = [1]} : vector<16xi32> to vector<1xi32>
      %squeeze3A_917 = vector.extract %slice3A_916[0] : i32 from vector<1xi32>
      %shift_right_arithmetic3A_918 = arith.constant 7 : i32
      %shift_right_arithmetic3A_919 = arith.shrsi %squeeze3A_915, %shift_right_arithmetic3A_918 : i32
      %shift_left3A_920 = arith.constant 7 : i32
      %shift_left3A_921 = arith.shli %shift_right_arithmetic3A_919, %shift_left3A_920 : i32
      %multiple_of3A_922 = tpu.assume_multiple %shift_left3A_921, 128 : i32
      %shift_right_arithmetic3A_923 = arith.constant 7 : i32
      %shift_right_arithmetic3A_924 = arith.shrsi %squeeze3A_917, %shift_right_arithmetic3A_923 : i32
      %shift_left3A_925 = arith.constant 7 : i32
      %shift_left3A_926 = arith.shli %shift_right_arithmetic3A_924, %shift_left3A_925 : i32
      %multiple_of3A_927 = tpu.assume_multiple %shift_left3A_926, 128 : i32
      %and3A_928 = arith.constant 127 : i32
      %and3A_929 = arith.andi %squeeze3A_915, %and3A_928 : i32
      %and3A_930 = arith.constant 127 : i32
      %and3A_931 = arith.andi %squeeze3A_917, %and3A_930 : i32
      %dma_start3A_932 = arith.constant 2 : i32
      %dma_start3A_933 = arith.constant 0 : i32
      %dma_start3A_934 = arith.constant 0 : i32
      %dma_start3A_935 = tpu.memref_slice %arg9[%dma_start3A_932, %dma_start3A_933, %dma_start3A_934] : memref<8x32x128xf32, #tpu.memory_space<vmem>> -> memref<1x32x128xf32, #tpu.memory_space<vmem>>
      %dma_start3A_936 = tpu.memref_squeeze %dma_start3A_935 : memref<1x32x128xf32, #tpu.memory_space<vmem>> -> memref<32x128xf32, #tpu.memory_space<vmem>>
      %dma_start3A_937 = arith.constant 0 : i32
      %dma_start3A_938 = tpu.memref_slice %arg4[%dma_start3A_937, %multiple_of3A_922] : memref<32x1000000xf32, #tpu.memory_space<hbm>> -> memref<32x128xf32, #tpu.memory_space<hbm>>
      %dma_start3A_939 = arith.constant 0 : i32
      %dma_start3A_940 = arith.constant 0 : i32
      %dma_start3A_941 = tpu.memref_slice %arg9[%dma_start3A_932, %dma_start3A_939, %dma_start3A_940] : memref<8x32x128xf32, #tpu.memory_space<vmem>> -> memref<1x32x128xf32, #tpu.memory_space<vmem>>
      %dma_start3A_942 = tpu.memref_squeeze %dma_start3A_941 : memref<1x32x128xf32, #tpu.memory_space<vmem>> -> memref<32x128xf32, #tpu.memory_space<vmem>>
      %dma_start3A_943 = arith.constant 0 : i32
      %dma_start3A_944 = tpu.memref_slice %arg4[%dma_start3A_943, %multiple_of3A_922] : memref<32x1000000xf32, #tpu.memory_space<hbm>> -> memref<32x128xf32, #tpu.memory_space<hbm>>
      tpu.enqueue_dma source(%dma_start3A_944 : memref<32x128xf32, #tpu.memory_space<hbm>>) target(%dma_start3A_942 : memref<32x128xf32, #tpu.memory_space<vmem>>) target_semaphore(%arg12 : memref<!tpu.dma_semaphore, #tpu.memory_space<semaphore_mem>>)
      %dma_start3A_945 = arith.constant 2 : i32
      %dma_start3A_946 = arith.constant 0 : i32
      %dma_start3A_947 = arith.constant 0 : i32
      %dma_start3A_948 = tpu.memref_slice %arg10[%dma_start3A_945, %dma_start3A_946, %dma_start3A_947] : memref<8x32x128xf32, #tpu.memory_space<vmem>> -> memref<1x32x128xf32, #tpu.memory_space<vmem>>
      %dma_start3A_949 = tpu.memref_squeeze %dma_start3A_948 : memref<1x32x128xf32, #tpu.memory_space<vmem>> -> memref<32x128xf32, #tpu.memory_space<vmem>>
      %dma_start3A_950 = arith.constant 0 : i32
      %dma_start3A_951 = tpu.memref_slice %arg5[%dma_start3A_950, %multiple_of3A_927] : memref<32x1000000xf32, #tpu.memory_space<hbm>> -> memref<32x128xf32, #tpu.memory_space<hbm>>
      %dma_start3A_952 = arith.constant 0 : i32
      %dma_start3A_953 = arith.constant 0 : i32
      %dma_start3A_954 = tpu.memref_slice %arg10[%dma_start3A_945, %dma_start3A_952, %dma_start3A_953] : memref<8x32x128xf32, #tpu.memory_space<vmem>> -> memref<1x32x128xf32, #tpu.memory_space<vmem>>
      %dma_start3A_955 = tpu.memref_squeeze %dma_start3A_954 : memref<1x32x128xf32, #tpu.memory_space<vmem>> -> memref<32x128xf32, #tpu.memory_space<vmem>>
      %dma_start3A_956 = arith.constant 0 : i32
      %dma_start3A_957 = tpu.memref_slice %arg5[%dma_start3A_956, %multiple_of3A_927] : memref<32x1000000xf32, #tpu.memory_space<hbm>> -> memref<32x128xf32, #tpu.memory_space<hbm>>
      tpu.enqueue_dma source(%dma_start3A_957 : memref<32x128xf32, #tpu.memory_space<hbm>>) target(%dma_start3A_955 : memref<32x128xf32, #tpu.memory_space<vmem>>) target_semaphore(%arg13 : memref<!tpu.dma_semaphore, #tpu.memory_space<semaphore_mem>>)
      %slice3A_958 = vector.extract_strided_slice %get3A_68 {offsets = [11], sizes = [1], strides = [1]} : vector<16xi32> to vector<1xi32>
      %squeeze3A_959 = vector.extract %slice3A_958[0] : i32 from vector<1xi32>
      %slice3A_960 = vector.extract_strided_slice %get3A_113 {offsets = [11], sizes = [1], strides = [1]} : vector<16xi32> to vector<1xi32>
      %squeeze3A_961 = vector.extract %slice3A_960[0] : i32 from vector<1xi32>
      %shift_right_arithmetic3A_962 = arith.constant 7 : i32
      %shift_right_arithmetic3A_963 = arith.shrsi %squeeze3A_959, %shift_right_arithmetic3A_962 : i32
      %shift_left3A_964 = arith.constant 7 : i32
      %shift_left3A_965 = arith.shli %shift_right_arithmetic3A_963, %shift_left3A_964 : i32
      %multiple_of3A_966 = tpu.assume_multiple %shift_left3A_965, 128 : i32
      %shift_right_arithmetic3A_967 = arith.constant 7 : i32
      %shift_right_arithmetic3A_968 = arith.shrsi %squeeze3A_961, %shift_right_arithmetic3A_967 : i32
      %shift_left3A_969 = arith.constant 7 : i32
      %shift_left3A_970 = arith.shli %shift_right_arithmetic3A_968, %shift_left3A_969 : i32
      %multiple_of3A_971 = tpu.assume_multiple %shift_left3A_970, 128 : i32
      %and3A_972 = arith.constant 127 : i32
      %and3A_973 = arith.andi %squeeze3A_959, %and3A_972 : i32
      %and3A_974 = arith.constant 127 : i32
      %and3A_975 = arith.andi %squeeze3A_961, %and3A_974 : i32
      %dma_start3A_976 = arith.constant 3 : i32
      %dma_start3A_977 = arith.constant 0 : i32
      %dma_start3A_978 = arith.constant 0 : i32
      %dma_start3A_979 = tpu.memref_slice %arg9[%dma_start3A_976, %dma_start3A_977, %dma_start3A_978] : memref<8x32x128xf32, #tpu.memory_space<vmem>> -> memref<1x32x128xf32, #tpu.memory_space<vmem>>
      %dma_start3A_980 = tpu.memref_squeeze %dma_start3A_979 : memref<1x32x128xf32, #tpu.memory_space<vmem>> -> memref<32x128xf32, #tpu.memory_space<vmem>>
      %dma_start3A_981 = arith.constant 0 : i32
      %dma_start3A_982 = tpu.memref_slice %arg4[%dma_start3A_981, %multiple_of3A_966] : memref<32x1000000xf32, #tpu.memory_space<hbm>> -> memref<32x128xf32, #tpu.memory_space<hbm>>
      %dma_start3A_983 = arith.constant 0 : i32
      %dma_start3A_984 = arith.constant 0 : i32
      %dma_start3A_985 = tpu.memref_slice %arg9[%dma_start3A_976, %dma_start3A_983, %dma_start3A_984] : memref<8x32x128xf32, #tpu.memory_space<vmem>> -> memref<1x32x128xf32, #tpu.memory_space<vmem>>
      %dma_start3A_986 = tpu.memref_squeeze %dma_start3A_985 : memref<1x32x128xf32, #tpu.memory_space<vmem>> -> memref<32x128xf32, #tpu.memory_space<vmem>>
      %dma_start3A_987 = arith.constant 0 : i32
      %dma_start3A_988 = tpu.memref_slice %arg4[%dma_start3A_987, %multiple_of3A_966] : memref<32x1000000xf32, #tpu.memory_space<hbm>> -> memref<32x128xf32, #tpu.memory_space<hbm>>
      tpu.enqueue_dma source(%dma_start3A_988 : memref<32x128xf32, #tpu.memory_space<hbm>>) target(%dma_start3A_986 : memref<32x128xf32, #tpu.memory_space<vmem>>) target_semaphore(%arg12 : memref<!tpu.dma_semaphore, #tpu.memory_space<semaphore_mem>>)
      %dma_start3A_989 = arith.constant 3 : i32
      %dma_start3A_990 = arith.constant 0 : i32
      %dma_start3A_991 = arith.constant 0 : i32
      %dma_start3A_992 = tpu.memref_slice %arg10[%dma_start3A_989, %dma_start3A_990, %dma_start3A_991] : memref<8x32x128xf32, #tpu.memory_space<vmem>> -> memref<1x32x128xf32, #tpu.memory_space<vmem>>
      %dma_start3A_993 = tpu.memref_squeeze %dma_start3A_992 : memref<1x32x128xf32, #tpu.memory_space<vmem>> -> memref<32x128xf32, #tpu.memory_space<vmem>>
      %dma_start3A_994 = arith.constant 0 : i32
      %dma_start3A_995 = tpu.memref_slice %arg5[%dma_start3A_994, %multiple_of3A_971] : memref<32x1000000xf32, #tpu.memory_space<hbm>> -> memref<32x128xf32, #tpu.memory_space<hbm>>
      %dma_start3A_996 = arith.constant 0 : i32
      %dma_start3A_997 = arith.constant 0 : i32
      %dma_start3A_998 = tpu.memref_slice %arg10[%dma_start3A_989, %dma_start3A_996, %dma_start3A_997] : memref<8x32x128xf32, #tpu.memory_space<vmem>> -> memref<1x32x128xf32, #tpu.memory_space<vmem>>
      %dma_start3A_999 = tpu.memref_squeeze %dma_start3A_998 : memref<1x32x128xf32, #tpu.memory_space<vmem>> -> memref<32x128xf32, #tpu.memory_space<vmem>>
      %dma_start3A_1000 = arith.constant 0 : i32
      %dma_start3A_1001 = tpu.memref_slice %arg5[%dma_start3A_1000, %multiple_of3A_971] : memref<32x1000000xf32, #tpu.memory_space<hbm>> -> memref<32x128xf32, #tpu.memory_space<hbm>>
      tpu.enqueue_dma source(%dma_start3A_1001 : memref<32x128xf32, #tpu.memory_space<hbm>>) target(%dma_start3A_999 : memref<32x128xf32, #tpu.memory_space<vmem>>) target_semaphore(%arg13 : memref<!tpu.dma_semaphore, #tpu.memory_space<semaphore_mem>>)
      %slice3A_1002 = vector.extract_strided_slice %get3A_68 {offsets = [12], sizes = [1], strides = [1]} : vector<16xi32> to vector<1xi32>
      %squeeze3A_1003 = vector.extract %slice3A_1002[0] : i32 from vector<1xi32>
      %slice3A_1004 = vector.extract_strided_slice %get3A_113 {offsets = [12], sizes = [1], strides = [1]} : vector<16xi32> to vector<1xi32>
      %squeeze3A_1005 = vector.extract %slice3A_1004[0] : i32 from vector<1xi32>
      %shift_right_arithmetic3A_1006 = arith.constant 7 : i32
      %shift_right_arithmetic3A_1007 = arith.shrsi %squeeze3A_1003, %shift_right_arithmetic3A_1006 : i32
      %shift_left3A_1008 = arith.constant 7 : i32
      %shift_left3A_1009 = arith.shli %shift_right_arithmetic3A_1007, %shift_left3A_1008 : i32
      %multiple_of3A_1010 = tpu.assume_multiple %shift_left3A_1009, 128 : i32
      %shift_right_arithmetic3A_1011 = arith.constant 7 : i32
      %shift_right_arithmetic3A_1012 = arith.shrsi %squeeze3A_1005, %shift_right_arithmetic3A_1011 : i32
      %shift_left3A_1013 = arith.constant 7 : i32
      %shift_left3A_1014 = arith.shli %shift_right_arithmetic3A_1012, %shift_left3A_1013 : i32
      %multiple_of3A_1015 = tpu.assume_multiple %shift_left3A_1014, 128 : i32
      %and3A_1016 = arith.constant 127 : i32
      %and3A_1017 = arith.andi %squeeze3A_1003, %and3A_1016 : i32
      %and3A_1018 = arith.constant 127 : i32
      %and3A_1019 = arith.andi %squeeze3A_1005, %and3A_1018 : i32
      %dma_start3A_1020 = arith.constant 4 : i32
      %dma_start3A_1021 = arith.constant 0 : i32
      %dma_start3A_1022 = arith.constant 0 : i32
      %dma_start3A_1023 = tpu.memref_slice %arg9[%dma_start3A_1020, %dma_start3A_1021, %dma_start3A_1022] : memref<8x32x128xf32, #tpu.memory_space<vmem>> -> memref<1x32x128xf32, #tpu.memory_space<vmem>>
      %dma_start3A_1024 = tpu.memref_squeeze %dma_start3A_1023 : memref<1x32x128xf32, #tpu.memory_space<vmem>> -> memref<32x128xf32, #tpu.memory_space<vmem>>
      %dma_start3A_1025 = arith.constant 0 : i32
      %dma_start3A_1026 = tpu.memref_slice %arg4[%dma_start3A_1025, %multiple_of3A_1010] : memref<32x1000000xf32, #tpu.memory_space<hbm>> -> memref<32x128xf32, #tpu.memory_space<hbm>>
      %dma_start3A_1027 = arith.constant 0 : i32
      %dma_start3A_1028 = arith.constant 0 : i32
      %dma_start3A_1029 = tpu.memref_slice %arg9[%dma_start3A_1020, %dma_start3A_1027, %dma_start3A_1028] : memref<8x32x128xf32, #tpu.memory_space<vmem>> -> memref<1x32x128xf32, #tpu.memory_space<vmem>>
      %dma_start3A_1030 = tpu.memref_squeeze %dma_start3A_1029 : memref<1x32x128xf32, #tpu.memory_space<vmem>> -> memref<32x128xf32, #tpu.memory_space<vmem>>
      %dma_start3A_1031 = arith.constant 0 : i32
      %dma_start3A_1032 = tpu.memref_slice %arg4[%dma_start3A_1031, %multiple_of3A_1010] : memref<32x1000000xf32, #tpu.memory_space<hbm>> -> memref<32x128xf32, #tpu.memory_space<hbm>>
      tpu.enqueue_dma source(%dma_start3A_1032 : memref<32x128xf32, #tpu.memory_space<hbm>>) target(%dma_start3A_1030 : memref<32x128xf32, #tpu.memory_space<vmem>>) target_semaphore(%arg12 : memref<!tpu.dma_semaphore, #tpu.memory_space<semaphore_mem>>)
      %dma_start3A_1033 = arith.constant 4 : i32
      %dma_start3A_1034 = arith.constant 0 : i32
      %dma_start3A_1035 = arith.constant 0 : i32
      %dma_start3A_1036 = tpu.memref_slice %arg10[%dma_start3A_1033, %dma_start3A_1034, %dma_start3A_1035] : memref<8x32x128xf32, #tpu.memory_space<vmem>> -> memref<1x32x128xf32, #tpu.memory_space<vmem>>
      %dma_start3A_1037 = tpu.memref_squeeze %dma_start3A_1036 : memref<1x32x128xf32, #tpu.memory_space<vmem>> -> memref<32x128xf32, #tpu.memory_space<vmem>>
      %dma_start3A_1038 = arith.constant 0 : i32
      %dma_start3A_1039 = tpu.memref_slice %arg5[%dma_start3A_1038, %multiple_of3A_1015] : memref<32x1000000xf32, #tpu.memory_space<hbm>> -> memref<32x128xf32, #tpu.memory_space<hbm>>
      %dma_start3A_1040 = arith.constant 0 : i32
      %dma_start3A_1041 = arith.constant 0 : i32
      %dma_start3A_1042 = tpu.memref_slice %arg10[%dma_start3A_1033, %dma_start3A_1040, %dma_start3A_1041] : memref<8x32x128xf32, #tpu.memory_space<vmem>> -> memref<1x32x128xf32, #tpu.memory_space<vmem>>
      %dma_start3A_1043 = tpu.memref_squeeze %dma_start3A_1042 : memref<1x32x128xf32, #tpu.memory_space<vmem>> -> memref<32x128xf32, #tpu.memory_space<vmem>>
      %dma_start3A_1044 = arith.constant 0 : i32
      %dma_start3A_1045 = tpu.memref_slice %arg5[%dma_start3A_1044, %multiple_of3A_1015] : memref<32x1000000xf32, #tpu.memory_space<hbm>> -> memref<32x128xf32, #tpu.memory_space<hbm>>
      tpu.enqueue_dma source(%dma_start3A_1045 : memref<32x128xf32, #tpu.memory_space<hbm>>) target(%dma_start3A_1043 : memref<32x128xf32, #tpu.memory_space<vmem>>) target_semaphore(%arg13 : memref<!tpu.dma_semaphore, #tpu.memory_space<semaphore_mem>>)
      %slice3A_1046 = vector.extract_strided_slice %get3A_68 {offsets = [13], sizes = [1], strides = [1]} : vector<16xi32> to vector<1xi32>
      %squeeze3A_1047 = vector.extract %slice3A_1046[0] : i32 from vector<1xi32>
      %slice3A_1048 = vector.extract_strided_slice %get3A_113 {offsets = [13], sizes = [1], strides = [1]} : vector<16xi32> to vector<1xi32>
      %squeeze3A_1049 = vector.extract %slice3A_1048[0] : i32 from vector<1xi32>
      %shift_right_arithmetic3A_1050 = arith.constant 7 : i32
      %shift_right_arithmetic3A_1051 = arith.shrsi %squeeze3A_1047, %shift_right_arithmetic3A_1050 : i32
      %shift_left3A_1052 = arith.constant 7 : i32
      %shift_left3A_1053 = arith.shli %shift_right_arithmetic3A_1051, %shift_left3A_1052 : i32
      %multiple_of3A_1054 = tpu.assume_multiple %shift_left3A_1053, 128 : i32
      %shift_right_arithmetic3A_1055 = arith.constant 7 : i32
      %shift_right_arithmetic3A_1056 = arith.shrsi %squeeze3A_1049, %shift_right_arithmetic3A_1055 : i32
      %shift_left3A_1057 = arith.constant 7 : i32
      %shift_left3A_1058 = arith.shli %shift_right_arithmetic3A_1056, %shift_left3A_1057 : i32
      %multiple_of3A_1059 = tpu.assume_multiple %shift_left3A_1058, 128 : i32
      %and3A_1060 = arith.constant 127 : i32
      %and3A_1061 = arith.andi %squeeze3A_1047, %and3A_1060 : i32
      %and3A_1062 = arith.constant 127 : i32
      %and3A_1063 = arith.andi %squeeze3A_1049, %and3A_1062 : i32
      %dma_start3A_1064 = arith.constant 5 : i32
      %dma_start3A_1065 = arith.constant 0 : i32
      %dma_start3A_1066 = arith.constant 0 : i32
      %dma_start3A_1067 = tpu.memref_slice %arg9[%dma_start3A_1064, %dma_start3A_1065, %dma_start3A_1066] : memref<8x32x128xf32, #tpu.memory_space<vmem>> -> memref<1x32x128xf32, #tpu.memory_space<vmem>>
      %dma_start3A_1068 = tpu.memref_squeeze %dma_start3A_1067 : memref<1x32x128xf32, #tpu.memory_space<vmem>> -> memref<32x128xf32, #tpu.memory_space<vmem>>
      %dma_start3A_1069 = arith.constant 0 : i32
      %dma_start3A_1070 = tpu.memref_slice %arg4[%dma_start3A_1069, %multiple_of3A_1054] : memref<32x1000000xf32, #tpu.memory_space<hbm>> -> memref<32x128xf32, #tpu.memory_space<hbm>>
      %dma_start3A_1071 = arith.constant 0 : i32
      %dma_start3A_1072 = arith.constant 0 : i32
      %dma_start3A_1073 = tpu.memref_slice %arg9[%dma_start3A_1064, %dma_start3A_1071, %dma_start3A_1072] : memref<8x32x128xf32, #tpu.memory_space<vmem>> -> memref<1x32x128xf32, #tpu.memory_space<vmem>>
      %dma_start3A_1074 = tpu.memref_squeeze %dma_start3A_1073 : memref<1x32x128xf32, #tpu.memory_space<vmem>> -> memref<32x128xf32, #tpu.memory_space<vmem>>
      %dma_start3A_1075 = arith.constant 0 : i32
      %dma_start3A_1076 = tpu.memref_slice %arg4[%dma_start3A_1075, %multiple_of3A_1054] : memref<32x1000000xf32, #tpu.memory_space<hbm>> -> memref<32x128xf32, #tpu.memory_space<hbm>>
      tpu.enqueue_dma source(%dma_start3A_1076 : memref<32x128xf32, #tpu.memory_space<hbm>>) target(%dma_start3A_1074 : memref<32x128xf32, #tpu.memory_space<vmem>>) target_semaphore(%arg12 : memref<!tpu.dma_semaphore, #tpu.memory_space<semaphore_mem>>)
      %dma_start3A_1077 = arith.constant 5 : i32
      %dma_start3A_1078 = arith.constant 0 : i32
      %dma_start3A_1079 = arith.constant 0 : i32
      %dma_start3A_1080 = tpu.memref_slice %arg10[%dma_start3A_1077, %dma_start3A_1078, %dma_start3A_1079] : memref<8x32x128xf32, #tpu.memory_space<vmem>> -> memref<1x32x128xf32, #tpu.memory_space<vmem>>
      %dma_start3A_1081 = tpu.memref_squeeze %dma_start3A_1080 : memref<1x32x128xf32, #tpu.memory_space<vmem>> -> memref<32x128xf32, #tpu.memory_space<vmem>>
      %dma_start3A_1082 = arith.constant 0 : i32
      %dma_start3A_1083 = tpu.memref_slice %arg5[%dma_start3A_1082, %multiple_of3A_1059] : memref<32x1000000xf32, #tpu.memory_space<hbm>> -> memref<32x128xf32, #tpu.memory_space<hbm>>
      %dma_start3A_1084 = arith.constant 0 : i32
      %dma_start3A_1085 = arith.constant 0 : i32
      %dma_start3A_1086 = tpu.memref_slice %arg10[%dma_start3A_1077, %dma_start3A_1084, %dma_start3A_1085] : memref<8x32x128xf32, #tpu.memory_space<vmem>> -> memref<1x32x128xf32, #tpu.memory_space<vmem>>
      %dma_start3A_1087 = tpu.memref_squeeze %dma_start3A_1086 : memref<1x32x128xf32, #tpu.memory_space<vmem>> -> memref<32x128xf32, #tpu.memory_space<vmem>>
      %dma_start3A_1088 = arith.constant 0 : i32
      %dma_start3A_1089 = tpu.memref_slice %arg5[%dma_start3A_1088, %multiple_of3A_1059] : memref<32x1000000xf32, #tpu.memory_space<hbm>> -> memref<32x128xf32, #tpu.memory_space<hbm>>
      tpu.enqueue_dma source(%dma_start3A_1089 : memref<32x128xf32, #tpu.memory_space<hbm>>) target(%dma_start3A_1087 : memref<32x128xf32, #tpu.memory_space<vmem>>) target_semaphore(%arg13 : memref<!tpu.dma_semaphore, #tpu.memory_space<semaphore_mem>>)
      %slice3A_1090 = vector.extract_strided_slice %get3A_68 {offsets = [14], sizes = [1], strides = [1]} : vector<16xi32> to vector<1xi32>
      %squeeze3A_1091 = vector.extract %slice3A_1090[0] : i32 from vector<1xi32>
      %slice3A_1092 = vector.extract_strided_slice %get3A_113 {offsets = [14], sizes = [1], strides = [1]} : vector<16xi32> to vector<1xi32>
      %squeeze3A_1093 = vector.extract %slice3A_1092[0] : i32 from vector<1xi32>
      %shift_right_arithmetic3A_1094 = arith.constant 7 : i32
      %shift_right_arithmetic3A_1095 = arith.shrsi %squeeze3A_1091, %shift_right_arithmetic3A_1094 : i32
      %shift_left3A_1096 = arith.constant 7 : i32
      %shift_left3A_1097 = arith.shli %shift_right_arithmetic3A_1095, %shift_left3A_1096 : i32
      %multiple_of3A_1098 = tpu.assume_multiple %shift_left3A_1097, 128 : i32
      %shift_right_arithmetic3A_1099 = arith.constant 7 : i32
      %shift_right_arithmetic3A_1100 = arith.shrsi %squeeze3A_1093, %shift_right_arithmetic3A_1099 : i32
      %shift_left3A_1101 = arith.constant 7 : i32
      %shift_left3A_1102 = arith.shli %shift_right_arithmetic3A_1100, %shift_left3A_1101 : i32
      %multiple_of3A_1103 = tpu.assume_multiple %shift_left3A_1102, 128 : i32
      %and3A_1104 = arith.constant 127 : i32
      %and3A_1105 = arith.andi %squeeze3A_1091, %and3A_1104 : i32
      %and3A_1106 = arith.constant 127 : i32
      %and3A_1107 = arith.andi %squeeze3A_1093, %and3A_1106 : i32
      %dma_start3A_1108 = arith.constant 6 : i32
      %dma_start3A_1109 = arith.constant 0 : i32
      %dma_start3A_1110 = arith.constant 0 : i32
      %dma_start3A_1111 = tpu.memref_slice %arg9[%dma_start3A_1108, %dma_start3A_1109, %dma_start3A_1110] : memref<8x32x128xf32, #tpu.memory_space<vmem>> -> memref<1x32x128xf32, #tpu.memory_space<vmem>>
      %dma_start3A_1112 = tpu.memref_squeeze %dma_start3A_1111 : memref<1x32x128xf32, #tpu.memory_space<vmem>> -> memref<32x128xf32, #tpu.memory_space<vmem>>
      %dma_start3A_1113 = arith.constant 0 : i32
      %dma_start3A_1114 = tpu.memref_slice %arg4[%dma_start3A_1113, %multiple_of3A_1098] : memref<32x1000000xf32, #tpu.memory_space<hbm>> -> memref<32x128xf32, #tpu.memory_space<hbm>>
      %dma_start3A_1115 = arith.constant 0 : i32
      %dma_start3A_1116 = arith.constant 0 : i32
      %dma_start3A_1117 = tpu.memref_slice %arg9[%dma_start3A_1108, %dma_start3A_1115, %dma_start3A_1116] : memref<8x32x128xf32, #tpu.memory_space<vmem>> -> memref<1x32x128xf32, #tpu.memory_space<vmem>>
      %dma_start3A_1118 = tpu.memref_squeeze %dma_start3A_1117 : memref<1x32x128xf32, #tpu.memory_space<vmem>> -> memref<32x128xf32, #tpu.memory_space<vmem>>
      %dma_start3A_1119 = arith.constant 0 : i32
      %dma_start3A_1120 = tpu.memref_slice %arg4[%dma_start3A_1119, %multiple_of3A_1098] : memref<32x1000000xf32, #tpu.memory_space<hbm>> -> memref<32x128xf32, #tpu.memory_space<hbm>>
      tpu.enqueue_dma source(%dma_start3A_1120 : memref<32x128xf32, #tpu.memory_space<hbm>>) target(%dma_start3A_1118 : memref<32x128xf32, #tpu.memory_space<vmem>>) target_semaphore(%arg12 : memref<!tpu.dma_semaphore, #tpu.memory_space<semaphore_mem>>)
      %dma_start3A_1121 = arith.constant 6 : i32
      %dma_start3A_1122 = arith.constant 0 : i32
      %dma_start3A_1123 = arith.constant 0 : i32
      %dma_start3A_1124 = tpu.memref_slice %arg10[%dma_start3A_1121, %dma_start3A_1122, %dma_start3A_1123] : memref<8x32x128xf32, #tpu.memory_space<vmem>> -> memref<1x32x128xf32, #tpu.memory_space<vmem>>
      %dma_start3A_1125 = tpu.memref_squeeze %dma_start3A_1124 : memref<1x32x128xf32, #tpu.memory_space<vmem>> -> memref<32x128xf32, #tpu.memory_space<vmem>>
      %dma_start3A_1126 = arith.constant 0 : i32
      %dma_start3A_1127 = tpu.memref_slice %arg5[%dma_start3A_1126, %multiple_of3A_1103] : memref<32x1000000xf32, #tpu.memory_space<hbm>> -> memref<32x128xf32, #tpu.memory_space<hbm>>
      %dma_start3A_1128 = arith.constant 0 : i32
      %dma_start3A_1129 = arith.constant 0 : i32
      %dma_start3A_1130 = tpu.memref_slice %arg10[%dma_start3A_1121, %dma_start3A_1128, %dma_start3A_1129] : memref<8x32x128xf32, #tpu.memory_space<vmem>> -> memref<1x32x128xf32, #tpu.memory_space<vmem>>
      %dma_start3A_1131 = tpu.memref_squeeze %dma_start3A_1130 : memref<1x32x128xf32, #tpu.memory_space<vmem>> -> memref<32x128xf32, #tpu.memory_space<vmem>>
      %dma_start3A_1132 = arith.constant 0 : i32
      %dma_start3A_1133 = tpu.memref_slice %arg5[%dma_start3A_1132, %multiple_of3A_1103] : memref<32x1000000xf32, #tpu.memory_space<hbm>> -> memref<32x128xf32, #tpu.memory_space<hbm>>
      tpu.enqueue_dma source(%dma_start3A_1133 : memref<32x128xf32, #tpu.memory_space<hbm>>) target(%dma_start3A_1131 : memref<32x128xf32, #tpu.memory_space<vmem>>) target_semaphore(%arg13 : memref<!tpu.dma_semaphore, #tpu.memory_space<semaphore_mem>>)
      %slice3A_1134 = vector.extract_strided_slice %get3A_68 {offsets = [15], sizes = [1], strides = [1]} : vector<16xi32> to vector<1xi32>
      %squeeze3A_1135 = vector.extract %slice3A_1134[0] : i32 from vector<1xi32>
      %slice3A_1136 = vector.extract_strided_slice %get3A_113 {offsets = [15], sizes = [1], strides = [1]} : vector<16xi32> to vector<1xi32>
      %squeeze3A_1137 = vector.extract %slice3A_1136[0] : i32 from vector<1xi32>
      %shift_right_arithmetic3A_1138 = arith.constant 7 : i32
      %shift_right_arithmetic3A_1139 = arith.shrsi %squeeze3A_1135, %shift_right_arithmetic3A_1138 : i32
      %shift_left3A_1140 = arith.constant 7 : i32
      %shift_left3A_1141 = arith.shli %shift_right_arithmetic3A_1139, %shift_left3A_1140 : i32
      %multiple_of3A_1142 = tpu.assume_multiple %shift_left3A_1141, 128 : i32
      %shift_right_arithmetic3A_1143 = arith.constant 7 : i32
      %shift_right_arithmetic3A_1144 = arith.shrsi %squeeze3A_1137, %shift_right_arithmetic3A_1143 : i32
      %shift_left3A_1145 = arith.constant 7 : i32
      %shift_left3A_1146 = arith.shli %shift_right_arithmetic3A_1144, %shift_left3A_1145 : i32
      %multiple_of3A_1147 = tpu.assume_multiple %shift_left3A_1146, 128 : i32
      %and3A_1148 = arith.constant 127 : i32
      %and3A_1149 = arith.andi %squeeze3A_1135, %and3A_1148 : i32
      %and3A_1150 = arith.constant 127 : i32
      %and3A_1151 = arith.andi %squeeze3A_1137, %and3A_1150 : i32
      %dma_start3A_1152 = arith.constant 7 : i32
      %dma_start3A_1153 = arith.constant 0 : i32
      %dma_start3A_1154 = arith.constant 0 : i32
      %dma_start3A_1155 = tpu.memref_slice %arg9[%dma_start3A_1152, %dma_start3A_1153, %dma_start3A_1154] : memref<8x32x128xf32, #tpu.memory_space<vmem>> -> memref<1x32x128xf32, #tpu.memory_space<vmem>>
      %dma_start3A_1156 = tpu.memref_squeeze %dma_start3A_1155 : memref<1x32x128xf32, #tpu.memory_space<vmem>> -> memref<32x128xf32, #tpu.memory_space<vmem>>
      %dma_start3A_1157 = arith.constant 0 : i32
      %dma_start3A_1158 = tpu.memref_slice %arg4[%dma_start3A_1157, %multiple_of3A_1142] : memref<32x1000000xf32, #tpu.memory_space<hbm>> -> memref<32x128xf32, #tpu.memory_space<hbm>>
      %dma_start3A_1159 = arith.constant 0 : i32
      %dma_start3A_1160 = arith.constant 0 : i32
      %dma_start3A_1161 = tpu.memref_slice %arg9[%dma_start3A_1152, %dma_start3A_1159, %dma_start3A_1160] : memref<8x32x128xf32, #tpu.memory_space<vmem>> -> memref<1x32x128xf32, #tpu.memory_space<vmem>>
      %dma_start3A_1162 = tpu.memref_squeeze %dma_start3A_1161 : memref<1x32x128xf32, #tpu.memory_space<vmem>> -> memref<32x128xf32, #tpu.memory_space<vmem>>
      %dma_start3A_1163 = arith.constant 0 : i32
      %dma_start3A_1164 = tpu.memref_slice %arg4[%dma_start3A_1163, %multiple_of3A_1142] : memref<32x1000000xf32, #tpu.memory_space<hbm>> -> memref<32x128xf32, #tpu.memory_space<hbm>>
      tpu.enqueue_dma source(%dma_start3A_1164 : memref<32x128xf32, #tpu.memory_space<hbm>>) target(%dma_start3A_1162 : memref<32x128xf32, #tpu.memory_space<vmem>>) target_semaphore(%arg12 : memref<!tpu.dma_semaphore, #tpu.memory_space<semaphore_mem>>)
      %dma_start3A_1165 = arith.constant 7 : i32
      %dma_start3A_1166 = arith.constant 0 : i32
      %dma_start3A_1167 = arith.constant 0 : i32
      %dma_start3A_1168 = tpu.memref_slice %arg10[%dma_start3A_1165, %dma_start3A_1166, %dma_start3A_1167] : memref<8x32x128xf32, #tpu.memory_space<vmem>> -> memref<1x32x128xf32, #tpu.memory_space<vmem>>
      %dma_start3A_1169 = tpu.memref_squeeze %dma_start3A_1168 : memref<1x32x128xf32, #tpu.memory_space<vmem>> -> memref<32x128xf32, #tpu.memory_space<vmem>>
      %dma_start3A_1170 = arith.constant 0 : i32
      %dma_start3A_1171 = tpu.memref_slice %arg5[%dma_start3A_1170, %multiple_of3A_1147] : memref<32x1000000xf32, #tpu.memory_space<hbm>> -> memref<32x128xf32, #tpu.memory_space<hbm>>
      %dma_start3A_1172 = arith.constant 0 : i32
      %dma_start3A_1173 = arith.constant 0 : i32
      %dma_start3A_1174 = tpu.memref_slice %arg10[%dma_start3A_1165, %dma_start3A_1172, %dma_start3A_1173] : memref<8x32x128xf32, #tpu.memory_space<vmem>> -> memref<1x32x128xf32, #tpu.memory_space<vmem>>
      %dma_start3A_1175 = tpu.memref_squeeze %dma_start3A_1174 : memref<1x32x128xf32, #tpu.memory_space<vmem>> -> memref<32x128xf32, #tpu.memory_space<vmem>>
      %dma_start3A_1176 = arith.constant 0 : i32
      %dma_start3A_1177 = tpu.memref_slice %arg5[%dma_start3A_1176, %multiple_of3A_1147] : memref<32x1000000xf32, #tpu.memory_space<hbm>> -> memref<32x128xf32, #tpu.memory_space<hbm>>
      tpu.enqueue_dma source(%dma_start3A_1177 : memref<32x128xf32, #tpu.memory_space<hbm>>) target(%dma_start3A_1175 : memref<32x128xf32, #tpu.memory_space<vmem>>) target_semaphore(%arg13 : memref<!tpu.dma_semaphore, #tpu.memory_space<semaphore_mem>>)
      %dma_wait3A_1178 = arith.constant 0 : i32
      %dma_wait3A_1179 = arith.constant 0 : i32
      %dma_wait3A_1180 = arith.constant 0 : i32
      %dma_wait3A_1181 = tpu.memref_slice %arg9[%dma_wait3A_1178, %dma_wait3A_1179, %dma_wait3A_1180] : memref<8x32x128xf32, #tpu.memory_space<vmem>> -> memref<1x32x128xf32, #tpu.memory_space<vmem>>
      %dma_wait3A_1182 = tpu.memref_squeeze %dma_wait3A_1181 : memref<1x32x128xf32, #tpu.memory_space<vmem>> -> memref<32x128xf32, #tpu.memory_space<vmem>>
      %dma_wait3A_1183 = arith.constant 0 : i32
      %dma_wait3A_1184 = tpu.memref_slice %arg4[%dma_wait3A_1183, %multiple_of3A_834] : memref<32x1000000xf32, #tpu.memory_space<hbm>> -> memref<32x128xf32, #tpu.memory_space<hbm>>
      %dma_wait3A_1185 = arith.constant 0 : i32
      %dma_wait3A_1186 = arith.constant 0 : i32
      %dma_wait3A_1187 = tpu.memref_slice %arg9[%dma_wait3A_1178, %dma_wait3A_1185, %dma_wait3A_1186] : memref<8x32x128xf32, #tpu.memory_space<vmem>> -> memref<1x32x128xf32, #tpu.memory_space<vmem>>
      %dma_wait3A_1188 = tpu.memref_squeeze %dma_wait3A_1187 : memref<1x32x128xf32, #tpu.memory_space<vmem>> -> memref<32x128xf32, #tpu.memory_space<vmem>>
      %dma_wait3A_1189 = arith.constant 0 : i32
      %dma_wait3A_1190 = tpu.memref_slice %arg4[%dma_wait3A_1189, %multiple_of3A_834] : memref<32x1000000xf32, #tpu.memory_space<hbm>> -> memref<32x128xf32, #tpu.memory_space<hbm>>
      tpu.wait_dma2 semaphore(%arg12 : memref<!tpu.dma_semaphore, #tpu.memory_space<semaphore_mem>>) src(%dma_wait3A_1190 : memref<32x128xf32, #tpu.memory_space<hbm>>) dst(%dma_wait3A_1188 : memref<32x128xf32, #tpu.memory_space<vmem>>)
      %dma_wait3A_1191 = arith.constant 0 : i32
      %dma_wait3A_1192 = arith.constant 0 : i32
      %dma_wait3A_1193 = arith.constant 0 : i32
      %dma_wait3A_1194 = tpu.memref_slice %arg10[%dma_wait3A_1191, %dma_wait3A_1192, %dma_wait3A_1193] : memref<8x32x128xf32, #tpu.memory_space<vmem>> -> memref<1x32x128xf32, #tpu.memory_space<vmem>>
      %dma_wait3A_1195 = tpu.memref_squeeze %dma_wait3A_1194 : memref<1x32x128xf32, #tpu.memory_space<vmem>> -> memref<32x128xf32, #tpu.memory_space<vmem>>
      %dma_wait3A_1196 = arith.constant 0 : i32
      %dma_wait3A_1197 = tpu.memref_slice %arg5[%dma_wait3A_1196, %multiple_of3A_839] : memref<32x1000000xf32, #tpu.memory_space<hbm>> -> memref<32x128xf32, #tpu.memory_space<hbm>>
      %dma_wait3A_1198 = arith.constant 0 : i32
      %dma_wait3A_1199 = arith.constant 0 : i32
      %dma_wait3A_1200 = tpu.memref_slice %arg10[%dma_wait3A_1191, %dma_wait3A_1198, %dma_wait3A_1199] : memref<8x32x128xf32, #tpu.memory_space<vmem>> -> memref<1x32x128xf32, #tpu.memory_space<vmem>>
      %dma_wait3A_1201 = tpu.memref_squeeze %dma_wait3A_1200 : memref<1x32x128xf32, #tpu.memory_space<vmem>> -> memref<32x128xf32, #tpu.memory_space<vmem>>
      %dma_wait3A_1202 = arith.constant 0 : i32
      %dma_wait3A_1203 = tpu.memref_slice %arg5[%dma_wait3A_1202, %multiple_of3A_839] : memref<32x1000000xf32, #tpu.memory_space<hbm>> -> memref<32x128xf32, #tpu.memory_space<hbm>>
      tpu.wait_dma2 semaphore(%arg13 : memref<!tpu.dma_semaphore, #tpu.memory_space<semaphore_mem>>) src(%dma_wait3A_1203 : memref<32x128xf32, #tpu.memory_space<hbm>>) dst(%dma_wait3A_1201 : memref<32x128xf32, #tpu.memory_space<vmem>>)
      %dma_wait3A_1204 = arith.constant 1 : i32
      %dma_wait3A_1205 = arith.constant 0 : i32
      %dma_wait3A_1206 = arith.constant 0 : i32
      %dma_wait3A_1207 = tpu.memref_slice %arg9[%dma_wait3A_1204, %dma_wait3A_1205, %dma_wait3A_1206] : memref<8x32x128xf32, #tpu.memory_space<vmem>> -> memref<1x32x128xf32, #tpu.memory_space<vmem>>
      %dma_wait3A_1208 = tpu.memref_squeeze %dma_wait3A_1207 : memref<1x32x128xf32, #tpu.memory_space<vmem>> -> memref<32x128xf32, #tpu.memory_space<vmem>>
      %dma_wait3A_1209 = arith.constant 0 : i32
      %dma_wait3A_1210 = tpu.memref_slice %arg4[%dma_wait3A_1209, %multiple_of3A_878] : memref<32x1000000xf32, #tpu.memory_space<hbm>> -> memref<32x128xf32, #tpu.memory_space<hbm>>
      %dma_wait3A_1211 = arith.constant 0 : i32
      %dma_wait3A_1212 = arith.constant 0 : i32
      %dma_wait3A_1213 = tpu.memref_slice %arg9[%dma_wait3A_1204, %dma_wait3A_1211, %dma_wait3A_1212] : memref<8x32x128xf32, #tpu.memory_space<vmem>> -> memref<1x32x128xf32, #tpu.memory_space<vmem>>
      %dma_wait3A_1214 = tpu.memref_squeeze %dma_wait3A_1213 : memref<1x32x128xf32, #tpu.memory_space<vmem>> -> memref<32x128xf32, #tpu.memory_space<vmem>>
      %dma_wait3A_1215 = arith.constant 0 : i32
      %dma_wait3A_1216 = tpu.memref_slice %arg4[%dma_wait3A_1215, %multiple_of3A_878] : memref<32x1000000xf32, #tpu.memory_space<hbm>> -> memref<32x128xf32, #tpu.memory_space<hbm>>
      tpu.wait_dma2 semaphore(%arg12 : memref<!tpu.dma_semaphore, #tpu.memory_space<semaphore_mem>>) src(%dma_wait3A_1216 : memref<32x128xf32, #tpu.memory_space<hbm>>) dst(%dma_wait3A_1214 : memref<32x128xf32, #tpu.memory_space<vmem>>)
      %dma_wait3A_1217 = arith.constant 1 : i32
      %dma_wait3A_1218 = arith.constant 0 : i32
      %dma_wait3A_1219 = arith.constant 0 : i32
      %dma_wait3A_1220 = tpu.memref_slice %arg10[%dma_wait3A_1217, %dma_wait3A_1218, %dma_wait3A_1219] : memref<8x32x128xf32, #tpu.memory_space<vmem>> -> memref<1x32x128xf32, #tpu.memory_space<vmem>>
      %dma_wait3A_1221 = tpu.memref_squeeze %dma_wait3A_1220 : memref<1x32x128xf32, #tpu.memory_space<vmem>> -> memref<32x128xf32, #tpu.memory_space<vmem>>
      %dma_wait3A_1222 = arith.constant 0 : i32
      %dma_wait3A_1223 = tpu.memref_slice %arg5[%dma_wait3A_1222, %multiple_of3A_883] : memref<32x1000000xf32, #tpu.memory_space<hbm>> -> memref<32x128xf32, #tpu.memory_space<hbm>>
      %dma_wait3A_1224 = arith.constant 0 : i32
      %dma_wait3A_1225 = arith.constant 0 : i32
      %dma_wait3A_1226 = tpu.memref_slice %arg10[%dma_wait3A_1217, %dma_wait3A_1224, %dma_wait3A_1225] : memref<8x32x128xf32, #tpu.memory_space<vmem>> -> memref<1x32x128xf32, #tpu.memory_space<vmem>>
      %dma_wait3A_1227 = tpu.memref_squeeze %dma_wait3A_1226 : memref<1x32x128xf32, #tpu.memory_space<vmem>> -> memref<32x128xf32, #tpu.memory_space<vmem>>
      %dma_wait3A_1228 = arith.constant 0 : i32
      %dma_wait3A_1229 = tpu.memref_slice %arg5[%dma_wait3A_1228, %multiple_of3A_883] : memref<32x1000000xf32, #tpu.memory_space<hbm>> -> memref<32x128xf32, #tpu.memory_space<hbm>>
      tpu.wait_dma2 semaphore(%arg13 : memref<!tpu.dma_semaphore, #tpu.memory_space<semaphore_mem>>) src(%dma_wait3A_1229 : memref<32x128xf32, #tpu.memory_space<hbm>>) dst(%dma_wait3A_1227 : memref<32x128xf32, #tpu.memory_space<vmem>>)
      %dma_wait3A_1230 = arith.constant 2 : i32
      %dma_wait3A_1231 = arith.constant 0 : i32
      %dma_wait3A_1232 = arith.constant 0 : i32
      %dma_wait3A_1233 = tpu.memref_slice %arg9[%dma_wait3A_1230, %dma_wait3A_1231, %dma_wait3A_1232] : memref<8x32x128xf32, #tpu.memory_space<vmem>> -> memref<1x32x128xf32, #tpu.memory_space<vmem>>
      %dma_wait3A_1234 = tpu.memref_squeeze %dma_wait3A_1233 : memref<1x32x128xf32, #tpu.memory_space<vmem>> -> memref<32x128xf32, #tpu.memory_space<vmem>>
      %dma_wait3A_1235 = arith.constant 0 : i32
      %dma_wait3A_1236 = tpu.memref_slice %arg4[%dma_wait3A_1235, %multiple_of3A_922] : memref<32x1000000xf32, #tpu.memory_space<hbm>> -> memref<32x128xf32, #tpu.memory_space<hbm>>
      %dma_wait3A_1237 = arith.constant 0 : i32
      %dma_wait3A_1238 = arith.constant 0 : i32
      %dma_wait3A_1239 = tpu.memref_slice %arg9[%dma_wait3A_1230, %dma_wait3A_1237, %dma_wait3A_1238] : memref<8x32x128xf32, #tpu.memory_space<vmem>> -> memref<1x32x128xf32, #tpu.memory_space<vmem>>
      %dma_wait3A_1240 = tpu.memref_squeeze %dma_wait3A_1239 : memref<1x32x128xf32, #tpu.memory_space<vmem>> -> memref<32x128xf32, #tpu.memory_space<vmem>>
      %dma_wait3A_1241 = arith.constant 0 : i32
      %dma_wait3A_1242 = tpu.memref_slice %arg4[%dma_wait3A_1241, %multiple_of3A_922] : memref<32x1000000xf32, #tpu.memory_space<hbm>> -> memref<32x128xf32, #tpu.memory_space<hbm>>
      tpu.wait_dma2 semaphore(%arg12 : memref<!tpu.dma_semaphore, #tpu.memory_space<semaphore_mem>>) src(%dma_wait3A_1242 : memref<32x128xf32, #tpu.memory_space<hbm>>) dst(%dma_wait3A_1240 : memref<32x128xf32, #tpu.memory_space<vmem>>)
      %dma_wait3A_1243 = arith.constant 2 : i32
      %dma_wait3A_1244 = arith.constant 0 : i32
      %dma_wait3A_1245 = arith.constant 0 : i32
      %dma_wait3A_1246 = tpu.memref_slice %arg10[%dma_wait3A_1243, %dma_wait3A_1244, %dma_wait3A_1245] : memref<8x32x128xf32, #tpu.memory_space<vmem>> -> memref<1x32x128xf32, #tpu.memory_space<vmem>>
      %dma_wait3A_1247 = tpu.memref_squeeze %dma_wait3A_1246 : memref<1x32x128xf32, #tpu.memory_space<vmem>> -> memref<32x128xf32, #tpu.memory_space<vmem>>
      %dma_wait3A_1248 = arith.constant 0 : i32
      %dma_wait3A_1249 = tpu.memref_slice %arg5[%dma_wait3A_1248, %multiple_of3A_927] : memref<32x1000000xf32, #tpu.memory_space<hbm>> -> memref<32x128xf32, #tpu.memory_space<hbm>>
      %dma_wait3A_1250 = arith.constant 0 : i32
      %dma_wait3A_1251 = arith.constant 0 : i32
      %dma_wait3A_1252 = tpu.memref_slice %arg10[%dma_wait3A_1243, %dma_wait3A_1250, %dma_wait3A_1251] : memref<8x32x128xf32, #tpu.memory_space<vmem>> -> memref<1x32x128xf32, #tpu.memory_space<vmem>>
      %dma_wait3A_1253 = tpu.memref_squeeze %dma_wait3A_1252 : memref<1x32x128xf32, #tpu.memory_space<vmem>> -> memref<32x128xf32, #tpu.memory_space<vmem>>
      %dma_wait3A_1254 = arith.constant 0 : i32
      %dma_wait3A_1255 = tpu.memref_slice %arg5[%dma_wait3A_1254, %multiple_of3A_927] : memref<32x1000000xf32, #tpu.memory_space<hbm>> -> memref<32x128xf32, #tpu.memory_space<hbm>>
      tpu.wait_dma2 semaphore(%arg13 : memref<!tpu.dma_semaphore, #tpu.memory_space<semaphore_mem>>) src(%dma_wait3A_1255 : memref<32x128xf32, #tpu.memory_space<hbm>>) dst(%dma_wait3A_1253 : memref<32x128xf32, #tpu.memory_space<vmem>>)
      %dma_wait3A_1256 = arith.constant 3 : i32
      %dma_wait3A_1257 = arith.constant 0 : i32
      %dma_wait3A_1258 = arith.constant 0 : i32
      %dma_wait3A_1259 = tpu.memref_slice %arg9[%dma_wait3A_1256, %dma_wait3A_1257, %dma_wait3A_1258] : memref<8x32x128xf32, #tpu.memory_space<vmem>> -> memref<1x32x128xf32, #tpu.memory_space<vmem>>
      %dma_wait3A_1260 = tpu.memref_squeeze %dma_wait3A_1259 : memref<1x32x128xf32, #tpu.memory_space<vmem>> -> memref<32x128xf32, #tpu.memory_space<vmem>>
      %dma_wait3A_1261 = arith.constant 0 : i32
      %dma_wait3A_1262 = tpu.memref_slice %arg4[%dma_wait3A_1261, %multiple_of3A_966] : memref<32x1000000xf32, #tpu.memory_space<hbm>> -> memref<32x128xf32, #tpu.memory_space<hbm>>
      %dma_wait3A_1263 = arith.constant 0 : i32
      %dma_wait3A_1264 = arith.constant 0 : i32
      %dma_wait3A_1265 = tpu.memref_slice %arg9[%dma_wait3A_1256, %dma_wait3A_1263, %dma_wait3A_1264] : memref<8x32x128xf32, #tpu.memory_space<vmem>> -> memref<1x32x128xf32, #tpu.memory_space<vmem>>
      %dma_wait3A_1266 = tpu.memref_squeeze %dma_wait3A_1265 : memref<1x32x128xf32, #tpu.memory_space<vmem>> -> memref<32x128xf32, #tpu.memory_space<vmem>>
      %dma_wait3A_1267 = arith.constant 0 : i32
      %dma_wait3A_1268 = tpu.memref_slice %arg4[%dma_wait3A_1267, %multiple_of3A_966] : memref<32x1000000xf32, #tpu.memory_space<hbm>> -> memref<32x128xf32, #tpu.memory_space<hbm>>
      tpu.wait_dma2 semaphore(%arg12 : memref<!tpu.dma_semaphore, #tpu.memory_space<semaphore_mem>>) src(%dma_wait3A_1268 : memref<32x128xf32, #tpu.memory_space<hbm>>) dst(%dma_wait3A_1266 : memref<32x128xf32, #tpu.memory_space<vmem>>)
      %dma_wait3A_1269 = arith.constant 3 : i32
      %dma_wait3A_1270 = arith.constant 0 : i32
      %dma_wait3A_1271 = arith.constant 0 : i32
      %dma_wait3A_1272 = tpu.memref_slice %arg10[%dma_wait3A_1269, %dma_wait3A_1270, %dma_wait3A_1271] : memref<8x32x128xf32, #tpu.memory_space<vmem>> -> memref<1x32x128xf32, #tpu.memory_space<vmem>>
      %dma_wait3A_1273 = tpu.memref_squeeze %dma_wait3A_1272 : memref<1x32x128xf32, #tpu.memory_space<vmem>> -> memref<32x128xf32, #tpu.memory_space<vmem>>
      %dma_wait3A_1274 = arith.constant 0 : i32
      %dma_wait3A_1275 = tpu.memref_slice %arg5[%dma_wait3A_1274, %multiple_of3A_971] : memref<32x1000000xf32, #tpu.memory_space<hbm>> -> memref<32x128xf32, #tpu.memory_space<hbm>>
      %dma_wait3A_1276 = arith.constant 0 : i32
      %dma_wait3A_1277 = arith.constant 0 : i32
      %dma_wait3A_1278 = tpu.memref_slice %arg10[%dma_wait3A_1269, %dma_wait3A_1276, %dma_wait3A_1277] : memref<8x32x128xf32, #tpu.memory_space<vmem>> -> memref<1x32x128xf32, #tpu.memory_space<vmem>>
      %dma_wait3A_1279 = tpu.memref_squeeze %dma_wait3A_1278 : memref<1x32x128xf32, #tpu.memory_space<vmem>> -> memref<32x128xf32, #tpu.memory_space<vmem>>
      %dma_wait3A_1280 = arith.constant 0 : i32
      %dma_wait3A_1281 = tpu.memref_slice %arg5[%dma_wait3A_1280, %multiple_of3A_971] : memref<32x1000000xf32, #tpu.memory_space<hbm>> -> memref<32x128xf32, #tpu.memory_space<hbm>>
      tpu.wait_dma2 semaphore(%arg13 : memref<!tpu.dma_semaphore, #tpu.memory_space<semaphore_mem>>) src(%dma_wait3A_1281 : memref<32x128xf32, #tpu.memory_space<hbm>>) dst(%dma_wait3A_1279 : memref<32x128xf32, #tpu.memory_space<vmem>>)
      %dma_wait3A_1282 = arith.constant 4 : i32
      %dma_wait3A_1283 = arith.constant 0 : i32
      %dma_wait3A_1284 = arith.constant 0 : i32
      %dma_wait3A_1285 = tpu.memref_slice %arg9[%dma_wait3A_1282, %dma_wait3A_1283, %dma_wait3A_1284] : memref<8x32x128xf32, #tpu.memory_space<vmem>> -> memref<1x32x128xf32, #tpu.memory_space<vmem>>
      %dma_wait3A_1286 = tpu.memref_squeeze %dma_wait3A_1285 : memref<1x32x128xf32, #tpu.memory_space<vmem>> -> memref<32x128xf32, #tpu.memory_space<vmem>>
      %dma_wait3A_1287 = arith.constant 0 : i32
      %dma_wait3A_1288 = tpu.memref_slice %arg4[%dma_wait3A_1287, %multiple_of3A_1010] : memref<32x1000000xf32, #tpu.memory_space<hbm>> -> memref<32x128xf32, #tpu.memory_space<hbm>>
      %dma_wait3A_1289 = arith.constant 0 : i32
      %dma_wait3A_1290 = arith.constant 0 : i32
      %dma_wait3A_1291 = tpu.memref_slice %arg9[%dma_wait3A_1282, %dma_wait3A_1289, %dma_wait3A_1290] : memref<8x32x128xf32, #tpu.memory_space<vmem>> -> memref<1x32x128xf32, #tpu.memory_space<vmem>>
      %dma_wait3A_1292 = tpu.memref_squeeze %dma_wait3A_1291 : memref<1x32x128xf32, #tpu.memory_space<vmem>> -> memref<32x128xf32, #tpu.memory_space<vmem>>
      %dma_wait3A_1293 = arith.constant 0 : i32
      %dma_wait3A_1294 = tpu.memref_slice %arg4[%dma_wait3A_1293, %multiple_of3A_1010] : memref<32x1000000xf32, #tpu.memory_space<hbm>> -> memref<32x128xf32, #tpu.memory_space<hbm>>
      tpu.wait_dma2 semaphore(%arg12 : memref<!tpu.dma_semaphore, #tpu.memory_space<semaphore_mem>>) src(%dma_wait3A_1294 : memref<32x128xf32, #tpu.memory_space<hbm>>) dst(%dma_wait3A_1292 : memref<32x128xf32, #tpu.memory_space<vmem>>)
      %dma_wait3A_1295 = arith.constant 4 : i32
      %dma_wait3A_1296 = arith.constant 0 : i32
      %dma_wait3A_1297 = arith.constant 0 : i32
      %dma_wait3A_1298 = tpu.memref_slice %arg10[%dma_wait3A_1295, %dma_wait3A_1296, %dma_wait3A_1297] : memref<8x32x128xf32, #tpu.memory_space<vmem>> -> memref<1x32x128xf32, #tpu.memory_space<vmem>>
      %dma_wait3A_1299 = tpu.memref_squeeze %dma_wait3A_1298 : memref<1x32x128xf32, #tpu.memory_space<vmem>> -> memref<32x128xf32, #tpu.memory_space<vmem>>
      %dma_wait3A_1300 = arith.constant 0 : i32
      %dma_wait3A_1301 = tpu.memref_slice %arg5[%dma_wait3A_1300, %multiple_of3A_1015] : memref<32x1000000xf32, #tpu.memory_space<hbm>> -> memref<32x128xf32, #tpu.memory_space<hbm>>
      %dma_wait3A_1302 = arith.constant 0 : i32
      %dma_wait3A_1303 = arith.constant 0 : i32
      %dma_wait3A_1304 = tpu.memref_slice %arg10[%dma_wait3A_1295, %dma_wait3A_1302, %dma_wait3A_1303] : memref<8x32x128xf32, #tpu.memory_space<vmem>> -> memref<1x32x128xf32, #tpu.memory_space<vmem>>
      %dma_wait3A_1305 = tpu.memref_squeeze %dma_wait3A_1304 : memref<1x32x128xf32, #tpu.memory_space<vmem>> -> memref<32x128xf32, #tpu.memory_space<vmem>>
      %dma_wait3A_1306 = arith.constant 0 : i32
      %dma_wait3A_1307 = tpu.memref_slice %arg5[%dma_wait3A_1306, %multiple_of3A_1015] : memref<32x1000000xf32, #tpu.memory_space<hbm>> -> memref<32x128xf32, #tpu.memory_space<hbm>>
      tpu.wait_dma2 semaphore(%arg13 : memref<!tpu.dma_semaphore, #tpu.memory_space<semaphore_mem>>) src(%dma_wait3A_1307 : memref<32x128xf32, #tpu.memory_space<hbm>>) dst(%dma_wait3A_1305 : memref<32x128xf32, #tpu.memory_space<vmem>>)
      %dma_wait3A_1308 = arith.constant 5 : i32
      %dma_wait3A_1309 = arith.constant 0 : i32
      %dma_wait3A_1310 = arith.constant 0 : i32
      %dma_wait3A_1311 = tpu.memref_slice %arg9[%dma_wait3A_1308, %dma_wait3A_1309, %dma_wait3A_1310] : memref<8x32x128xf32, #tpu.memory_space<vmem>> -> memref<1x32x128xf32, #tpu.memory_space<vmem>>
      %dma_wait3A_1312 = tpu.memref_squeeze %dma_wait3A_1311 : memref<1x32x128xf32, #tpu.memory_space<vmem>> -> memref<32x128xf32, #tpu.memory_space<vmem>>
      %dma_wait3A_1313 = arith.constant 0 : i32
      %dma_wait3A_1314 = tpu.memref_slice %arg4[%dma_wait3A_1313, %multiple_of3A_1054] : memref<32x1000000xf32, #tpu.memory_space<hbm>> -> memref<32x128xf32, #tpu.memory_space<hbm>>
      %dma_wait3A_1315 = arith.constant 0 : i32
      %dma_wait3A_1316 = arith.constant 0 : i32
      %dma_wait3A_1317 = tpu.memref_slice %arg9[%dma_wait3A_1308, %dma_wait3A_1315, %dma_wait3A_1316] : memref<8x32x128xf32, #tpu.memory_space<vmem>> -> memref<1x32x128xf32, #tpu.memory_space<vmem>>
      %dma_wait3A_1318 = tpu.memref_squeeze %dma_wait3A_1317 : memref<1x32x128xf32, #tpu.memory_space<vmem>> -> memref<32x128xf32, #tpu.memory_space<vmem>>
      %dma_wait3A_1319 = arith.constant 0 : i32
      %dma_wait3A_1320 = tpu.memref_slice %arg4[%dma_wait3A_1319, %multiple_of3A_1054] : memref<32x1000000xf32, #tpu.memory_space<hbm>> -> memref<32x128xf32, #tpu.memory_space<hbm>>
      tpu.wait_dma2 semaphore(%arg12 : memref<!tpu.dma_semaphore, #tpu.memory_space<semaphore_mem>>) src(%dma_wait3A_1320 : memref<32x128xf32, #tpu.memory_space<hbm>>) dst(%dma_wait3A_1318 : memref<32x128xf32, #tpu.memory_space<vmem>>)
      %dma_wait3A_1321 = arith.constant 5 : i32
      %dma_wait3A_1322 = arith.constant 0 : i32
      %dma_wait3A_1323 = arith.constant 0 : i32
      %dma_wait3A_1324 = tpu.memref_slice %arg10[%dma_wait3A_1321, %dma_wait3A_1322, %dma_wait3A_1323] : memref<8x32x128xf32, #tpu.memory_space<vmem>> -> memref<1x32x128xf32, #tpu.memory_space<vmem>>
      %dma_wait3A_1325 = tpu.memref_squeeze %dma_wait3A_1324 : memref<1x32x128xf32, #tpu.memory_space<vmem>> -> memref<32x128xf32, #tpu.memory_space<vmem>>
      %dma_wait3A_1326 = arith.constant 0 : i32
      %dma_wait3A_1327 = tpu.memref_slice %arg5[%dma_wait3A_1326, %multiple_of3A_1059] : memref<32x1000000xf32, #tpu.memory_space<hbm>> -> memref<32x128xf32, #tpu.memory_space<hbm>>
      %dma_wait3A_1328 = arith.constant 0 : i32
      %dma_wait3A_1329 = arith.constant 0 : i32
      %dma_wait3A_1330 = tpu.memref_slice %arg10[%dma_wait3A_1321, %dma_wait3A_1328, %dma_wait3A_1329] : memref<8x32x128xf32, #tpu.memory_space<vmem>> -> memref<1x32x128xf32, #tpu.memory_space<vmem>>
      %dma_wait3A_1331 = tpu.memref_squeeze %dma_wait3A_1330 : memref<1x32x128xf32, #tpu.memory_space<vmem>> -> memref<32x128xf32, #tpu.memory_space<vmem>>
      %dma_wait3A_1332 = arith.constant 0 : i32
      %dma_wait3A_1333 = tpu.memref_slice %arg5[%dma_wait3A_1332, %multiple_of3A_1059] : memref<32x1000000xf32, #tpu.memory_space<hbm>> -> memref<32x128xf32, #tpu.memory_space<hbm>>
      tpu.wait_dma2 semaphore(%arg13 : memref<!tpu.dma_semaphore, #tpu.memory_space<semaphore_mem>>) src(%dma_wait3A_1333 : memref<32x128xf32, #tpu.memory_space<hbm>>) dst(%dma_wait3A_1331 : memref<32x128xf32, #tpu.memory_space<vmem>>)
      %dma_wait3A_1334 = arith.constant 6 : i32
      %dma_wait3A_1335 = arith.constant 0 : i32
      %dma_wait3A_1336 = arith.constant 0 : i32
      %dma_wait3A_1337 = tpu.memref_slice %arg9[%dma_wait3A_1334, %dma_wait3A_1335, %dma_wait3A_1336] : memref<8x32x128xf32, #tpu.memory_space<vmem>> -> memref<1x32x128xf32, #tpu.memory_space<vmem>>
      %dma_wait3A_1338 = tpu.memref_squeeze %dma_wait3A_1337 : memref<1x32x128xf32, #tpu.memory_space<vmem>> -> memref<32x128xf32, #tpu.memory_space<vmem>>
      %dma_wait3A_1339 = arith.constant 0 : i32
      %dma_wait3A_1340 = tpu.memref_slice %arg4[%dma_wait3A_1339, %multiple_of3A_1098] : memref<32x1000000xf32, #tpu.memory_space<hbm>> -> memref<32x128xf32, #tpu.memory_space<hbm>>
      %dma_wait3A_1341 = arith.constant 0 : i32
      %dma_wait3A_1342 = arith.constant 0 : i32
      %dma_wait3A_1343 = tpu.memref_slice %arg9[%dma_wait3A_1334, %dma_wait3A_1341, %dma_wait3A_1342] : memref<8x32x128xf32, #tpu.memory_space<vmem>> -> memref<1x32x128xf32, #tpu.memory_space<vmem>>
      %dma_wait3A_1344 = tpu.memref_squeeze %dma_wait3A_1343 : memref<1x32x128xf32, #tpu.memory_space<vmem>> -> memref<32x128xf32, #tpu.memory_space<vmem>>
      %dma_wait3A_1345 = arith.constant 0 : i32
      %dma_wait3A_1346 = tpu.memref_slice %arg4[%dma_wait3A_1345, %multiple_of3A_1098] : memref<32x1000000xf32, #tpu.memory_space<hbm>> -> memref<32x128xf32, #tpu.memory_space<hbm>>
      tpu.wait_dma2 semaphore(%arg12 : memref<!tpu.dma_semaphore, #tpu.memory_space<semaphore_mem>>) src(%dma_wait3A_1346 : memref<32x128xf32, #tpu.memory_space<hbm>>) dst(%dma_wait3A_1344 : memref<32x128xf32, #tpu.memory_space<vmem>>)
      %dma_wait3A_1347 = arith.constant 6 : i32
      %dma_wait3A_1348 = arith.constant 0 : i32
      %dma_wait3A_1349 = arith.constant 0 : i32
      %dma_wait3A_1350 = tpu.memref_slice %arg10[%dma_wait3A_1347, %dma_wait3A_1348, %dma_wait3A_1349] : memref<8x32x128xf32, #tpu.memory_space<vmem>> -> memref<1x32x128xf32, #tpu.memory_space<vmem>>
      %dma_wait3A_1351 = tpu.memref_squeeze %dma_wait3A_1350 : memref<1x32x128xf32, #tpu.memory_space<vmem>> -> memref<32x128xf32, #tpu.memory_space<vmem>>
      %dma_wait3A_1352 = arith.constant 0 : i32
      %dma_wait3A_1353 = tpu.memref_slice %arg5[%dma_wait3A_1352, %multiple_of3A_1103] : memref<32x1000000xf32, #tpu.memory_space<hbm>> -> memref<32x128xf32, #tpu.memory_space<hbm>>
      %dma_wait3A_1354 = arith.constant 0 : i32
      %dma_wait3A_1355 = arith.constant 0 : i32
      %dma_wait3A_1356 = tpu.memref_slice %arg10[%dma_wait3A_1347, %dma_wait3A_1354, %dma_wait3A_1355] : memref<8x32x128xf32, #tpu.memory_space<vmem>> -> memref<1x32x128xf32, #tpu.memory_space<vmem>>
      %dma_wait3A_1357 = tpu.memref_squeeze %dma_wait3A_1356 : memref<1x32x128xf32, #tpu.memory_space<vmem>> -> memref<32x128xf32, #tpu.memory_space<vmem>>
      %dma_wait3A_1358 = arith.constant 0 : i32
      %dma_wait3A_1359 = tpu.memref_slice %arg5[%dma_wait3A_1358, %multiple_of3A_1103] : memref<32x1000000xf32, #tpu.memory_space<hbm>> -> memref<32x128xf32, #tpu.memory_space<hbm>>
      tpu.wait_dma2 semaphore(%arg13 : memref<!tpu.dma_semaphore, #tpu.memory_space<semaphore_mem>>) src(%dma_wait3A_1359 : memref<32x128xf32, #tpu.memory_space<hbm>>) dst(%dma_wait3A_1357 : memref<32x128xf32, #tpu.memory_space<vmem>>)
      %dma_wait3A_1360 = arith.constant 7 : i32
      %dma_wait3A_1361 = arith.constant 0 : i32
      %dma_wait3A_1362 = arith.constant 0 : i32
      %dma_wait3A_1363 = tpu.memref_slice %arg9[%dma_wait3A_1360, %dma_wait3A_1361, %dma_wait3A_1362] : memref<8x32x128xf32, #tpu.memory_space<vmem>> -> memref<1x32x128xf32, #tpu.memory_space<vmem>>
      %dma_wait3A_1364 = tpu.memref_squeeze %dma_wait3A_1363 : memref<1x32x128xf32, #tpu.memory_space<vmem>> -> memref<32x128xf32, #tpu.memory_space<vmem>>
      %dma_wait3A_1365 = arith.constant 0 : i32
      %dma_wait3A_1366 = tpu.memref_slice %arg4[%dma_wait3A_1365, %multiple_of3A_1142] : memref<32x1000000xf32, #tpu.memory_space<hbm>> -> memref<32x128xf32, #tpu.memory_space<hbm>>
      %dma_wait3A_1367 = arith.constant 0 : i32
      %dma_wait3A_1368 = arith.constant 0 : i32
      %dma_wait3A_1369 = tpu.memref_slice %arg9[%dma_wait3A_1360, %dma_wait3A_1367, %dma_wait3A_1368] : memref<8x32x128xf32, #tpu.memory_space<vmem>> -> memref<1x32x128xf32, #tpu.memory_space<vmem>>
      %dma_wait3A_1370 = tpu.memref_squeeze %dma_wait3A_1369 : memref<1x32x128xf32, #tpu.memory_space<vmem>> -> memref<32x128xf32, #tpu.memory_space<vmem>>
      %dma_wait3A_1371 = arith.constant 0 : i32
      %dma_wait3A_1372 = tpu.memref_slice %arg4[%dma_wait3A_1371, %multiple_of3A_1142] : memref<32x1000000xf32, #tpu.memory_space<hbm>> -> memref<32x128xf32, #tpu.memory_space<hbm>>
      tpu.wait_dma2 semaphore(%arg12 : memref<!tpu.dma_semaphore, #tpu.memory_space<semaphore_mem>>) src(%dma_wait3A_1372 : memref<32x128xf32, #tpu.memory_space<hbm>>) dst(%dma_wait3A_1370 : memref<32x128xf32, #tpu.memory_space<vmem>>)
      %dma_wait3A_1373 = arith.constant 7 : i32
      %dma_wait3A_1374 = arith.constant 0 : i32
      %dma_wait3A_1375 = arith.constant 0 : i32
      %dma_wait3A_1376 = tpu.memref_slice %arg10[%dma_wait3A_1373, %dma_wait3A_1374, %dma_wait3A_1375] : memref<8x32x128xf32, #tpu.memory_space<vmem>> -> memref<1x32x128xf32, #tpu.memory_space<vmem>>
      %dma_wait3A_1377 = tpu.memref_squeeze %dma_wait3A_1376 : memref<1x32x128xf32, #tpu.memory_space<vmem>> -> memref<32x128xf32, #tpu.memory_space<vmem>>
      %dma_wait3A_1378 = arith.constant 0 : i32
      %dma_wait3A_1379 = tpu.memref_slice %arg5[%dma_wait3A_1378, %multiple_of3A_1147] : memref<32x1000000xf32, #tpu.memory_space<hbm>> -> memref<32x128xf32, #tpu.memory_space<hbm>>
      %dma_wait3A_1380 = arith.constant 0 : i32
      %dma_wait3A_1381 = arith.constant 0 : i32
      %dma_wait3A_1382 = tpu.memref_slice %arg10[%dma_wait3A_1373, %dma_wait3A_1380, %dma_wait3A_1381] : memref<8x32x128xf32, #tpu.memory_space<vmem>> -> memref<1x32x128xf32, #tpu.memory_space<vmem>>
      %dma_wait3A_1383 = tpu.memref_squeeze %dma_wait3A_1382 : memref<1x32x128xf32, #tpu.memory_space<vmem>> -> memref<32x128xf32, #tpu.memory_space<vmem>>
      %dma_wait3A_1384 = arith.constant 0 : i32
      %dma_wait3A_1385 = tpu.memref_slice %arg5[%dma_wait3A_1384, %multiple_of3A_1147] : memref<32x1000000xf32, #tpu.memory_space<hbm>> -> memref<32x128xf32, #tpu.memory_space<hbm>>
      tpu.wait_dma2 semaphore(%arg13 : memref<!tpu.dma_semaphore, #tpu.memory_space<semaphore_mem>>) src(%dma_wait3A_1385 : memref<32x128xf32, #tpu.memory_space<hbm>>) dst(%dma_wait3A_1383 : memref<32x128xf32, #tpu.memory_space<vmem>>)
      %broadcast_in_dim3A_1386 = arith.constant 0 : i32
      %broadcast_in_dim3A_1387 = vector.broadcast %broadcast_in_dim3A_1386 : i32 to vector<16xi32>
      %broadcast_in_dim3A_1388 = vector.broadcast %and3A_841 : i32 to vector<16xi32>
      %broadcast_in_dim3A_1389 = vector.broadcast %and3A_843 : i32 to vector<16xi32>
      %gather3A_1390 = tpu.vector_load_idx %arg9[%broadcast_in_dim3A_1387, %iota3A, %broadcast_in_dim3A_1388] : memref<8x32x128xf32, #tpu.memory_space<vmem>>[vector<16xi32>, vector<16xi32>, vector<16xi32>], vector<16xf32>,
      %gather3A_1391 = tpu.vector_load_idx %arg9[%broadcast_in_dim3A_1387, %add3A_28, %broadcast_in_dim3A_1388] : memref<8x32x128xf32, #tpu.memory_space<vmem>>[vector<16xi32>, vector<16xi32>, vector<16xi32>], vector<16xf32>,
      %gather3A_1392 = tpu.vector_load_idx %arg10[%broadcast_in_dim3A_1387, %iota3A, %broadcast_in_dim3A_1389] : memref<8x32x128xf32, #tpu.memory_space<vmem>>[vector<16xi32>, vector<16xi32>, vector<16xi32>], vector<16xf32>,
      %gather3A_1393 = tpu.vector_load_idx %arg10[%broadcast_in_dim3A_1387, %add3A_28, %broadcast_in_dim3A_1389] : memref<8x32x128xf32, #tpu.memory_space<vmem>>[vector<16xi32>, vector<16xi32>, vector<16xi32>], vector<16xf32>,
      %mul3A_1394 = arith.mulf %gather3A_1390, %gather3A_1392 : vector<16xf32>
      %mul3A_1395 = arith.mulf %gather3A_1391, %gather3A_1393 : vector<16xf32>
      %add3A_1396 = arith.addf %mul3A_1394, %mul3A_1395 : vector<16xf32>
      %reduce_sum3A_1397 = arith.constant true
      %reduce_sum3A_1398 = vector.broadcast %reduce_sum3A_1397 : i1 to vector<16xi1>
      %reduce_sum3A_1399 = tpu.scan <sum>, %add3A_1396 masked %reduce_sum3A_1398 : vector<16xf32>, vector<16xi1> -> vector<16xf32>
      %reduce_sum3A_1400 = vector.extract %reduce_sum3A_1399[15] : f32 from vector<16xf32>
      %eq3A_1401 = arith.constant 8 : i32
      %eq3A_1402 = vector.broadcast %eq3A_1401 : i32 to vector<16xi32>
      %eq3A_1403 = arith.cmpi eq, %iota3A, %eq3A_1402 : vector<16xi32>
      %broadcast_in_dim3A_1404 = vector.broadcast %reduce_sum3A_1400 : f32 to vector<16xf32>
      %select_n3A_1405 = arith.select %eq3A_1403, %broadcast_in_dim3A_1404, %select_n3A_825 : vector<16xi1>, vector<16xf32>
      %broadcast_in_dim3A_1406 = arith.constant 1 : i32
      %broadcast_in_dim3A_1407 = vector.broadcast %broadcast_in_dim3A_1406 : i32 to vector<16xi32>
      %broadcast_in_dim3A_1408 = vector.broadcast %and3A_885 : i32 to vector<16xi32>
      %broadcast_in_dim3A_1409 = vector.broadcast %and3A_887 : i32 to vector<16xi32>
      %gather3A_1410 = tpu.vector_load_idx %arg9[%broadcast_in_dim3A_1407, %iota3A, %broadcast_in_dim3A_1408] : memref<8x32x128xf32, #tpu.memory_space<vmem>>[vector<16xi32>, vector<16xi32>, vector<16xi32>], vector<16xf32>,
      %gather3A_1411 = tpu.vector_load_idx %arg9[%broadcast_in_dim3A_1407, %add3A_28, %broadcast_in_dim3A_1408] : memref<8x32x128xf32, #tpu.memory_space<vmem>>[vector<16xi32>, vector<16xi32>, vector<16xi32>], vector<16xf32>,
      %gather3A_1412 = tpu.vector_load_idx %arg10[%broadcast_in_dim3A_1407, %iota3A, %broadcast_in_dim3A_1409] : memref<8x32x128xf32, #tpu.memory_space<vmem>>[vector<16xi32>, vector<16xi32>, vector<16xi32>], vector<16xf32>,
      %gather3A_1413 = tpu.vector_load_idx %arg10[%broadcast_in_dim3A_1407, %add3A_28, %broadcast_in_dim3A_1409] : memref<8x32x128xf32, #tpu.memory_space<vmem>>[vector<16xi32>, vector<16xi32>, vector<16xi32>], vector<16xf32>,
      %mul3A_1414 = arith.mulf %gather3A_1410, %gather3A_1412 : vector<16xf32>
      %mul3A_1415 = arith.mulf %gather3A_1411, %gather3A_1413 : vector<16xf32>
      %add3A_1416 = arith.addf %mul3A_1414, %mul3A_1415 : vector<16xf32>
      %reduce_sum3A_1417 = arith.constant true
      %reduce_sum3A_1418 = vector.broadcast %reduce_sum3A_1417 : i1 to vector<16xi1>
      %reduce_sum3A_1419 = tpu.scan <sum>, %add3A_1416 masked %reduce_sum3A_1418 : vector<16xf32>, vector<16xi1> -> vector<16xf32>
      %reduce_sum3A_1420 = vector.extract %reduce_sum3A_1419[15] : f32 from vector<16xf32>
      %eq3A_1421 = arith.constant 9 : i32
      %eq3A_1422 = vector.broadcast %eq3A_1421 : i32 to vector<16xi32>
      %eq3A_1423 = arith.cmpi eq, %iota3A, %eq3A_1422 : vector<16xi32>
      %broadcast_in_dim3A_1424 = vector.broadcast %reduce_sum3A_1420 : f32 to vector<16xf32>
      %select_n3A_1425 = arith.select %eq3A_1423, %broadcast_in_dim3A_1424, %select_n3A_1405 : vector<16xi1>, vector<16xf32>
      %broadcast_in_dim3A_1426 = arith.constant 2 : i32
      %broadcast_in_dim3A_1427 = vector.broadcast %broadcast_in_dim3A_1426 : i32 to vector<16xi32>
      %broadcast_in_dim3A_1428 = vector.broadcast %and3A_929 : i32 to vector<16xi32>
      %broadcast_in_dim3A_1429 = vector.broadcast %and3A_931 : i32 to vector<16xi32>
      %gather3A_1430 = tpu.vector_load_idx %arg9[%broadcast_in_dim3A_1427, %iota3A, %broadcast_in_dim3A_1428] : memref<8x32x128xf32, #tpu.memory_space<vmem>>[vector<16xi32>, vector<16xi32>, vector<16xi32>], vector<16xf32>,
      %gather3A_1431 = tpu.vector_load_idx %arg9[%broadcast_in_dim3A_1427, %add3A_28, %broadcast_in_dim3A_1428] : memref<8x32x128xf32, #tpu.memory_space<vmem>>[vector<16xi32>, vector<16xi32>, vector<16xi32>], vector<16xf32>,
      %gather3A_1432 = tpu.vector_load_idx %arg10[%broadcast_in_dim3A_1427, %iota3A, %broadcast_in_dim3A_1429] : memref<8x32x128xf32, #tpu.memory_space<vmem>>[vector<16xi32>, vector<16xi32>, vector<16xi32>], vector<16xf32>,
      %gather3A_1433 = tpu.vector_load_idx %arg10[%broadcast_in_dim3A_1427, %add3A_28, %broadcast_in_dim3A_1429] : memref<8x32x128xf32, #tpu.memory_space<vmem>>[vector<16xi32>, vector<16xi32>, vector<16xi32>], vector<16xf32>,
      %mul3A_1434 = arith.mulf %gather3A_1430, %gather3A_1432 : vector<16xf32>
      %mul3A_1435 = arith.mulf %gather3A_1431, %gather3A_1433 : vector<16xf32>
      %add3A_1436 = arith.addf %mul3A_1434, %mul3A_1435 : vector<16xf32>
      %reduce_sum3A_1437 = arith.constant true
      %reduce_sum3A_1438 = vector.broadcast %reduce_sum3A_1437 : i1 to vector<16xi1>
      %reduce_sum3A_1439 = tpu.scan <sum>, %add3A_1436 masked %reduce_sum3A_1438 : vector<16xf32>, vector<16xi1> -> vector<16xf32>
      %reduce_sum3A_1440 = vector.extract %reduce_sum3A_1439[15] : f32 from vector<16xf32>
      %eq3A_1441 = arith.constant 10 : i32
      %eq3A_1442 = vector.broadcast %eq3A_1441 : i32 to vector<16xi32>
      %eq3A_1443 = arith.cmpi eq, %iota3A, %eq3A_1442 : vector<16xi32>
      %broadcast_in_dim3A_1444 = vector.broadcast %reduce_sum3A_1440 : f32 to vector<16xf32>
      %select_n3A_1445 = arith.select %eq3A_1443, %broadcast_in_dim3A_1444, %select_n3A_1425 : vector<16xi1>, vector<16xf32>
      %broadcast_in_dim3A_1446 = arith.constant 3 : i32
      %broadcast_in_dim3A_1447 = vector.broadcast %broadcast_in_dim3A_1446 : i32 to vector<16xi32>
      %broadcast_in_dim3A_1448 = vector.broadcast %and3A_973 : i32 to vector<16xi32>
      %broadcast_in_dim3A_1449 = vector.broadcast %and3A_975 : i32 to vector<16xi32>
      %gather3A_1450 = tpu.vector_load_idx %arg9[%broadcast_in_dim3A_1447, %iota3A, %broadcast_in_dim3A_1448] : memref<8x32x128xf32, #tpu.memory_space<vmem>>[vector<16xi32>, vector<16xi32>, vector<16xi32>], vector<16xf32>,
      %gather3A_1451 = tpu.vector_load_idx %arg9[%broadcast_in_dim3A_1447, %add3A_28, %broadcast_in_dim3A_1448] : memref<8x32x128xf32, #tpu.memory_space<vmem>>[vector<16xi32>, vector<16xi32>, vector<16xi32>], vector<16xf32>,
      %gather3A_1452 = tpu.vector_load_idx %arg10[%broadcast_in_dim3A_1447, %iota3A, %broadcast_in_dim3A_1449] : memref<8x32x128xf32, #tpu.memory_space<vmem>>[vector<16xi32>, vector<16xi32>, vector<16xi32>], vector<16xf32>,
      %gather3A_1453 = tpu.vector_load_idx %arg10[%broadcast_in_dim3A_1447, %add3A_28, %broadcast_in_dim3A_1449] : memref<8x32x128xf32, #tpu.memory_space<vmem>>[vector<16xi32>, vector<16xi32>, vector<16xi32>], vector<16xf32>,
      %mul3A_1454 = arith.mulf %gather3A_1450, %gather3A_1452 : vector<16xf32>
      %mul3A_1455 = arith.mulf %gather3A_1451, %gather3A_1453 : vector<16xf32>
      %add3A_1456 = arith.addf %mul3A_1454, %mul3A_1455 : vector<16xf32>
      %reduce_sum3A_1457 = arith.constant true
      %reduce_sum3A_1458 = vector.broadcast %reduce_sum3A_1457 : i1 to vector<16xi1>
      %reduce_sum3A_1459 = tpu.scan <sum>, %add3A_1456 masked %reduce_sum3A_1458 : vector<16xf32>, vector<16xi1> -> vector<16xf32>
      %reduce_sum3A_1460 = vector.extract %reduce_sum3A_1459[15] : f32 from vector<16xf32>
      %eq3A_1461 = arith.constant 11 : i32
      %eq3A_1462 = vector.broadcast %eq3A_1461 : i32 to vector<16xi32>
      %eq3A_1463 = arith.cmpi eq, %iota3A, %eq3A_1462 : vector<16xi32>
      %broadcast_in_dim3A_1464 = vector.broadcast %reduce_sum3A_1460 : f32 to vector<16xf32>
      %select_n3A_1465 = arith.select %eq3A_1463, %broadcast_in_dim3A_1464, %select_n3A_1445 : vector<16xi1>, vector<16xf32>
      %broadcast_in_dim3A_1466 = arith.constant 4 : i32
      %broadcast_in_dim3A_1467 = vector.broadcast %broadcast_in_dim3A_1466 : i32 to vector<16xi32>
      %broadcast_in_dim3A_1468 = vector.broadcast %and3A_1017 : i32 to vector<16xi32>
      %broadcast_in_dim3A_1469 = vector.broadcast %and3A_1019 : i32 to vector<16xi32>
      %gather3A_1470 = tpu.vector_load_idx %arg9[%broadcast_in_dim3A_1467, %iota3A, %broadcast_in_dim3A_1468] : memref<8x32x128xf32, #tpu.memory_space<vmem>>[vector<16xi32>, vector<16xi32>, vector<16xi32>], vector<16xf32>,
      %gather3A_1471 = tpu.vector_load_idx %arg9[%broadcast_in_dim3A_1467, %add3A_28, %broadcast_in_dim3A_1468] : memref<8x32x128xf32, #tpu.memory_space<vmem>>[vector<16xi32>, vector<16xi32>, vector<16xi32>], vector<16xf32>,
      %gather3A_1472 = tpu.vector_load_idx %arg10[%broadcast_in_dim3A_1467, %iota3A, %broadcast_in_dim3A_1469] : memref<8x32x128xf32, #tpu.memory_space<vmem>>[vector<16xi32>, vector<16xi32>, vector<16xi32>], vector<16xf32>,
      %gather3A_1473 = tpu.vector_load_idx %arg10[%broadcast_in_dim3A_1467, %add3A_28, %broadcast_in_dim3A_1469] : memref<8x32x128xf32, #tpu.memory_space<vmem>>[vector<16xi32>, vector<16xi32>, vector<16xi32>], vector<16xf32>,
      %mul3A_1474 = arith.mulf %gather3A_1470, %gather3A_1472 : vector<16xf32>
      %mul3A_1475 = arith.mulf %gather3A_1471, %gather3A_1473 : vector<16xf32>
      %add3A_1476 = arith.addf %mul3A_1474, %mul3A_1475 : vector<16xf32>
      %reduce_sum3A_1477 = arith.constant true
      %reduce_sum3A_1478 = vector.broadcast %reduce_sum3A_1477 : i1 to vector<16xi1>
      %reduce_sum3A_1479 = tpu.scan <sum>, %add3A_1476 masked %reduce_sum3A_1478 : vector<16xf32>, vector<16xi1> -> vector<16xf32>
      %reduce_sum3A_1480 = vector.extract %reduce_sum3A_1479[15] : f32 from vector<16xf32>
      %eq3A_1481 = arith.constant 12 : i32
      %eq3A_1482 = vector.broadcast %eq3A_1481 : i32 to vector<16xi32>
      %eq3A_1483 = arith.cmpi eq, %iota3A, %eq3A_1482 : vector<16xi32>
      %broadcast_in_dim3A_1484 = vector.broadcast %reduce_sum3A_1480 : f32 to vector<16xf32>
      %select_n3A_1485 = arith.select %eq3A_1483, %broadcast_in_dim3A_1484, %select_n3A_1465 : vector<16xi1>, vector<16xf32>
      %broadcast_in_dim3A_1486 = arith.constant 5 : i32
      %broadcast_in_dim3A_1487 = vector.broadcast %broadcast_in_dim3A_1486 : i32 to vector<16xi32>
      %broadcast_in_dim3A_1488 = vector.broadcast %and3A_1061 : i32 to vector<16xi32>
      %broadcast_in_dim3A_1489 = vector.broadcast %and3A_1063 : i32 to vector<16xi32>
      %gather3A_1490 = tpu.vector_load_idx %arg9[%broadcast_in_dim3A_1487, %iota3A, %broadcast_in_dim3A_1488] : memref<8x32x128xf32, #tpu.memory_space<vmem>>[vector<16xi32>, vector<16xi32>, vector<16xi32>], vector<16xf32>,
      %gather3A_1491 = tpu.vector_load_idx %arg9[%broadcast_in_dim3A_1487, %add3A_28, %broadcast_in_dim3A_1488] : memref<8x32x128xf32, #tpu.memory_space<vmem>>[vector<16xi32>, vector<16xi32>, vector<16xi32>], vector<16xf32>,
      %gather3A_1492 = tpu.vector_load_idx %arg10[%broadcast_in_dim3A_1487, %iota3A, %broadcast_in_dim3A_1489] : memref<8x32x128xf32, #tpu.memory_space<vmem>>[vector<16xi32>, vector<16xi32>, vector<16xi32>], vector<16xf32>,
      %gather3A_1493 = tpu.vector_load_idx %arg10[%broadcast_in_dim3A_1487, %add3A_28, %broadcast_in_dim3A_1489] : memref<8x32x128xf32, #tpu.memory_space<vmem>>[vector<16xi32>, vector<16xi32>, vector<16xi32>], vector<16xf32>,
      %mul3A_1494 = arith.mulf %gather3A_1490, %gather3A_1492 : vector<16xf32>
      %mul3A_1495 = arith.mulf %gather3A_1491, %gather3A_1493 : vector<16xf32>
      %add3A_1496 = arith.addf %mul3A_1494, %mul3A_1495 : vector<16xf32>
      %reduce_sum3A_1497 = arith.constant true
      %reduce_sum3A_1498 = vector.broadcast %reduce_sum3A_1497 : i1 to vector<16xi1>
      %reduce_sum3A_1499 = tpu.scan <sum>, %add3A_1496 masked %reduce_sum3A_1498 : vector<16xf32>, vector<16xi1> -> vector<16xf32>
      %reduce_sum3A_1500 = vector.extract %reduce_sum3A_1499[15] : f32 from vector<16xf32>
      %eq3A_1501 = arith.constant 13 : i32
      %eq3A_1502 = vector.broadcast %eq3A_1501 : i32 to vector<16xi32>
      %eq3A_1503 = arith.cmpi eq, %iota3A, %eq3A_1502 : vector<16xi32>
      %broadcast_in_dim3A_1504 = vector.broadcast %reduce_sum3A_1500 : f32 to vector<16xf32>
      %select_n3A_1505 = arith.select %eq3A_1503, %broadcast_in_dim3A_1504, %select_n3A_1485 : vector<16xi1>, vector<16xf32>
      %broadcast_in_dim3A_1506 = arith.constant 6 : i32
      %broadcast_in_dim3A_1507 = vector.broadcast %broadcast_in_dim3A_1506 : i32 to vector<16xi32>
      %broadcast_in_dim3A_1508 = vector.broadcast %and3A_1105 : i32 to vector<16xi32>
      %broadcast_in_dim3A_1509 = vector.broadcast %and3A_1107 : i32 to vector<16xi32>
      %gather3A_1510 = tpu.vector_load_idx %arg9[%broadcast_in_dim3A_1507, %iota3A, %broadcast_in_dim3A_1508] : memref<8x32x128xf32, #tpu.memory_space<vmem>>[vector<16xi32>, vector<16xi32>, vector<16xi32>], vector<16xf32>,
      %gather3A_1511 = tpu.vector_load_idx %arg9[%broadcast_in_dim3A_1507, %add3A_28, %broadcast_in_dim3A_1508] : memref<8x32x128xf32, #tpu.memory_space<vmem>>[vector<16xi32>, vector<16xi32>, vector<16xi32>], vector<16xf32>,
      %gather3A_1512 = tpu.vector_load_idx %arg10[%broadcast_in_dim3A_1507, %iota3A, %broadcast_in_dim3A_1509] : memref<8x32x128xf32, #tpu.memory_space<vmem>>[vector<16xi32>, vector<16xi32>, vector<16xi32>], vector<16xf32>,
      %gather3A_1513 = tpu.vector_load_idx %arg10[%broadcast_in_dim3A_1507, %add3A_28, %broadcast_in_dim3A_1509] : memref<8x32x128xf32, #tpu.memory_space<vmem>>[vector<16xi32>, vector<16xi32>, vector<16xi32>], vector<16xf32>,
      %mul3A_1514 = arith.mulf %gather3A_1510, %gather3A_1512 : vector<16xf32>
      %mul3A_1515 = arith.mulf %gather3A_1511, %gather3A_1513 : vector<16xf32>
      %add3A_1516 = arith.addf %mul3A_1514, %mul3A_1515 : vector<16xf32>
      %reduce_sum3A_1517 = arith.constant true
      %reduce_sum3A_1518 = vector.broadcast %reduce_sum3A_1517 : i1 to vector<16xi1>
      %reduce_sum3A_1519 = tpu.scan <sum>, %add3A_1516 masked %reduce_sum3A_1518 : vector<16xf32>, vector<16xi1> -> vector<16xf32>
      %reduce_sum3A_1520 = vector.extract %reduce_sum3A_1519[15] : f32 from vector<16xf32>
      %eq3A_1521 = arith.constant 14 : i32
      %eq3A_1522 = vector.broadcast %eq3A_1521 : i32 to vector<16xi32>
      %eq3A_1523 = arith.cmpi eq, %iota3A, %eq3A_1522 : vector<16xi32>
      %broadcast_in_dim3A_1524 = vector.broadcast %reduce_sum3A_1520 : f32 to vector<16xf32>
      %select_n3A_1525 = arith.select %eq3A_1523, %broadcast_in_dim3A_1524, %select_n3A_1505 : vector<16xi1>, vector<16xf32>
      %broadcast_in_dim3A_1526 = arith.constant 7 : i32
      %broadcast_in_dim3A_1527 = vector.broadcast %broadcast_in_dim3A_1526 : i32 to vector<16xi32>
      %broadcast_in_dim3A_1528 = vector.broadcast %and3A_1149 : i32 to vector<16xi32>
      %broadcast_in_dim3A_1529 = vector.broadcast %and3A_1151 : i32 to vector<16xi32>
      %gather3A_1530 = tpu.vector_load_idx %arg9[%broadcast_in_dim3A_1527, %iota3A, %broadcast_in_dim3A_1528] : memref<8x32x128xf32, #tpu.memory_space<vmem>>[vector<16xi32>, vector<16xi32>, vector<16xi32>], vector<16xf32>,
      %gather3A_1531 = tpu.vector_load_idx %arg9[%broadcast_in_dim3A_1527, %add3A_28, %broadcast_in_dim3A_1528] : memref<8x32x128xf32, #tpu.memory_space<vmem>>[vector<16xi32>, vector<16xi32>, vector<16xi32>], vector<16xf32>,
      %gather3A_1532 = tpu.vector_load_idx %arg10[%broadcast_in_dim3A_1527, %iota3A, %broadcast_in_dim3A_1529] : memref<8x32x128xf32, #tpu.memory_space<vmem>>[vector<16xi32>, vector<16xi32>, vector<16xi32>], vector<16xf32>,
      %gather3A_1533 = tpu.vector_load_idx %arg10[%broadcast_in_dim3A_1527, %add3A_28, %broadcast_in_dim3A_1529] : memref<8x32x128xf32, #tpu.memory_space<vmem>>[vector<16xi32>, vector<16xi32>, vector<16xi32>], vector<16xf32>,
      %mul3A_1534 = arith.mulf %gather3A_1530, %gather3A_1532 : vector<16xf32>
      %mul3A_1535 = arith.mulf %gather3A_1531, %gather3A_1533 : vector<16xf32>
      %add3A_1536 = arith.addf %mul3A_1534, %mul3A_1535 : vector<16xf32>
      %reduce_sum3A_1537 = arith.constant true
      %reduce_sum3A_1538 = vector.broadcast %reduce_sum3A_1537 : i1 to vector<16xi1>
      %reduce_sum3A_1539 = tpu.scan <sum>, %add3A_1536 masked %reduce_sum3A_1538 : vector<16xf32>, vector<16xi1> -> vector<16xf32>
      %reduce_sum3A_1540 = vector.extract %reduce_sum3A_1539[15] : f32 from vector<16xf32>
      %eq3A_1541 = arith.constant 15 : i32
      %eq3A_1542 = vector.broadcast %eq3A_1541 : i32 to vector<16xi32>
      %eq3A_1543 = arith.cmpi eq, %iota3A, %eq3A_1542 : vector<16xi32>
      %broadcast_in_dim3A_1544 = vector.broadcast %reduce_sum3A_1540 : f32 to vector<16xf32>
      %select_n3A_1545 = arith.select %eq3A_1543, %broadcast_in_dim3A_1544, %select_n3A_1525 : vector<16xi1>, vector<16xf32>
      %mul3A_1546 = arith.constant 16 : i32
      %mul3A_1547 = arith.muli %scan3A_34, %mul3A_1546 : i32
      %swap3A = arith.index_cast %mul3A_1547 : i32 to index
      %swap3A_1548 = tpu.vector_load %arg11[%swap3A] {strides = array<i32>} : memref<512xf32, #tpu.memory_space<vmem>>, vector<16xf32>,
      tpu.vector_store %arg11[%swap3A], %select_n3A_1545 {strides = array<i32>} : memref<512xf32, #tpu.memory_space<vmem>>, vector<16xf32>,
    }
    %scan3A_33 = arith.constant 32 : i32
    "tpu.region"() ({
      %run_scoped3A_34 = tpu.sem_alloc : memref<!tpu.dma_semaphore, #tpu.memory_space<semaphore_mem>>
      %dma_start3A = tpu.memref_slice %arg6[%mul3A_2] : memref<16384xf32, #tpu.memory_space<hbm>> -> memref<512xf32, #tpu.memory_space<hbm>>
      %dma_start3A_35 = tpu.memref_slice %arg6[%mul3A_2] : memref<16384xf32, #tpu.memory_space<hbm>> -> memref<512xf32, #tpu.memory_space<hbm>>
      tpu.enqueue_dma source(%arg11 : memref<512xf32, #tpu.memory_space<vmem>>) target(%dma_start3A_35 : memref<512xf32, #tpu.memory_space<hbm>>) target_semaphore(%run_scoped3A_34 : memref<!tpu.dma_semaphore, #tpu.memory_space<semaphore_mem>>)
      %dma_wait3A = tpu.memref_slice %arg6[%mul3A_2] : memref<16384xf32, #tpu.memory_space<hbm>> -> memref<512xf32, #tpu.memory_space<hbm>>
      %dma_wait3A_36 = tpu.memref_slice %arg6[%mul3A_2] : memref<16384xf32, #tpu.memory_space<hbm>> -> memref<512xf32, #tpu.memory_space<hbm>>
      tpu.wait_dma2 semaphore(%run_scoped3A_34 : memref<!tpu.dma_semaphore, #tpu.memory_space<semaphore_mem>>) src(%arg11 : memref<512xf32, #tpu.memory_space<vmem>>) dst(%dma_wait3A_36 : memref<512xf32, #tpu.memory_space<hbm>>)
      tpu.yield
    }) : () -> ()
    return
  }
}

</mosaic_0001>

<sc_bundles>
// kernel: kernel.3.cloned.1.call-start
scs
__scs_entry_jumppad:
0x0: {  	(pc) =	sbr.rel $0x88, $3  }
0x1: {  	(tag) =	ssettag $0x0;
	lr =	simm.s32 $0x1  }
0x2: {  	[smem:$0x3F9D] =	sst lr;
	_ =	strace $0xD0000000  }
0x3: {  	_ = 	snop  }
0x4: {  	_ = 	snop  }
0x5: {  	_ = 	snop  }
0x6: {  	_ = 	snop  }
0x7: {  	_ = 	snop  }
__scs_overlays_trampoline_lowered:
0x8: {  	[smem:$0x3FAC] =	sst s0  }
0x9: {  	[smem:$0x3FAD] =	sst s1  }
0xa: {  	[smem:$0x3FAE] =	sst s2  }
0xb: {  	[smem:$0x3FAF] =	sst s3  }
0xc: {  	[smem:$0x3FB0] =	sst s4  }
0xd: {  	[smem:$0x3FB1] =	sst s5  }
0xe: {  	[smem:$0x3FB2] =	sst s6  }
0xf: {  	[smem:$0x3FB3] =	sst s7  }
0x10: {  	[smem:$0x3FB4] =	sst s8  }
0x11: {  	[smem:$0x3FB5] =	sst s9;
	s0 =	simm.s32 @!p0 $0x0  }
0x12: {  	s1 =	sld [smem:$0x3F9B];
	s0 =	simm.s32 @p0 $0x1  }
0x13: {  	[smem:$0x3FB6] =	sst s0;
	s0 =	simm.s32 @!p1 $0x0  }
0x14: {  	s2 =	sld [smem:$0x3F9A];
	s0 =	simm.s32 @p1 $0x1  }
0x15: {  	[smem:$0x3FB7] =	sst s0;
	s0 =	simm.s32 @!p2 $0x0  }
0x16: {  	s3 =	sld [smem:$0x3FDB];
	s0 =	simm.s32 @p2 $0x1  }
0x17: {  	s4 =	simm.s32 $0x1BF5;
	[smem:$0x3FB9] =	sst s0  }
0x18: {  	s0 =	sld [smem:$0x3F9C];
	_ =	swait.ge [sflag:s4], $0x0  }
0x19: {  	s7 =	sld [smem:$0x3F9D]  }
0x1a: {  	s8 =	sadd.s32 $0xFFFFE003, lr  }
0x1b: {  	s9 =	sadd.s32 $0xFFFFFEF7, lr;
	s5 =	simm.s32 $0xFFFFFFFF;
	p2 =	slt.u32 s8, $0xFFFFF086  }
0x1c: {  	p1 =	slt.u32 s9, $0xF7A;
	s5 =	simm.s32 @!p2 $0x0  }
0x1d: {  	s5 =	simm.s32 @p1 $0x1;
	p0 =	seq.s32 s7, s2  }
0x1e: {  	s7 =	smul.u32 @!p0 $0xF7A, s2;
	p2 =	seq.s32 @!p0 s5, $0x0  }
0x1f: {  	s9 =	smul.u32 $0xF7A, s1;
	s8 =	simm.s32 @!p0 $0x1BF5;
	p2 =	por !p2, p0  }
0x20: {  	[sflag:s8] =	ssyncset.s32 @!p0 $0xFFFFF086;
	s6 =	sadd.s32 @!p0 s3, s7;
	s7 =	simm.s32 @!p0 $0x108  }
0x21: {  	s3 =	sadd.s32 s3, s9;
	s6 =	sadd.s32 @!p0 $0x88, s6;
	s7 =	simm.s32 @p2 $0x1082  }
0x22: {  	[simem:s7], [sflag:s8] =	dma.local @!p0 [hbm:s6], $0xF7A  }
0x23: {  	s9 =	sor.u32 $0xD0000000, s2;
	s6 =	simm.s32 $0x108;
	_ =	swait.ge @!p0 [sflag:s8], $0x0  }
0x24: {  	s3 =	sadd.s32 $0x88, s3;
	s6 =	simm.s32 @!p1 $0x1082;
	[sflag:s4] =	ssyncset.s32 $0xFFFFF086  }
0x25: {  	[simem:s6], [sflag:s4] =	dma.local [hbm:s3], $0xF7A  }
0x26: {  	[smem:$0x3F9D] =	sst s1;
	(tag) =	ssettag s2;
	_ =	strace s9  }
0x27: {  	s1 =	sld [smem:$0x3FAD]  }
0x28: {  	s2 =	sld [smem:$0x3FAE]  }
0x29: {  	s4 =	sld [smem:$0x3FB0]  }
0x2a: {  	p0 =	seq.s32 s5, $0x0;
	s5 =	sld [smem:$0x3FB1]  }
0x2b: {  	s6 =	sld [smem:$0x3FB2]  }
0x2c: {  	s7 =	sld [smem:$0x3FB3]  }
0x2d: {  	s3 =	simm.s32 $0x108;
	s8 =	sld [smem:$0x3FB4]  }
0x2e: {  	s3 =	simm.s32 @!p0 $0x1082;
	s9 =	sld [smem:$0x3FB5]  }
0x2f: {  	lr =	sadd.s32 s0, s3;
	s0 =	sld [smem:$0x3FAC]  }
0x30: {  	s3 =	sld [smem:$0x3FAF]  }
0x31: {  	[smem:$0x3FB8] =	sst s10  }
0x32: {  	s10 =	sld [smem:$0x3FB6];
	_ =	sdelay $0x3  }
0x33: {  	p0 =	seq.s32 s10, $0x1;
	s10 =	sld [smem:$0x3FB8];
	_ =	sdelay $0x3  }
0x34: {  	[smem:$0x3FB8] =	sst s10  }
0x35: {  	s10 =	sld [smem:$0x3FB7];
	_ =	sdelay $0x3  }
0x36: {  	p1 =	seq.s32 s10, $0x1;
	s10 =	sld [smem:$0x3FB8];
	_ =	sdelay $0x3  }
0x37: {  	[smem:$0x3FB8] =	sst s10  }
0x38: {  	s10 =	sld [smem:$0x3FB9]  }
0x39: {  	_ = 	snop;
	(pc) =	sbr.ind lr, $3  }
0x3a: {  	_ = 	snop  }
0x3b: {  	_ = 	snop  }
0x3c: {  	p2 =	seq.s32 s10, $0x1;
	s10 =	sld [smem:$0x3FB8]  }
0x3d: {  	_ =	shalt  }
0x3e: {  	_ =	shalt  }
0x3f: {  	_ =	shalt  }
0x40: {  	_ =	shalt  }
0x41: {  	_ =	shalt  }
0x42: {  	_ =	shalt  }
0x43: {  	_ =	shalt  }
0x44: {  	_ =	shalt  }
0x45: {  	_ =	shalt  }
0x46: {  	_ =	shalt  }
0x47: {  	_ =	shalt  }
0x48: {  	_ =	shalt  }
0x49: {  	_ =	shalt  }
0x4a: {  	_ =	shalt  }
0x4b: {  	_ =	shalt  }
0x4c: {  	_ =	shalt  }
0x4d: {  	_ =	shalt  }
0x4e: {  	_ =	shalt  }
0x4f: {  	_ =	shalt  }
0x50: {  	_ =	shalt  }
0x51: {  	_ =	shalt  }
0x52: {  	_ =	shalt  }
0x53: {  	_ =	shalt  }
0x54: {  	_ =	shalt  }
0x55: {  	_ =	shalt  }
0x56: {  	_ =	shalt  }
0x57: {  	_ =	shalt  }
0x58: {  	_ =	shalt  }
0x59: {  	_ =	shalt  }
0x5a: {  	_ =	shalt  }
0x5b: {  	_ =	shalt  }
0x5c: {  	_ =	shalt  }
0x5d: {  	_ =	shalt  }
0x5e: {  	_ =	shalt  }
0x5f: {  	_ =	shalt  }
0x60: {  	_ =	shalt  }
0x61: {  	_ =	shalt  }
0x62: {  	_ =	shalt  }
0x63: {  	_ =	shalt  }
0x64: {  	_ =	shalt  }
0x65: {  	_ =	shalt  }
0x66: {  	_ =	shalt  }
0x67: {  	_ =	shalt  }
0x68: {  	_ =	shalt  }
0x69: {  	_ =	shalt  }
0x6a: {  	_ =	shalt  }
0x6b: {  	_ =	shalt  }
0x6c: {  	_ =	shalt  }
0x6d: {  	_ =	shalt  }
0x6e: {  	_ =	shalt  }
0x6f: {  	_ =	shalt  }
0x70: {  	_ =	shalt  }
0x71: {  	_ =	shalt  }
0x72: {  	_ =	shalt  }
0x73: {  	_ =	shalt  }
0x74: {  	_ =	shalt  }
0x75: {  	_ =	shalt  }
0x76: {  	_ =	shalt  }
0x77: {  	_ =	shalt  }
0x78: {  	_ =	shalt  }
0x79: {  	_ =	shalt  }
0x7a: {  	_ =	shalt  }
0x7b: {  	_ =	shalt  }
0x7c: {  	_ =	shalt  }
0x7d: {  	_ =	shalt  }
0x7e: {  	_ =	shalt  }
0x7f: {  	_ =	shalt  }
0x80: {  	_ =	shalt  }
0x81: {  	_ =	shalt  }
0x82: {  	_ =	shalt  }
0x83: {  	_ =	shalt  }
0x84: {  	_ =	shalt  }
0x85: {  	_ =	shalt  }
0x86: {  	_ =	shalt  }
0x87: {  	_ =	shalt  }
.Lfunc_end0:
.L_simem_size_0:
called_computation_lowered:
.L_overlay_start_0:
0x88: {  	s2 =	sld [smem:$0x3FD9]  }
0x89: {  	s3 =	sld [smem:$0x3FFE];
	_ =	sdelay $0x1  }
0x8a: {  	s1 =	srdreg.scid  }
0x8b: {  	s0 =	sand.u32 $0x1, s1  }
0x8c: {  	s18 =	sshll.u32 s0, $0xA;
	s2 =	sadd.s32 s3, s2  }
0x8d: {  	s2 =	sadd.s32 s2, s18  }
0x8e: {  	[smem:$0x3FC4] =	sst s2  }
0x8f: {  	_ = 	snop  }
0x90: {  	s2 =	sld [smem:$0x3FC9]  }
0x91: {  	s19 =	sld [smem:$0x3FC8]  }
0x92: {  	s4 =	sld [smem:$0x3FC7]  }
0x93: {  	s5 =	sld [smem:$0x3FC6]  }
0x94: {  	s6 =	sld [smem:$0x3FD0];
	(tm) =	ssettm $0x1  }
0x95: {  	s7 =	sld [smem:$0x3FFB];
	_ =	sdelay $0x3  }
0x96: {  	_ =	strace s7  }
0x97: {  	s7 =	sld [smem:$0x3FFC];
	_ =	sdelay $0x3  }
0x98: {  	_ =	strace s7  }
0x99: {  	s7 =	sld [smem:$0x3FFD];
	_ =	sdelay $0x3  }
0x9a: {  	_ =	strace s7  }
0x9b: {  	_ =	strace $0x8FFFFFFF  }
0x9c: {  	s20 =	sld [smem:$0x3FDB];
	_ =	sdelay $0x1  }
0x9d: {  	s8 =	simm.s32 $_scs_section_size  }
0x9e: {  	s9 =	simm.s32 $_size__tile_overlayer_lowered;
	s10 =	simm.s32 $_tile_overlayer_lowered  }
0x9f: {  	s23 =	simm.s32 $0x1BFF;
	s22 =	sshll.u32 s10, $0x1;
	s7 =	sadd.s32 s8, s20  }
0xa0: {  	s11 =	simm.s32 $0x0;
	s21 =	sshll.u32 s9, $0x1;
	s9 =	sadd.s32 s22, s7  }
0xa1: {  	[timem:s11], [sflag:s23] =	dma.local [hbm:s9], s21  }
0xa2: {  	_ =	swait.ge [sflag:s23], s21  }
0xa3: {  	s8 =	ssub.s32 $0x0, s21;
	[sflag:s23] =	ssyncset.done $0x0  }
0xa4: {  	[sflag:s23] =	ssyncadd.s32 s8;
	_ =	sdelay $0x1  }
0xa5: {  	s24 =	simm.s32 $0x1B8B  }
0xa6: {  	_ =	swait.ge [sflag:s24], $0x1  }
0xa7: {  	[sflag:s24] =	ssyncset.done $0x0  }
0xa8: {  	s25 =	simm.s32 $0x1B8E;
	[sflag:s24] =	ssyncadd.s32 $0xFFFFFFFF  }
0xa9: {  	s26 =	simm.s32 $execute0_lowered;
	[smem:$0x3FD2] =	sst s25  }
0xaa: {  	s8 =	sshll.u32 s26, $0x1;
	_ =	strace $0x80000046;
	[dreg:$0x1] =	wrdreg $0xFFFFFFFF  }
0xab: {  	s28 =	simm.s32 $_size_execute0_lowered;
	s7 =	sadd.s32 s7, s8;
	[dreg:$0x0] =	wrdreg $0x0  }
0xac: {  	s8 =	sshll.u32 s28, $0x1;
	[dreg:$0x2] =	wrdreg s7  }
0xad: {  	[dreg:$0x3] =	wrdreg s8  }
0xae: {  	[dreg:$0x4] =	wrdreg $0xC0  }
0xaf: {  	_ =	task [dreg:s11], $0x5FFFF  }
0xb0: {  	[dreg:$0x1] =	wrdreg $0xFFFFFFFF  }
0xb1: {  	[dreg:$0x0] =	wrdreg $0x60  }
0xb2: {  	[dreg:$0x2] =	wrdreg s2  }
0xb3: {  	[dreg:$0x3] =	wrdreg s19  }
0xb4: {  	[dreg:$0x4] =	wrdreg s4  }
0xb5: {  	[dreg:$0x5] =	wrdreg s5  }
0xb6: {  	[dreg:$0x6] =	wrdreg s6  }
0xb7: {  	[dreg:$0x7] =	wrdreg $0x9  }
0xb8: {  	_ =	task.clear_ibuf [dreg:s11], $0x8FFFF;
	_ =	strace $0x90000046  }
0xb9: {  	s29 =	simm.s32 $0x9;
	_ =	strace $0x80000048  }
0xba: {  	_ =	swait.ge [sflag:s29], $0x1  }
0xbb: {  	[sflag:s29] =	ssyncadd.s32 $0xFFFFFFFF  }
0xbc: {  	_ =	strace $0x90000048  }
0xbd: {  	_ =	sfence  }
0xbe: {  	s30 =	sld [smem:$0x0];
	_ =	sdelay $0x2  }
0xbf: {  	s31 =	sshll.u32 s1, $0xD;
	s1 =	sshrl.u32 s1, $0x2  }
0xc0: {  	s3 =	sand.u32 $0x4000, s31;
	s1 =	sadd.s32 s1, s30  }
0xc1: {  	s0 =	sor.u32 s3, s0;
	s1 =	sshll.u32 s1, $0x11  }
0xc2: {  	s0 =	sor.u32 s1, s0  }
0xc3: {  	s0 =	sadd.s32 $0x8F2B, s0  }
0xc4: {  	[sflag:s0] =	ssyncadd.remote.s32 $0x1  }
0xc5: {  	_ =	sfence.sel $0xFFFF  }
0xc6: {  	[dreg:$0x0] =	wrdreg $0xFFFFFFFF;
	(pc) =	sbr.abs _section_cstart, $3  }
0xc7: {  	[dreg:$0x1] =	wrdreg $0xFFFFFFFF  }
0xc8: {  	_ =	task.clear_ibuf [dreg:s11], $0x2FFFF;
	_ =	strace $0x9FFFFFFF  }
0xc9: {  	(tm) =	ssettm $0x7FFFFFFF  }
tec
execute0_lowered:
.L_overlay_start_1:
0x0: {  	(tag) =	ssettag $0x1  }
0x1: {  	s0 =	rddreg [dreg:$0x0]  }
0x2: {  	s3 =	rddreg [dreg:$0x1]  }
0x3: {  	s1 =	rddreg [dreg:$0x2]  }
0x4: {  	s2 =	rddreg [dreg:$0x3]  }
0x5: {  	s4 =	rddreg [dreg:$0x4];
	s5 =	srdreg.scid;
	s9 =	simm.s32 $0x0  }
0x6: {  	s8 =	stileid.u32;
	s18 =	simm.s32 $0x9400;
	s10 =	simm.s32 $0x2400  }
0x7: {  	s19 =	simm.s32 $0xA400;
	s15 =	simm.s32 $0x3400;
	s20 =	simm.s32 $0xB400  }
0x8: {  	s17 =	simm.s32 $0x4400;
	s5 =	sand.u32 $0x1, s5;
	[smem:$0x7FF] =	sst s9  }
0x9: {  	s8 =	sshll.u32 s8, $0x7;
	s6 =	ssub.s32 $0x2, s5;
	s5 =	sshll.u32 s5, $0x6  }
0xa: {  	_ =	strace $0x80000047;
	s7 =	sshrl.u32 s6, $0x1;
	s5 =	sor.u32 s5, s8  }
0xb: {  	v0 =	vlaneseq.u32;
	vm0 =	vmmov $0x1;
	s6 =	ssub.s32 s6, s7;
	s21 =	sadd.s32 s0, s5;
	s22 =	sadd.s32 s3, s5  }
0xc: {  	vm1 =	vmmov $0x3;
	vm2 =	vmmov $0x7;
	vm3 =	vmmov $0xf;
	s23 =	sor.u32 $0x10, s5;
	s25 =	sor.u32 $0x20, s5;
	[dreg:$0x6] =	wrdreg s21  }
0xd: {  	vm4 =	vmmov $0x1f;
	vm5 =	vmmov $0x3f;
	vm6 =	vmmov $0x7f;
	s28 =	sor.u32 $0x30, s5;
	s30 =	sadd.s32 s4, s5;
	[dreg:$0x7] =	wrdreg s22  }
0xe: {  	vm7 =	vmmov $0xff;
	vm8 =	vmmov $0x1ff;
	vm9 =	vmmov $0x3ff;
	s5 =	simm.s32 $0x1;
	s24 =	sadd.s32 s0, s23;
	[dreg:$0xe] =	wrdreg s30  }
0xf: {  	vm10 =	vmmov $0x7ff;
	vm11 =	vmmov $0xfff;
	v0 =	vmul.u32 $0x80, v0;
	s4 =	simm.s32 $0x0;
	s7 =	sadd.s32 s3, s23;
	[dreg:$0x8] =	wrdreg s24  }
0x10: {  	vm12 =	vmmov $0x1fff;
	vm13 =	vmmov $0x3fff;
	vm14 =	vmmov $0x7fff;
	s26 =	sadd.s32 s0, s25;
	s0 =	sadd.s32 s0, s28;
	[dreg:$0x9] =	wrdreg s7  }
0x11: {  	v1 =	vor.u32 $0x800, v0;
	v2 =	vor.u32 $0x1000, v0;
	v3 =	vor.u32 $0x1800, v0;
	s29 =	sadd.s32 s3, s28;
	s31 =	smax.u32 s6, $0x1;
	[dreg:$0xa] =	wrdreg s26  }
0x12: {  	v4 =	vor.u32 $0x2000, v0;
	v5 =	vor.u32 $0x2800, v0;
	v6 =	vor.u32 $0x3000, v0;
	s23 =	simm.s32 $0x7A1400;
	s21 =	simm.s32 $0xC400;
	[dreg:$0xc] =	wrdreg s0  }
0x13: {  	v7 =	vor.u32 $0x3800, v0;
	v8 =	vor.u32 $0x4000, v0;
	v9 =	vor.u32 $0x4800, v0;
	s6 =	simm.s32 $0x2;
	s7 =	sadd.s32 s3, s25;
	[dreg:$0xd] =	wrdreg s29  }
0x14: {  	v10 =	vor.u32 $0x5000, v0;
	v11 =	vor.u32 $0x5800, v0;
	v12 =	vor.u32 $0x6000, v0;
	[dreg:$0xf] =	wrdreg s31;
	s3 =	simm.s32 $0x3;
	s24 =	simm.s32 $0x400  }
0x15: {  	v13 =	vor.u32 $0x6800, v0;
	v14 =	vor.u32 $0x7000, v0;
	v15 =	vor.u32 $0x7800, v0;
	s25 =	simm.s32 $0x8400;
	[dreg:$0xb] =	wrdreg s7;
	s7 =	simm.s32 $0x1400  }
.LBB2_1:
0x16: {  	[dreg:$0x10] =	wrdreg s4  }
0x17: {  	s0 =	rddreg [dreg:$0x6]  }
0x18: {  	[tilespmem:s9], [sflag:$0x3] =	stream.linear.gather [hbm4b:s0+s9], $0x80, $0x38;
	[tilespmem:$0x10600] =	vst v63  }
0x19: {  	_ =	swait.ge [sflag:s3], $0x80  }
0x1a: {  	[sflag:s3] =	ssyncset.done $0x0  }
0x1b: {  	s31 =	simm.s32 $0x200;
	s30 =	rddreg [dreg:$0x7];
	[sflag:s3] =	ssyncadd.s32 $0xFFFFFF80  }
0x1c: {  	[tilespmem:s31], [sflag:$0x3] =	stream.linear.gather [hbm4b:s30+s9], $0x80, $0x38;
	[tilespmem:$0x10600] =	vst v63  }
0x1d: {  	_ =	swait.ge [sflag:s3], $0x80  }
0x1e: {  	[sflag:s3] =	ssyncset.done $0x0  }
0x1f: {  	s11 =	simm.s32 $0x80;
	s8 =	rddreg [dreg:$0x8];
	[sflag:s3] =	ssyncadd.s32 $0xFFFFFF80  }
0x20: {  	[tilespmem:s11], [sflag:$0x3] =	stream.linear.gather [hbm4b:s8+s9], $0x80, $0x38;
	[tilespmem:$0x10600] =	vst v63  }
0x21: {  	_ =	swait.ge [sflag:s3], $0x80  }
0x22: {  	[sflag:s3] =	ssyncset.done $0x0  }
0x23: {  	s13 =	simm.s32 $0x280;
	s12 =	rddreg [dreg:$0x9];
	[sflag:s3] =	ssyncadd.s32 $0xFFFFFF80  }
0x24: {  	[tilespmem:s13], [sflag:$0x3] =	stream.linear.gather [hbm4b:s12+s9], $0x80, $0x38;
	[tilespmem:$0x10600] =	vst v63  }
0x25: {  	_ =	swait.ge [sflag:s3], $0x80  }
0x26: {  	[sflag:s3] =	ssyncset.done $0x0  }
0x27: {  	s16 =	simm.s32 $0x100;
	s14 =	rddreg [dreg:$0xa];
	[sflag:s3] =	ssyncadd.s32 $0xFFFFFF80  }
0x28: {  	[tilespmem:s16], [sflag:$0x3] =	stream.linear.gather [hbm4b:s14+s9], $0x80, $0x38;
	[tilespmem:$0x10600] =	vst v63  }
0x29: {  	_ =	swait.ge [sflag:s3], $0x80  }
0x2a: {  	[sflag:s3] =	ssyncset.done $0x0  }
0x2b: {  	s26 =	simm.s32 $0x300;
	s22 =	rddreg [dreg:$0xb];
	[sflag:s3] =	ssyncadd.s32 $0xFFFFFF80  }
0x2c: {  	[tilespmem:s26], [sflag:$0x3] =	stream.linear.gather [hbm4b:s22+s9], $0x80, $0x38;
	[tilespmem:$0x10600] =	vst v63  }
0x2d: {  	_ =	swait.ge [sflag:s3], $0x80  }
0x2e: {  	[sflag:s3] =	ssyncset.done $0x0  }
0x2f: {  	s29 =	simm.s32 $0x180;
	s28 =	rddreg [dreg:$0xc];
	[sflag:s3] =	ssyncadd.s32 $0xFFFFFF80  }
0x30: {  	[tilespmem:s29], [sflag:$0x3] =	stream.linear.gather [hbm4b:s28+s9], $0x80, $0x38;
	[tilespmem:$0x10600] =	vst v63  }
0x31: {  	_ =	swait.ge [sflag:s3], $0x80  }
0x32: {  	[sflag:s3] =	ssyncset.done $0x0  }
0x33: {  	s31 =	simm.s32 $0x380;
	s30 =	rddreg [dreg:$0xd];
	[sflag:s3] =	ssyncadd.s32 $0xFFFFFF80  }
0x34: {  	[tilespmem:s31], [sflag:$0x3] =	stream.linear.gather [hbm4b:s30+s9], $0x80, $0x38;
	[tilespmem:$0x10600] =	vst v63  }
0x35: {  	_ =	swait.ge [sflag:s3], $0x80  }
0x36: {  	[sflag:s3] =	ssyncset.done $0x0  }
0x37: {  	s8 =	simm.s32 $0x0;
	[sflag:s3] =	ssyncadd.s32 $0xFFFFFF80  }
.LBB2_2:
0x38: {  	s9 =	sshra.s32 s8, $0x2  }
0x39: {  	v17 =	vld [tilespmem:s9+$0x0]  }
0x3a: {  	v16 =	vld [tilespmem:s9+$0x200];
	_ =	sdelay $0x3  }
0x3b: {  	(v2sf) =	vpush v17, $0x0  }
0x3c: {  	(v2sf) =	vpush v16, $0x0  }
0x3d: {  	(v2sf) =	vpush v17, $0x1;
	_ =	sdelay $0x2  }
0x3e: {  	(v2sf) =	vpush v16, $0x1;
	_ =	sdelay $0x2  }
0x3f: {  	(v2sf) =	vpush v17, $0x2;
	_ =	sdelay $0x1  }
0x40: {  	(v2sf) =	vpush v16, $0x2;
	_ =	sdelay $0x4  }
0x41: {  	s16 =	spop (v2sf)  }
0x42: {  	s11 =	spop (v2sf);
	(v2sf) =	vpush v17, $0x3  }
0x43: {  	s26 =	spop (v2sf);
	(v2sf) =	vpush v16, $0x3;
	_ =	sdelay $0x2  }
0x44: {  	s0 =	sand.u32 $0xFFFFF80, s16;
	s12 =	spop (v2sf);
	(v2sf) =	vpush v17, $0x4  }
0x45: {  	s0 =	sadd.s32 s1, s0;
	s28 =	sand.u32 $0xFFFFF80, s11  }
0x46: {  	[tilespmem:s24], [sflag:$0x1] =	stream.strided.gather [hbm4b:s0+s24], $0x1000, s23, s24, $0x38;
	[tilespmem:$0x10600] =	vst v63  }
0x47: {  	s0 =	sadd.s32 s2, s28;
	s29 =	sand.u32 $0xFFFFF80, s26;
	s28 =	spop (v2sf);
	(v2sf) =	vpush v16, $0x4  }
0x48: {  	[tilespmem:s25], [sflag:$0x2] =	stream.strided.gather [hbm4b:s0+s24], $0x1000, s23, s24, $0x38;
	[tilespmem:$0x10600] =	vst v63  }
0x49: {  	s30 =	sand.u32 $0xFFFFF80, s12;
	s0 =	sadd.s32 s1, s29;
	s13 =	spop (v2sf);
	(v2sf) =	vpush v17, $0x5  }
0x4a: {  	[tilespmem:s7], [sflag:$0x1] =	stream.strided.gather [hbm4b:s0+s24], $0x1000, s23, s24, $0x38;
	[tilespmem:$0x10600] =	vst v63  }
0x4b: {  	s31 =	sand.u32 $0xFFFFF80, s28;
	s0 =	sadd.s32 s2, s30  }
0x4c: {  	[tilespmem:s18], [sflag:$0x2] =	stream.strided.gather [hbm4b:s0+s24], $0x1000, s23, s24, $0x38;
	[tilespmem:$0x10600] =	vst v63  }
0x4d: {  	s0 =	sadd.s32 s1, s31  }
0x4e: {  	[tilespmem:s10], [sflag:$0x1] =	stream.strided.gather [hbm4b:s0+s24], $0x1000, s23, s24, $0x38;
	[tilespmem:$0x10600] =	vst v63  }
0x4f: {  	s29 =	spop (v2sf);
	(v2sf) =	vpush v16, $0x5  }
0x50: {  	s3 =	sand.u32 $0xFFFFF80, s13;
	s14 =	spop (v2sf);
	(v2sf) =	vpush v17, $0x6  }
0x51: {  	s0 =	sadd.s32 s2, s3  }
0x52: {  	[tilespmem:s19], [sflag:$0x2] =	stream.strided.gather [hbm4b:s0+s24], $0x1000, s23, s24, $0x38;
	[tilespmem:$0x10600] =	vst v63  }
0x53: {  	s4 =	sand.u32 $0xFFFFF80, s29;
	s30 =	spop (v2sf);
	(v2sf) =	vpush v16, $0x6  }
0x54: {  	s0 =	sadd.s32 s1, s4;
	s7 =	sand.u32 $0xFFFFF80, s14  }
0x55: {  	[tilespmem:s15], [sflag:$0x1] =	stream.strided.gather [hbm4b:s0+s24], $0x1000, s23, s24, $0x38;
	[tilespmem:$0x10600] =	vst v63  }
0x56: {  	s0 =	sadd.s32 s2, s7;
	s10 =	sand.u32 $0xFFFFF80, s30;
	s15 =	spop (v2sf);
	(v2sf) =	vpush v17, $0x7  }
0x57: {  	[tilespmem:s20], [sflag:$0x2] =	stream.strided.gather [hbm4b:s0+s24], $0x1000, s23, s24, $0x38;
	[tilespmem:$0x10600] =	vst v63  }
0x58: {  	s18 =	sand.u32 $0xFFFFF80, s15;
	s31 =	spop (v2sf);
	s0 =	sadd.s32 s1, s10  }
0x59: {  	(v2sf) =	vpush v16, $0x7;
	[tilespmem:s17], [sflag:$0x1] =	stream.strided.gather [hbm4b:s0+s24], $0x1000, s23, s24, $0x38;
	[tilespmem:$0x10600] =	vst v63  }
0x5a: {  	s19 =	sand.u32 $0xFFFFF80, s31;
	s0 =	sadd.s32 s2, s18  }
0x5b: {  	[tilespmem:s21], [sflag:$0x2] =	stream.strided.gather [hbm4b:s0+s24], $0x1000, s23, s24, $0x38;
	[tilespmem:$0x10600] =	vst v63  }
0x5c: {  	s22 =	simm.s32 $0x5400;
	s0 =	sadd.s32 s1, s19  }
0x5d: {  	[tilespmem:s22], [sflag:$0x1] =	stream.strided.gather [hbm4b:s0+s24], $0x1000, s23, s24, $0x38;
	[tilespmem:$0x10600] =	vst v63  }
0x5e: {  	s7 =	spop (v2sf)  }
0x5f: {  	s20 =	sand.u32 $0xFFFFF80, s7;
	s10 =	spop (v2sf)  }
0x60: {  	s3 =	simm.s32 $0xD400;
	s0 =	sadd.s32 s2, s20;
	s21 =	sand.u32 $0xFFFFF80, s10  }
0x61: {  	[tilespmem:s3], [sflag:$0x2] =	stream.strided.gather [hbm4b:s0+s24], $0x1000, s23, s24, $0x38;
	[tilespmem:$0x10600] =	vst v63  }
0x62: {  	s4 =	simm.s32 $0x6400;
	s3 =	spop (v2sf);
	s0 =	sadd.s32 s1, s21  }
0x63: {  	[tilespmem:s4], [sflag:$0x1] =	stream.strided.gather [hbm4b:s0+s24], $0x1000, s23, s24, $0x38;
	[tilespmem:$0x10600] =	vst v63  }
0x64: {  	s4 =	sand.u32 $0xFFFFF80, s3  }
0x65: {  	s17 =	simm.s32 $0xE400;
	s0 =	sadd.s32 s2, s4;
	s4 =	spop (v2sf)  }
0x66: {  	[tilespmem:s17], [sflag:$0x2] =	stream.strided.gather [hbm4b:s0+s24], $0x1000, s23, s24, $0x38;
	[tilespmem:$0x10600] =	vst v63  }
0x67: {  	s20 =	sand.u32 $0xFFFFF80, s4  }
0x68: {  	s0 =	spop (v2sf);
	s17 =	sadd.s32 s1, s20;
	s20 =	simm.s32 $0x7400  }
0x69: {  	[tilespmem:s20], [sflag:$0x1] =	stream.strided.gather [hbm4b:s17+s24], $0x1000, s23, s24, $0x38;
	[tilespmem:$0x10600] =	vst v63  }
0x6a: {  	s20 =	sand.u32 $0xFFFFF80, s0  }
0x6b: {  	s17 =	sadd.s32 s2, s20;
	s20 =	simm.s32 $0xF400  }
0x6c: {  	[tilespmem:s20], [sflag:$0x2] =	stream.strided.gather [hbm4b:s17+s24], $0x1000, s23, s24, $0x38;
	[tilespmem:$0x10600] =	vst v63  }
0x6d: {  	_ =	swait.ge [sflag:s5], $0x1000  }
0x6e: {  	[sflag:s5] =	ssyncset.done $0x0  }
0x6f: {  	[sflag:s5] =	ssyncadd.s32 $0xFFFFF000  }
0x70: {  	_ =	swait.ge [sflag:s6], $0x1000  }
0x71: {  	[sflag:s6] =	ssyncset.done $0x0  }
0x72: {  	[sflag:s6] =	ssyncadd.s32 $0xFFFFF000  }
0x73: {  	_ =	swait.ge [sflag:s5], $0x1000  }
0x74: {  	[sflag:s5] =	ssyncset.done $0x0  }
0x75: {  	[sflag:s5] =	ssyncadd.s32 $0xFFFFF000  }
0x76: {  	_ =	swait.ge [sflag:s6], $0x1000  }
0x77: {  	[sflag:s6] =	ssyncset.done $0x0  }
0x78: {  	[sflag:s6] =	ssyncadd.s32 $0xFFFFF000  }
0x79: {  	_ =	swait.ge [sflag:s5], $0x1000  }
0x7a: {  	[sflag:s5] =	ssyncset.done $0x0  }
0x7b: {  	[sflag:s5] =	ssyncadd.s32 $0xFFFFF000  }
0x7c: {  	_ =	swait.ge [sflag:s6], $0x1000  }
0x7d: {  	[sflag:s6] =	ssyncset.done $0x0  }
0x7e: {  	[sflag:s6] =	ssyncadd.s32 $0xFFFFF000  }
0x7f: {  	_ =	swait.ge [sflag:s5], $0x1000  }
0x80: {  	[sflag:s5] =	ssyncset.done $0x0  }
0x81: {  	[sflag:s5] =	ssyncadd.s32 $0xFFFFF000  }
0x82: {  	_ =	swait.ge [sflag:s6], $0x1000  }
0x83: {  	[sflag:s6] =	ssyncset.done $0x0  }
0x84: {  	[sflag:s6] =	ssyncadd.s32 $0xFFFFF000  }
0x85: {  	_ =	swait.ge [sflag:s5], $0x1000  }
0x86: {  	[sflag:s5] =	ssyncset.done $0x0  }
0x87: {  	[sflag:s5] =	ssyncadd.s32 $0xFFFFF000  }
0x88: {  	_ =	swait.ge [sflag:s6], $0x1000  }
0x89: {  	[sflag:s6] =	ssyncset.done $0x0  }
0x8a: {  	[sflag:s6] =	ssyncadd.s32 $0xFFFFF000  }
0x8b: {  	_ =	swait.ge [sflag:s5], $0x1000  }
0x8c: {  	[sflag:s5] =	ssyncset.done $0x0  }
0x8d: {  	[sflag:s5] =	ssyncadd.s32 $0xFFFFF000  }
0x8e: {  	_ =	swait.ge [sflag:s6], $0x1000  }
0x8f: {  	[sflag:s6] =	ssyncset.done $0x0  }
0x90: {  	[sflag:s6] =	ssyncadd.s32 $0xFFFFF000  }
0x91: {  	_ =	swait.ge [sflag:s5], $0x1000  }
0x92: {  	[sflag:s5] =	ssyncset.done $0x0  }
0x93: {  	[sflag:s5] =	ssyncadd.s32 $0xFFFFF000  }
0x94: {  	_ =	swait.ge [sflag:s6], $0x1000  }
0x95: {  	[sflag:s6] =	ssyncset.done $0x0  }
0x96: {  	[sflag:s6] =	ssyncadd.s32 $0xFFFFF000  }
0x97: {  	s16 =	sand.u32 $0x7F, s16;
	_ =	swait.ge [sflag:s5], $0x1000  }
0x98: {  	v18 =	vor.u32 s16, v0;
	[sflag:s5] =	ssyncset.done $0x0  }
0x99: {  	s11 =	sand.u32 $0x7F, s11;
	v19 =	vor.u32 s16, v1;
	[sflag:s5] =	ssyncadd.s32 $0xFFFFF000  }
0x9a: {  	v20 =	vor.u32 s11, v0;
	_ =	swait.ge [sflag:s6], $0x1000  }
0x9b: {  	s26 =	sand.u32 $0x7F, s26;
	v21 =	vor.u32 s11, v1;
	[sflag:s6] =	ssyncset.done $0x0  }
0x9c: {  	v22 =	vor.u32 s26, v2;
	[sflag:s6] =	ssyncadd.s32 $0xFFFFF000  }
0x9d: {  	s12 =	sand.u32 $0x7F, s12;
	v23 =	vor.u32 s26, v3;
	v18 =	vld.idx.msk [tilespmem:v18+s24+$0x0], $0xffff  }
0x9e: {  	v24 =	vor.u32 s12, v2;
	v19 =	vld.idx.msk [tilespmem:v19+s24+$0x0], $0xffff  }
0x9f: {  	v25 =	vor.u32 s12, v3;
	s17 =	sand.u32 $0x7F, s28;
	v20 =	vld.idx.msk [tilespmem:v20+s25+$0x0], $0xffff  }
0xa0: {  	v26 =	vor.u32 s17, v4;
	v21 =	vld.idx.msk [tilespmem:v21+s25+$0x0], $0xffff  }
0xa1: {  	s20 =	sand.u32 $0x7F, s13;
	v27 =	vor.u32 s17, v5;
	v22 =	vld.idx.msk [tilespmem:v22+s24+$0x0], $0xffff  }
0xa2: {  	v28 =	vor.u32 s20, v4;
	v23 =	vld.idx.msk [tilespmem:v23+s24+$0x0], $0xffff  }
0xa3: {  	s26 =	sand.u32 $0x7F, s29;
	v29 =	vor.u32 s20, v5;
	v24 =	vld.idx.msk [tilespmem:v24+s25+$0x0], $0xffff  }
0xa4: {  	v30 =	vor.u32 s26, v6;
	v25 =	vld.idx.msk [tilespmem:v25+s25+$0x0], $0xffff  }
0xa5: {  	v31 =	vor.u32 s26, v7;
	s28 =	sand.u32 $0x7F, s14;
	v26 =	vld.idx.msk [tilespmem:v26+s24+$0x0], $0xffff  }
0xa6: {  	v32 =	vor.u32 s28, v6;
	v27 =	vld.idx.msk [tilespmem:v27+s24+$0x0], $0xffff  }
0xa7: {  	s29 =	sand.u32 $0x7F, s30;
	v33 =	vor.u32 s28, v7;
	v28 =	vld.idx.msk [tilespmem:v28+s25+$0x0], $0xffff  }
0xa8: {  	v34 =	vor.u32 s29, v8;
	v29 =	vld.idx.msk [tilespmem:v29+s25+$0x0], $0xffff  }
0xa9: {  	s30 =	sand.u32 $0x7F, s15;
	v35 =	vor.u32 s29, v9;
	v30 =	vld.idx.msk [tilespmem:v30+s24+$0x0], $0xffff  }
0xaa: {  	v36 =	vor.u32 s30, v8;
	(v2sf) =	vpush v17, $0x8;
	v31 =	vld.idx.msk [tilespmem:v31+s24+$0x0], $0xffff  }
0xab: {  	s31 =	sand.u32 $0x7F, s31;
	v37 =	vor.u32 s30, v9;
	(v2sf) =	vpush v16, $0x8;
	v32 =	vld.idx.msk [tilespmem:v32+s25+$0x0], $0xffff  }
0xac: {  	v38 =	vor.u32 s31, v10;
	v33 =	vld.idx.msk [tilespmem:v33+s25+$0x0], $0xffff;
	(v2sf) =	vpush v17, $0x9  }
0xad: {  	v39 =	vor.u32 s31, v11;
	s7 =	sand.u32 $0x7F, s7;
	v34 =	vld.idx.msk [tilespmem:v34+s24+$0x0], $0xffff  }
0xae: {  	v40 =	vor.u32 s7, v10;
	v35 =	vld.idx.msk [tilespmem:v35+s24+$0x0], $0xffff;
	(v2sf) =	vpush v16, $0x9  }
0xaf: {  	s10 =	sand.u32 $0x7F, s10;
	v41 =	vor.u32 s7, v11;
	v36 =	vld.idx.msk [tilespmem:v36+s25+$0x0], $0xffff;
	(v2sf) =	vpush v17, $0xA  }
0xb0: {  	v42 =	vor.u32 s10, v12;
	v37 =	vld.idx.msk [tilespmem:v37+s25+$0x0], $0xffff  }
0xb1: {  	v43 =	vor.u32 s10, v13;
	s3 =	sand.u32 $0x7F, s3;
	v38 =	vld.idx.msk [tilespmem:v38+s24+$0x0], $0xffff  }
0xb2: {  	v44 =	vor.u32 s3, v12;
	v39 =	vld.idx.msk [tilespmem:v39+s24+$0x0], $0xffff  }
0xb3: {  	v45 =	vor.u32 s3, v13;
	s4 =	sand.u32 $0x7F, s4;
	v40 =	vld.idx.msk [tilespmem:v40+s25+$0x0], $0xffff;
	(v2sf) =	vpush v16, $0xA  }
0xb4: {  	v46 =	vor.u32 s4, v14;
	v41 =	vld.idx.msk [tilespmem:v41+s25+$0x0], $0xffff  }
0xb5: {  	v47 =	vor.u32 s4, v15;
	s0 =	sand.u32 $0x7F, s0;
	v42 =	vld.idx.msk [tilespmem:v42+s24+$0x0], $0xffff  }
0xb6: {  	v48 =	vor.u32 s0, v14;
	v43 =	vld.idx.msk [tilespmem:v43+s24+$0x0], $0xffff  }
0xb7: {  	v49 =	vor.u32 s0, v15;
	v44 =	vld.idx.msk [tilespmem:v44+s25+$0x0], $0xffff  }
0xb8: {  	v45 =	vld.idx.msk [tilespmem:v45+s25+$0x0], $0xffff  }
0xb9: {  	v46 =	vld.idx.msk [tilespmem:v46+s24+$0x0], $0xffff;
	s10 =	spop (v2sf);
	(v2sf) =	vpush v17, $0xB  }
0xba: {  	v47 =	vld.idx.msk [tilespmem:v47+s24+$0x0], $0xffff;
	s12 =	sand.u32 $0xFFFFF80, s10;
	s11 =	spop (v2sf)  }
0xbb: {  	v48 =	vld.idx.msk [tilespmem:v48+s25+$0x0], $0xffff;
	(v2sf) =	vpush v16, $0xB;
	s0 =	sadd.s32 s1, s12;
	s4 =	spop (v2sf)  }
0xbc: {  	v49 =	vld.idx.msk [tilespmem:v49+s25+$0x0], $0xffff;
	[tilespmem:s24], [sflag:$0x1] =	stream.strided.gather [hbm4b:s0+s24], $0x1000, s23, s24, $0x38  }
0xbd: {  	s18 =	simm.s32 $0x1400;
	s13 =	sand.u32 $0xFFFFF80, s11;
	(v2sf) =	vpush v17, $0xC;
	s12 =	spop (v2sf)  }
0xbe: {  	s0 =	sadd.s32 s2, s13;
	s14 =	sand.u32 $0xFFFFF80, s4;
	s7 =	spop (v2sf)  }
0xbf: {  	(v2sf) =	vpush v16, $0xC;
	[tilespmem:s25], [sflag:$0x2] =	stream.strided.gather [hbm4b:s0+s24], $0x1000, s23, s24, $0x38;
	[tilespmem:$0x10600] =	vst v63  }
0xc0: {  	s15 =	sand.u32 $0xFFFFF80, s12;
	s0 =	sadd.s32 s1, s14;
	s16 =	sand.u32 $0xFFFFF80, s7  }
0xc1: {  	(v2sf) =	vpush v17, $0xD;
	[tilespmem:s18], [sflag:$0x1] =	stream.strided.gather [hbm4b:s0+s24], $0x1000, s23, s24, $0x38;
	[tilespmem:$0x10600] =	vst v63  }
0xc2: {  	s13 =	spop (v2sf);
	s18 =	simm.s32 $0x9400;
	s0 =	sadd.s32 s2, s15  }
0xc3: {  	[tilespmem:s18], [sflag:$0x2] =	stream.strided.gather [hbm4b:s0+s24], $0x1000, s23, s24, $0x38;
	[tilespmem:$0x10600] =	vst v63  }
0xc4: {  	s19 =	simm.s32 $0x2400;
	s17 =	sand.u32 $0xFFFFF80, s13;
	s0 =	sadd.s32 s1, s16  }
0xc5: {  	[tilespmem:s19], [sflag:$0x1] =	stream.strided.gather [hbm4b:s0+s24], $0x1000, s23, s24, $0x38;
	[tilespmem:$0x10600] =	vst v63  }
0xc6: {  	s19 =	simm.s32 $0xA400;
	s0 =	sadd.s32 s2, s17  }
0xc7: {  	[tilespmem:s19], [sflag:$0x2] =	stream.strided.gather [hbm4b:s0+s24], $0x1000, s23, s24, $0x38;
	[tilespmem:$0x10600] =	vst v63  }
0xc8: {  	s15 =	spop (v2sf);
	(v2sf) =	vpush v16, $0xD  }
0xc9: {  	s20 =	sand.u32 $0xFFFFF80, s15  }
0xca: {  	s26 =	simm.s32 $0x3400;
	v18 =	vmul.f32 v20, v18;
	v19 =	vmul.f32 v21, v19;
	s14 =	spop (v2sf);
	(v2sf) =	vpush v17, $0xE;
	s0 =	sadd.s32 s1, s20  }
0xcb: {  	v24 =	vmul.f32 v24, v22;
	[tilespmem:s26], [sflag:$0x1] =	stream.strided.gather [hbm4b:s0+s24], $0x1000, s23, s24, $0x38;
	[tilespmem:$0x10600] =	vst v63  }
0xcc: {  	v25 =	vmul.f32 v25, v23;
	v18 =	vadd.f32 v19, v18;
	s26 =	spop (v2sf);
	(v2sf) =	vpush v16, $0xE  }
0xcd: {  	s21 =	simm.s32 $0x4400;
	v28 =	vmul.f32 v28, v26;
	s20 =	simm.s32 $0xB400;
	s28 =	sand.u32 $0xFFFFF80, s14  }
0xce: {  	v29 =	vmul.f32 v29, v27;
	(xrf2) =	vadd.scan.msk.f32 $0xffff, v18;
	s0 =	sadd.s32 s2, s28;
	s29 =	sand.u32 $0xFFFFF80, s26;
	s28 =	spop (v2sf);
	(v2sf) =	vpush v17, $0xF;
	v17 =	vadd.f32 v25, v24  }
0xcf: {  	[tilespmem:s20], [sflag:$0x2] =	stream.strided.gather [hbm4b:s0+s24], $0x1000, s23, s24, $0x38;
	[tilespmem:$0x10600] =	vst v63  }
0xd0: {  	v30 =	vmul.f32 v32, v30;
	v31 =	vmul.f32 v33, v31;
	s0 =	sadd.s32 s1, s29;
	s30 =	sand.u32 $0xFFFFF80, s28;
	s29 =	spop (v2sf);
	(xrf2) =	vadd.scan.msk.f32 $0xffff, v17;
	v17 =	vadd.f32 v29, v28  }
0xd1: {  	v32 =	vmul.f32 v36, v34;
	[tilespmem:s21], [sflag:$0x1] =	stream.strided.gather [hbm4b:s0+s24], $0x1000, s23, s24, $0x38;
	[tilespmem:$0x10600] =	vst v63  }
0xd2: {  	v33 =	vmul.f32 v37, v35;
	(v2sf) =	vpush v16, $0xF;
	v16 =	vadd.f32 v31, v30;
	s31 =	sand.u32 $0xFFFFF80, s29;
	s21 =	simm.s32 $0xC400;
	s0 =	sadd.s32 s2, s30;
	(xrf2) =	vadd.scan.msk.f32 $0xffff, v17  }
0xd3: {  	v34 =	vmul.f32 v41, v39;
	v17 =	vmul.f32 v40, v38;
	[tilespmem:s21], [sflag:$0x2] =	stream.strided.gather [hbm4b:s0+s24], $0x1000, s23, s24, $0x38;
	[tilespmem:$0x10600] =	vst v63  }
0xd4: {  	(xrf2) =	vadd.scan.msk.f32 $0xffff, v16;
	v16 =	vadd.f32 v33, v32;
	s0 =	sadd.s32 s1, s31  }
0xd5: {  	v35 =	vmul.f32 v44, v42;
	v36 =	vmul.f32 v45, v43;
	v17 =	vadd.f32 v34, v17;
	[tilespmem:s22], [sflag:$0x1] =	stream.strided.gather [hbm4b:s0+s24], $0x1000, s23, s24, $0x38;
	[tilespmem:$0x10600] =	vst v63  }
0xd6: {  	(xrf2) =	vadd.scan.msk.f32 $0xffff, v16  }
0xd7: {  	v37 =	vmul.f32 v49, v47;
	v16 =	vmul.f32 v48, v46;
	(xrf2) =	vadd.scan.msk.f32 $0xffff, v17;
	v17 =	vadd.f32 v36, v35;
	s30 =	spop (v2sf)  }
0xd8: {  	s3 =	sand.u32 $0xFFFFF80, s30  }
0xd9: {  	s16 =	simm.s32 $0xD400;
	v16 =	vadd.f32 v37, v16;
	(xrf2) =	vadd.scan.msk.f32 $0xffff, v17;
	s31 =	spop (v2sf);
	s0 =	sadd.s32 s2, s3  }
0xda: {  	[tilespmem:s16], [sflag:$0x2] =	stream.strided.gather [hbm4b:s0+s24], $0x1000, s23, s24, $0x38;
	[tilespmem:$0x10600] =	vst v63  }
0xdb: {  	(xrf2) =	vadd.scan.msk.f32 $0xffff, v16;
	s17 =	sand.u32 $0xFFFFF80, s31;
	s0 =	spop (v2sf)  }
0xdc: {  	s22 =	simm.s32 $0x6400;
	s3 =	sadd.s32 s1, s17;
	s17 =	sand.u32 $0xFFFFF80, s0  }
0xdd: {  	[tilespmem:s22], [sflag:$0x1] =	stream.strided.gather [hbm4b:s3+s24], $0x1000, s23, s24, $0x38;
	[tilespmem:$0x10600] =	vst v63  }
0xde: {  	v21, _, _ =	vpop (xrf2);
	s3 =	spop (v2sf);
	s16 =	sadd.s32 s2, s17;
	s22 =	simm.s32 $0xE400  }
0xdf: {  	v23, _, _ =	vpop (xrf2);
	[tilespmem:s22], [sflag:$0x2] =	stream.strided.gather [hbm4b:s16+s24], $0x1000, s23, s24, $0x38;
	[tilespmem:$0x10600] =	vst v63  }
0xe0: {  	v22, _, _ =	vpop (xrf2);
	s22 =	sand.u32 $0xFFFFF80, s3  }
0xe1: {  	v17, _, _ =	vpop (xrf2);
	s16 =	spop (v2sf);
	s17 =	sadd.s32 s1, s22;
	s22 =	simm.s32 $0x7400  }
0xe2: {  	v18, _, _ =	vpop (xrf2);
	[tilespmem:s22], [sflag:$0x1] =	stream.strided.gather [hbm4b:s17+s24], $0x1000, s23, s24, $0x38;
	[tilespmem:$0x10600] =	vst v63  }
0xe3: {  	v19, _, _ =	vpop (xrf2);
	s22 =	sand.u32 $0xFFFFF80, s16  }
0xe4: {  	v20, _, _ =	vpop (xrf2);
	s17 =	sadd.s32 s2, s22;
	s22 =	simm.s32 $0xF400  }
0xe5: {  	v16, _, _ =	vpop (xrf2);
	[tilespmem:s22], [sflag:$0x2] =	stream.strided.gather [hbm4b:s17+s24], $0x1000, s23, s24, $0x38;
	[tilespmem:$0x10600] =	vst v63  }
0xe6: {  	_ =	swait.ge [sflag:s5], $0x1000  }
0xe7: {  	[sflag:s5] =	ssyncset.done $0x0  }
0xe8: {  	[sflag:s5] =	ssyncadd.s32 $0xFFFFF000  }
0xe9: {  	_ =	swait.ge [sflag:s6], $0x1000  }
0xea: {  	[sflag:s6] =	ssyncset.done $0x0  }
0xeb: {  	[sflag:s6] =	ssyncadd.s32 $0xFFFFF000  }
0xec: {  	_ =	swait.ge [sflag:s5], $0x1000  }
0xed: {  	[sflag:s5] =	ssyncset.done $0x0  }
0xee: {  	[sflag:s5] =	ssyncadd.s32 $0xFFFFF000  }
0xef: {  	_ =	swait.ge [sflag:s6], $0x1000  }
0xf0: {  	[sflag:s6] =	ssyncset.done $0x0  }
0xf1: {  	[sflag:s6] =	ssyncadd.s32 $0xFFFFF000  }
0xf2: {  	_ =	swait.ge [sflag:s5], $0x1000  }
0xf3: {  	[sflag:s5] =	ssyncset.done $0x0  }
0xf4: {  	[sflag:s5] =	ssyncadd.s32 $0xFFFFF000  }
0xf5: {  	_ =	swait.ge [sflag:s6], $0x1000  }
0xf6: {  	[sflag:s6] =	ssyncset.done $0x0  }
0xf7: {  	[sflag:s6] =	ssyncadd.s32 $0xFFFFF000  }
0xf8: {  	_ =	swait.ge [sflag:s5], $0x1000  }
0xf9: {  	[sflag:s5] =	ssyncset.done $0x0  }
0xfa: {  	[sflag:s5] =	ssyncadd.s32 $0xFFFFF000  }
0xfb: {  	_ =	swait.ge [sflag:s6], $0x1000  }
0xfc: {  	[sflag:s6] =	ssyncset.done $0x0  }
0xfd: {  	[sflag:s6] =	ssyncadd.s32 $0xFFFFF000  }
0xfe: {  	_ =	swait.ge [sflag:s5], $0x1000  }
0xff: {  	[sflag:s5] =	ssyncset.done $0x0  }
0x100: {  	[sflag:s5] =	ssyncadd.s32 $0xFFFFF000  }
0x101: {  	_ =	swait.ge [sflag:s6], $0x1000  }
0x102: {  	[sflag:s6] =	ssyncset.done $0x0  }
0x103: {  	[sflag:s6] =	ssyncadd.s32 $0xFFFFF000  }
0x104: {  	_ =	swait.ge [sflag:s5], $0x1000  }
0x105: {  	[sflag:s5] =	ssyncset.done $0x0  }
0x106: {  	[sflag:s5] =	ssyncadd.s32 $0xFFFFF000  }
0x107: {  	_ =	swait.ge [sflag:s6], $0x1000  }
0x108: {  	[sflag:s6] =	ssyncset.done $0x0  }
0x109: {  	[sflag:s6] =	ssyncadd.s32 $0xFFFFF000  }
0x10a: {  	_ =	swait.ge [sflag:s5], $0x1000  }
0x10b: {  	[sflag:s5] =	ssyncset.done $0x0  }
0x10c: {  	[sflag:s5] =	ssyncadd.s32 $0xFFFFF000  }
0x10d: {  	_ =	swait.ge [sflag:s6], $0x1000  }
0x10e: {  	[sflag:s6] =	ssyncset.done $0x0  }
0x10f: {  	[sflag:s6] =	ssyncadd.s32 $0xFFFFF000  }
0x110: {  	s10 =	sand.u32 $0x7F, s10;
	_ =	swait.ge [sflag:s5], $0x1000  }
0x111: {  	v38 =	vor.u32 s10, v0;
	[sflag:s5] =	ssyncset.done $0x0  }
0x112: {  	v39 =	vor.u32 s10, v1;
	s11 =	sand.u32 $0x7F, s11;
	[sflag:s5] =	ssyncadd.s32 $0xFFFFF000  }
0x113: {  	v40 =	vor.u32 s11, v0;
	_ =	swait.ge [sflag:s6], $0x1000  }
0x114: {  	v41 =	vor.u32 s11, v1;
	s4 =	sand.u32 $0x7F, s4;
	[sflag:s6] =	ssyncset.done $0x0  }
0x115: {  	v42 =	vor.u32 s4, v2;
	[sflag:s6] =	ssyncadd.s32 $0xFFFFF000  }
0x116: {  	v43 =	vor.u32 s4, v3;
	s12 =	sand.u32 $0x7F, s12;
	v24 =	vld.idx.msk [tilespmem:v38+s24+$0x0], $0xffff  }
0x117: {  	v44 =	vor.u32 s12, v2;
	v25 =	vld.idx.msk [tilespmem:v39+s24+$0x0], $0xffff  }
0x118: {  	v45 =	vor.u32 s12, v3;
	s22 =	sand.u32 $0x7F, s7;
	v26 =	vld.idx.msk [tilespmem:v40+s25+$0x0], $0xffff  }
0x119: {  	v46 =	vor.u32 s22, v4;
	v27 =	vld.idx.msk [tilespmem:v41+s25+$0x0], $0xffff  }
0x11a: {  	s11 =	sand.u32 $0x7F, s13;
	v47 =	vor.u32 s22, v5;
	v28 =	vld.idx.msk [tilespmem:v42+s24+$0x0], $0xffff  }
0x11b: {  	v48 =	vor.u32 s11, v4;
	v29 =	vld.idx.msk [tilespmem:v43+s24+$0x0], $0xffff  }
0x11c: {  	s12 =	sand.u32 $0x7F, s15;
	v49 =	vor.u32 s11, v5;
	v30 =	vld.idx.msk [tilespmem:v44+s25+$0x0], $0xffff  }
0x11d: {  	v50 =	vor.u32 s12, v6;
	v31 =	vld.idx.msk [tilespmem:v45+s25+$0x0], $0xffff  }
0x11e: {  	v51 =	vor.u32 s12, v7;
	s13 =	sand.u32 $0x7F, s14;
	v32 =	vld.idx.msk [tilespmem:v46+s24+$0x0], $0xffff  }
0x11f: {  	v52 =	vor.u32 s13, v6;
	v33 =	vld.idx.msk [tilespmem:v47+s24+$0x0], $0xffff  }
0x120: {  	s14 =	sand.u32 $0x7F, s26;
	v53 =	vor.u32 s13, v7;
	v34 =	vld.idx.msk [tilespmem:v48+s25+$0x0], $0xffff  }
0x121: {  	v54 =	vor.u32 s14, v8;
	v35 =	vld.idx.msk [tilespmem:v49+s25+$0x0], $0xffff  }
0x122: {  	v55 =	vor.u32 s14, v9;
	s22 =	sand.u32 $0x7F, s28;
	v36 =	vld.idx.msk [tilespmem:v50+s24+$0x0], $0xffff  }
0x123: {  	v56 =	vor.u32 s22, v8;
	v37 =	vld.idx.msk [tilespmem:v51+s24+$0x0], $0xffff  }
0x124: {  	s26 =	sand.u32 $0x7F, s29;
	v57 =	vor.u32 s22, v9;
	v38 =	vld.idx.msk [tilespmem:v52+s25+$0x0], $0xffff  }
0x125: {  	v58 =	vor.u32 s26, v10;
	v39 =	vld.idx.msk [tilespmem:v53+s25+$0x0], $0xffff  }
0x126: {  	v59 =	vor.u32 s26, v11;
	s28 =	sand.u32 $0x7F, s30;
	v40 =	vld.idx.msk [tilespmem:v54+s24+$0x0], $0xffff  }
0x127: {  	v60 =	vor.u32 s28, v10;
	v41 =	vld.idx.msk [tilespmem:v55+s24+$0x0], $0xffff  }
0x128: {  	s29 =	sand.u32 $0x7F, s31;
	v61 =	vor.u32 s28, v11;
	v42 =	vld.idx.msk [tilespmem:v56+s25+$0x0], $0xffff  }
0x129: {  	v62 =	vor.u32 s29, v12;
	v43 =	vld.idx.msk [tilespmem:v57+s25+$0x0], $0xffff  }
0x12a: {  	v63 =	vor.u32 s29, v13;
	s0 =	sand.u32 $0x7F, s0;
	v44 =	vld.idx.msk [tilespmem:v58+s24+$0x0], $0xffff  }
0x12b: {  	v45 =	vld.idx.msk [tilespmem:v59+s24+$0x0], $0xffff;
	v50 =	vor.u32 s0, v12  }
0x12c: {  	s30 =	sand.u32 $0x7F, s3;
	v51 =	vor.u32 s0, v13;
	v46 =	vld.idx.msk [tilespmem:v60+s25+$0x0], $0xffff  }
0x12d: {  	s31 =	sand.u32 $0x7F, s16;
	v47 =	vld.idx.msk [tilespmem:v61+s25+$0x0], $0xffff;
	v52 =	vor.u32 s30, v14  }
0x12e: {  	v48 =	vld.idx.msk [tilespmem:v62+s24+$0x0], $0xffff;
	v53 =	vor.u32 s31, v14  }
0x12f: {  	v54 =	vor.u32 s30, v15;
	v56 =	vld.idx.msk [tilespmem:v63+s24+$0x0], $0xffff  }
0x130: {  	v57 =	vor.u32 s31, v15;
	v24 =	vmul.f32 v26, v24;
	v58 =	vld.idx.msk [tilespmem:v50+s25+$0x0], $0xffff  }
0x131: {  	v25 =	vmul.f32 v27, v25;
	v59 =	vld.idx.msk [tilespmem:v51+s25+$0x0], $0xffff;
	v28 =	vmul.f32 v30, v28  }
0x132: {  	v29 =	vmul.f32 v31, v29;
	v60 =	vld.idx.msk [tilespmem:v52+s24+$0x0], $0xffff;
	v61 =	vmul.f32 v34, v32  }
0x133: {  	v62 =	vmul.f32 v35, v33;
	v63 =	vld.idx.msk [tilespmem:v53+s25+$0x0], $0xffff;
	v36 =	vmul.f32 v38, v36;
	v24 =	vadd.f32 v25, v24  }
0x134: {  	v38 =	vmul.f32 v39, v37;
	v39 =	vld.idx.msk [tilespmem:v54+s24+$0x0], $0xffff;
	v40 =	vmul.f32 v42, v40;
	v28 =	vadd.f32 v29, v28  }
0x135: {  	v41 =	vmul.f32 v43, v41;
	v27 =	vld.idx.msk [tilespmem:v57+s25+$0x0], $0xffff;
	(xrf2) =	vadd.scan.msk.f32 $0xffff, v24;
	v24 =	vadd.f32 v62, v61  }
0x136: {  	v43 =	vmul.f32 v46, v44;
	v44 =	vmul.f32 v47, v45;
	v42 =	vadd.f32 v38, v36;
	(xrf2) =	vadd.scan.msk.f32 $0xffff, v28  }
0x137: {  	v45 =	vadd.f32 v41, v40;
	(xrf2) =	vadd.scan.msk.f32 $0xffff, v24  }
0x138: {  	v47 =	vadd.f32 v44, v43;
	v46 =	vmul.f32 v58, v48;
	v25 =	vmul.f32 v59, v56;
	(xrf2) =	vadd.scan.msk.f32 $0xffff, v42  }
0x139: {  	v21 =	vbroadcast v21, $0xF;
	v23 =	vbroadcast v23, $0xF;
	(xrf2) =	vadd.scan.msk.f32 $0xffff, v45  }
0x13a: {  	v22 =	vbroadcast v22, $0xF;
	v17 =	vbroadcast v17, $0xF;
	v49 =	vadd.f32 v25, v46;
	(xrf2) =	vadd.scan.msk.f32 $0xffff, v47  }
0x13b: {  	v21 =	vsel vm0, v21, v23;
	v48 =	vmul.f32 v63, v60;
	v50 =	vmul.f32 v27, v39  }
0x13c: {  	v21 =	vsel vm1, v21, v22;
	v18 =	vbroadcast v18, $0xF;
	(xrf2) =	vadd.scan.msk.f32 $0xffff, v49  }
0x13d: {  	v17 =	vsel vm2, v21, v17;
	v19 =	vbroadcast v19, $0xF;
	v51 =	vadd.f32 v50, v48  }
0x13e: {  	v17 =	vsel vm3, v17, v18;
	v52 =	vbroadcast v20, $0xF  }
0x13f: {  	v17 =	vsel vm4, v17, v19;
	v16 =	vbroadcast v16, $0xF;
	(xrf2) =	vadd.scan.msk.f32 $0xffff, v51;
	v53, _, _ =	vpop (xrf2)  }
0x140: {  	v17 =	vsel vm5, v17, v52;
	v54, _, _ =	vpop (xrf2);
	v55 =	vbroadcast v53, $0xF  }
0x141: {  	v16 =	vsel vm6, v17, v16;
	v56, _, _ =	vpop (xrf2);
	v17 =	vbroadcast v54, $0xF  }
0x142: {  	v57, _, _ =	vpop (xrf2);
	v16 =	vsel vm7, v16, v55;
	v58 =	vbroadcast v56, $0xF  }
0x143: {  	v59, _, _ =	vpop (xrf2);
	v16 =	vsel vm8, v16, v17;
	v17 =	vbroadcast v57, $0xF  }
0x144: {  	v60, _, _ =	vpop (xrf2);
	v16 =	vsel vm9, v16, v58  }
0x145: {  	v61 =	vbroadcast v59, $0xF;
	v16 =	vsel vm10, v16, v17;
	v17 =	vbroadcast v60, $0xF  }
0x146: {  	p0 =	sne.s32 s8, $0x7C0;
	v62, _, _ =	vpop (xrf2)  }
.Ltmp0:
0x147: {  	v16 =	vsel vm11, v16, v61;
	v63 =	vbroadcast v62, $0xF;
	(pc) =	sbr.rel @p0 .LBB2_2-.Ltmp0, $4  }
0x148: {  	v16 =	vsel vm12, v16, v17  }
0x149: {  	v16 =	vsel vm13, v16, v63;
	v17, _, _ =	vpop (xrf2)  }
0x14a: {  	s8 =	sadd.s32 $0x40, s8;
	s15 =	simm.s32 $0x3400;
	v16 =	vsel vm14, v16, v17  }
0x14b: {  	s10 =	simm.s32 $0x2400;
	s17 =	simm.s32 $0x4400;
	s7 =	simm.s32 $0x1400;
	[tilespmem:s9+$0x10400] =	vst v16  }
0x14c: {  	s9 =	simm.s32 $0x0;
	s0 =	rddreg [dreg:$0xe];
	s3 =	simm.s32 $0x10400  }
0x14d: {  	[hbm4b:s0+s9] =	stream.linear.scatter [tilespmem:s3], [sflag:$0x3], $0x200, $0x38;
	[tilespmem:$0x10600] =	vst v63  }
0x14e: {  	s3 =	simm.s32 $0x3  }
0x14f: {  	_ =	swait.ge [sflag:s3], $0x200  }
0x150: {  	s4 =	rddreg [dreg:$0x10]  }
0x151: {  	s31 =	rddreg [dreg:$0xf];
	s4 =	sadd.s32 $0x1, s4  }
0x152: {  	p0 =	sne.s32 s4, s31  }
.Ltmp1:
0x153: {  	_ = 	snop;
	(pc) =	sbr.rel @p0 .LBB2_1-.Ltmp1, $3  }
0x154: {  	_ =	sdelay $0x1  }
0x155: {  	[sflag:s3] =	ssyncset.done $0x0  }
0x156: {  	[sflag:s3] =	ssyncadd.s32 $0xFFFFFE00  }
0x157: {  	_ =	sfence.sel $0x180000  }
0x158: {  	[bflag:$0x0] =	sbarrier.arrive $0xFFFF  }
0x159: {  	_ =	strace $0x90000047  }
0x15a: {  	s0 =	stileid.u32;
	[bflag:$0x2] =	sbarrier.arrive $0xFFFF  }
0x15b: {  	p0 =	sne.s32 s0, $0x0;
	s0 =	rddreg [dreg:$0x5]  }
0x15c: {  	s0 =	sadd.s32 @!p0 $0x100000, s0  }
0x15d: {  	[sflag:s0] =	ssyncadd.tile.s32 @!p0 $0x1;
	_ =	shalt  }
.Lfunc_end2:
_tile_overlayer_lowered:
.L_overlay_start_2:
0x15e: {  	(tag) =	ssettag $0x2  }
0x15f: {  	s0 =	rddreg [dreg:$0x0];
	s2 =	stileid.u32  }
0x160: {  	s1 =	rddreg [dreg:$0x1];
	p0 =	sne.s32 s2, $0x0  }
0x161: {  	s3 =	rddreg [dreg:$0x2];
	[bflag:$0x3] =	sbarrier.arrive $0xFFFF;
	s2 =	simm.s32 @!p0 $0x1C03  }
0x162: {  	[timem:s3], [sflag:s2] =	dma.local @!p0 [hbm:s0], s1  }
0x163: {  	s0 =	simm.s32 @!p0 $0x3  }
0x164: {  	_ =	swait.ge @!p0 [sflag:s0], s1  }
0x165: {  	s1 =	ssub.s32 @!p0 $0x0, s1;
	[sflag:s0] =	ssyncset.done @!p0 $0x0  }
0x166: {  	[sflag:s0] =	ssyncadd.s32 @!p0 s1  }
0x167: {  	[bflag:$0x3] =	sbarrier.arrive $0xFFFF  }
0x168: {  	_ =	shalt  }

</sc_bundles>
